<compile_context>
chip_gen: v7x
topology: tpu7x:2x2x1
jax: 0.10.2.dev20260603
libtpu: 0.0.44.dev20260713+nightly
codegen_flags: <defaults>
</compile_context>

<pallas_src>
import functools

import jax
import jax.numpy as jnp
from jax import lax
from jax.experimental import pallas as pl
from jax.experimental.pallas import tpu as pltpu
from jax.experimental.pallas import tpu_sc as plsc

N = 10000
K = 16
MAX_ELEM = 100
ELEM_PAD = 112
NULL_ELEM = 100
ATOM_D = 128
DIR_IN = 10
DIR_PAD = 10
DIR_D = 32
DIST_IN = 64
DIST_D = 64
RECV_D = DIR_D + ATOM_D
GND_D = K * DIR_PAD

NW = 32
N_PAD = 10240
ROWS_W = N_PAD // NW
CGRP = 32
GGRP = 64
NDIR_RB = 8
EPS = 1e-5


def _silu(x):
    return x * (1.0 / (1.0 + jnp.exp(-x)))


def _node_body(an_ref, ndir_ref, mask_ref, nl_ref,
               tgt_tab_ref, wtd_ref, btd_ref,
               recv_ref, mnl_ref, inv_ref):
    bn = an_ref.shape[0]
    a = an_ref[...]
    oh = (lax.broadcasted_iota(jnp.int32, (bn, MAX_ELEM), 1) == a)
    oh = oh.astype(jnp.float32)
    ta = oh @ tgt_tab_ref[...]
    nd = ndir_ref[...]
    td = _silu(nd @ wtd_ref[...] + btd_ref[...])
    m = mask_ref[...]
    cnt_raw = m.sum(axis=1, keepdims=True)
    cnt = cnt_raw + EPS
    inv = 1.0 / cnt
    scale = cnt_raw * inv
    pid = pl.program_id(0)
    rows = pid * bn + lax.broadcasted_iota(jnp.int32, (bn, 1), 0)
    recv_ref[...] = jnp.concatenate([td, ta], axis=1) * scale
    mnl_ref[...] = jnp.where((m > 0.5) & (rows < N), nl_ref[...], N)
    inv_ref[...] = jnp.broadcast_to(inv, (bn, K))


def _node_call(an2d, ndir, maskf, nl, tgt_tab, wtd, btd):
    bn = 2048
    grid = (N_PAD // bn,)
    row_spec = lambda d: pl.BlockSpec((bn, d), lambda i: (i, 0))
    full = lambda shape: pl.BlockSpec(shape, lambda i: (0, 0))
    return pl.pallas_call(
        _node_body,
        grid=grid,
        in_specs=[
            row_spec(1), row_spec(DIR_IN), row_spec(K), row_spec(K),
            full((MAX_ELEM, ATOM_D)),
            full((DIR_IN, DIR_D)), full((1, DIR_D)),
        ],
        out_specs=[row_spec(RECV_D), row_spec(K), row_spec(K)],
        out_shape=[
            jax.ShapeDtypeStruct((N_PAD, RECV_D), jnp.float32),
            jax.ShapeDtypeStruct((N_PAD, K), jnp.int32),
            jax.ShapeDtypeStruct((N_PAD, K), jnp.float32),
        ],
    )(an2d, ndir, maskf, nl, tgt_tab, wtd, btd)


def _edge_body(e_ref, m_ref, wd_ref, bd_ref, out_ref):
    be = m_ref.shape[0]
    m = m_ref[...]
    w = m / (m.sum(axis=1, keepdims=True) + EPS)
    x = e_ref[...]
    wd = wd_ref[...].astype(jnp.bfloat16)
    acc = jnp.zeros((be, DIST_D), jnp.float32)
    for k in range(K):
        xk = x[:, k * DIST_IN:(k + 1) * DIST_IN]
        h = jax.lax.dot(xk.astype(jnp.bfloat16), wd,
                        preferred_element_type=jnp.float32) + bd_ref[...]
        acc = acc + _silu(h) * w[:, k:k + 1]
    out_ref[...] = acc


def _edge_call(edist2d, maskf, wd, bd):
    be = 2000
    grid = (N // be,)
    return pl.pallas_call(
        _edge_body,
        grid=grid,
        in_specs=[
            pl.BlockSpec((be, K * DIST_IN), lambda i: (i, 0)),
            pl.BlockSpec((be, K), lambda i: (i, 0)),
            pl.BlockSpec((DIST_IN, DIST_D), lambda i: (0, 0)),
            pl.BlockSpec((1, DIST_D), lambda i: (0, 0)),
        ],
        out_specs=pl.BlockSpec((be, DIST_D), lambda i: (i, 0)),
        out_shape=jax.ShapeDtypeStruct((N, DIST_D), jnp.float32),
    )(edist2d, maskf, wd, bd)


_SC_PARAMS = pltpu.CompilerParams(
    use_tc_tiling_on_sc=False, needs_layout_passes=False)


def _sc_hist_body(an_hbm, mnl_hbm, counts_hbm, an_v, mnl_v, cnt_v):
    c = lax.axis_index("c")
    s = lax.axis_index("s")
    wid = s * 2 + c
    base = wid * ROWS_W
    pltpu.sync_copy(an_hbm, an_v)
    pltpu.sync_copy(mnl_hbm.at[pl.ds(base, ROWS_W)], mnl_v)
    ones = jnp.ones((16,), jnp.float32)
    zeros = jnp.zeros((16,), jnp.float32)

    @pl.loop(0, ROWS_W // CGRP)
    def _cgrp(g):
        @pl.loop(0, CGRP)
        def _node(n):
            idx16 = mnl_v[g * CGRP + n, :]
            eids = plsc.load_gather(an_v, [idx16])
            for cc in range(ELEM_PAD // 16):
                cnt_v[n, pl.ds(cc * 16, 16)] = zeros
            plsc.addupdate_scatter(
                cnt_v, [jnp.full((16,), n, jnp.int32), eids], ones)
        pltpu.sync_copy(cnt_v, counts_hbm.at[pl.ds(base + g * CGRP, CGRP)])


def _sc_gnd_body(mnl_hbm, ndir_hbm, gnd_hbm, mnl_v, ndir_v, gnd_v0, gnd_v1,
                 sem0, sem1):
    c = lax.axis_index("c")
    s = lax.axis_index("s")
    wid = s * 2 + c
    base = wid * ROWS_W
    pltpu.sync_copy(mnl_hbm.at[pl.ds(base, ROWS_W)], mnl_v)
    pltpu.sync_copy(ndir_hbm, ndir_v)
    lane = lax.broadcasted_iota(jnp.int32, (16,), 0)

    bufs = (gnd_v0, gnd_v1)
    sems = (sem0, sem1)
    n_grps = ROWS_W // GGRP
    cps = [None] * n_grps
    for g in range(n_grps):
        buf = bufs[g % 2]
        if g >= 2:
            cps[g - 2].wait()

        @pl.loop(0, GGRP)
        def _node(n):
            idx16 = jnp.minimum(mnl_v[g * GGRP + n, :], N - 1)
            rowi = jax.lax.shift_right_logical(idx16, 3)
            coli = (idx16 & 7) * DIR_IN
            rown = jnp.full((16,), n, jnp.int32)
            for f in range(DIR_IN):
                v = plsc.load_gather(ndir_v, [rowi, coli + f])
                plsc.store_scatter(buf, [rown, lane * DIR_PAD + f], v)

        cps[g] = pltpu.async_copy(
            buf, gnd_hbm.at[pl.ds(base + g * GGRP, GGRP)], sems[g % 2])
    for g in range(max(0, n_grps - 2), n_grps):
        cps[g].wait()


def _sc_call(an_p, mnl, ndir):
    mesh = plsc.VectorSubcoreMesh(core_axis_name="c", subcore_axis_name="s")
    counts = pl.kernel(
        _sc_hist_body,
        out_type=jax.ShapeDtypeStruct((N_PAD, ELEM_PAD), jnp.float32),
        mesh=mesh,
        scratch_types=[
            pltpu.VMEM((N_PAD,), jnp.int32),
            pltpu.VMEM((ROWS_W, K), jnp.int32),
            pltpu.VMEM((CGRP, ELEM_PAD), jnp.float32),
        ],
        compiler_params=_SC_PARAMS,
    )(an_p, mnl)
    gnd = pl.kernel(
        _sc_gnd_body,
        out_type=jax.ShapeDtypeStruct((N_PAD, GND_D), jnp.float32),
        mesh=mesh,
        scratch_types=[
            pltpu.VMEM((ROWS_W, K), jnp.int32),
            pltpu.VMEM((N // NDIR_RB, NDIR_RB * DIR_IN), jnp.float32),
            pltpu.VMEM((GGRP, GND_D), jnp.float32),
            pltpu.VMEM((GGRP, GND_D), jnp.float32),
            pltpu.SemaphoreType.DMA,
            pltpu.SemaphoreType.DMA,
        ],
        compiler_params=_SC_PARAMS,
    )(mnl, ndir.reshape(N // NDIR_RB, NDIR_RB * DIR_IN))
    return counts, gnd


def _final_body(de_ref, cnt_ref, gnd_ref, m_ref, inv_ref, recv_ref,
                tab_ref, wbd_ref, bsd_ref, out_ref):
    bn = m_ref.shape[0]
    m = m_ref[...]
    w = m / (m.sum(axis=1, keepdims=True) + EPS)
    g = gnd_ref[...].astype(jnp.bfloat16)
    h = jax.lax.dot(g, wbd_ref[...],
                    preferred_element_type=jnp.float32) + bsd_ref[...]
    h = _silu(h)
    accsd = jnp.zeros((bn, DIR_D), jnp.float32)
    for k in range(K):
        accsd = accsd + h[:, k * DIR_D:(k + 1) * DIR_D] * w[:, k:k + 1]
    sa = jax.lax.dot(cnt_ref[...].astype(jnp.bfloat16), tab_ref[...],
                     preferred_element_type=jnp.float32) * inv_ref[:, 0:1]
    out_ref[...] = jnp.concatenate(
        [de_ref[...], accsd, sa, recv_ref[...]], axis=1)


def _final_call(out_de, counts, gnd, maskf, inv16, recv, tab_pad, wbd, bsd16):
    bn = 2000
    grid = (N // bn,)
    row_spec = lambda d: pl.BlockSpec((bn, d), lambda i: (i, 0))
    full = lambda shape: pl.BlockSpec(shape, lambda i: (0, 0))
    return pl.pallas_call(
        _final_body,
        grid=grid,
        in_specs=[
            row_spec(DIST_D), row_spec(ELEM_PAD), row_spec(GND_D),
            row_spec(K), row_spec(K), row_spec(RECV_D),
            full((ELEM_PAD, ATOM_D)), full((GND_D, K * DIR_D)),
            full((1, K * DIR_D)),
        ],
        out_specs=row_spec(DIST_D + DIR_D + ATOM_D + RECV_D),
        out_shape=jax.ShapeDtypeStruct((N, 384), jnp.float32),
    )(out_de, counts, gnd, maskf, inv16, recv, tab_pad, wbd, bsd16)


def kernel(atomic_numbers, node_direction_expansion, edge_distance_expansion,
           neighbor_list, neighbor_mask, src_atom_table, tgt_atom_table,
           W_src_dir, b_src_dir, W_tgt_dir, b_tgt_dir, W_dist, b_dist):
    an = atomic_numbers.astype(jnp.int32)
    an_p = jnp.pad(an, (0, N_PAD - N), constant_values=NULL_ELEM)
    maskf = neighbor_mask.astype(jnp.float32)
    nl = neighbor_list.astype(jnp.int32)

    out_de = _edge_call(edge_distance_expansion.reshape(N, K * DIST_IN),
                        maskf, W_dist, b_dist.reshape(1, DIST_D))

    recv, mnl, inv16 = _node_call(
        an.reshape(N, 1), node_direction_expansion, maskf, nl,
        tgt_atom_table, W_tgt_dir, b_tgt_dir.reshape(1, DIR_D))

    counts, gnd = _sc_call(an_p, mnl, node_direction_expansion)

    tab_pad = jnp.pad(src_atom_table, ((0, ELEM_PAD - MAX_ELEM), (0, 0)))
    tab_bf = tab_pad.astype(jnp.bfloat16)
    wbd = jnp.kron(jnp.eye(K, dtype=jnp.float32), W_src_dir)
    wbd_bf = wbd.astype(jnp.bfloat16)
    bsd16 = jnp.tile(b_src_dir, K).reshape(1, K * DIR_D)

    return _final_call(out_de, counts, gnd, maskf, inv16, recv,
                       tab_bf, wbd_bf, bsd16)

# --- scband reference (transcript-rebuilt; emitter-appended) ---
"""Pipeline reference for scband-base-graph-neural-network-layer-27298812133763 (READ-ONLY COPY).

The authoritative reference and input builder live on the scoring server;
editing this copy changes nothing except your own understanding.
"""

import jax, jax.numpy as jnp
import numpy as np

N = 10000
K = 16
MAX_ELEM = 100
ATOM_D = 128
DIR_IN = 10
DIR_D = 32
DIST_IN = 64
DIST_D = 64


def setup_inputs(seed: int = 0) -> dict:
    key = jax.random.key(seed)
    ks = jax.random.split(key, 12)
    atomic_numbers = jax.random.randint(ks[0], (N,), 0, MAX_ELEM)
    node_direction_expansion = jax.random.normal(ks[1], (N, DIR_IN), dtype=jnp.float32)
    edge_distance_expansion = jax.random.normal(ks[2], (N, K, DIST_IN), dtype=jnp.float32)
    neighbor_list = jax.random.randint(ks[3], (N, K), 0, N)
    neighbor_mask = jax.random.randint(ks[4], (N, K), 0, 2).astype(bool)
    src_atom_table = jax.random.uniform(ks[5], (MAX_ELEM, ATOM_D), minval=-0.001, maxval=0.001, dtype=jnp.float32)
    tgt_atom_table = jax.random.uniform(ks[6], (MAX_ELEM, ATOM_D), minval=-0.001, maxval=0.001, dtype=jnp.float32)
    W_src_dir = jax.random.normal(ks[7], (DIR_IN, DIR_D), dtype=jnp.float32) * 0.02
    b_src_dir = jnp.zeros((DIR_D,), dtype=jnp.float32)
    W_tgt_dir = jax.random.normal(ks[8], (DIR_IN, DIR_D), dtype=jnp.float32) * 0.02
    b_tgt_dir = jnp.zeros((DIR_D,), dtype=jnp.float32)
    W_dist = jax.random.normal(ks[9], (DIST_IN, DIST_D), dtype=jnp.float32) * 0.02
    b_dist = jnp.zeros((DIST_D,), dtype=jnp.float32)
    return {
        "atomic_numbers": atomic_numbers,
        "node_direction_expansion": node_direction_expansion,
        "edge_distance_expansion": edge_distance_expansion,
        "neighbor_list": neighbor_list,
        "neighbor_mask": neighbor_mask,
        "src_atom_table": src_atom_table,
        "tgt_atom_table": tgt_atom_table,
        "W_src_dir": W_src_dir,
        "b_src_dir": b_src_dir,
        "W_tgt_dir": W_tgt_dir,
        "b_tgt_dir": b_tgt_dir,
        "W_dist": W_dist,
        "b_dist": b_dist,
    }


def _map_sender_receiver(sender, receiver, neighbor_list):
    # sender gathered along neighbor axis; receiver broadcast over neighbors
    s = jnp.take(sender, neighbor_list, axis=0)  # (N, K, d)
    r = jnp.broadcast_to(receiver[:, None, :], (receiver.shape[0], neighbor_list.shape[1], receiver.shape[1]))
    return s, r


def reference(atomic_numbers, node_direction_expansion, edge_distance_expansion, neighbor_list, neighbor_mask, src_atom_table, tgt_atom_table, W_src_dir, b_src_dir, W_tgt_dir, b_tgt_dir, W_dist, b_dist):
    # get_edge_features
    sa = jnp.take(src_atom_table, atomic_numbers, axis=0)  # (N, ATOM_D)
    ta = jnp.take(tgt_atom_table, atomic_numbers, axis=0)
    sa_e, ta_e = _map_sender_receiver(sa, ta, neighbor_list)
    sd = jax.nn.silu(node_direction_expansion @ W_src_dir + b_src_dir)
    td = jax.nn.silu(node_direction_expansion @ W_tgt_dir + b_tgt_dir)
    sd_e, td_e = _map_sender_receiver(sd, td, neighbor_list)
    de = jax.nn.silu(edge_distance_expansion @ W_dist + b_dist)  # (N, K, DIST_D)
    edge_features = jnp.concatenate([de, sd_e, sa_e, td_e, ta_e], axis=-1)  # (N, K, 384)
    # aggregate
    m = neighbor_mask.astype(edge_features.dtype)
    neighbor_count = m.sum(axis=1, keepdims=True) + 1e-05  # (N, 1)
    out = (edge_features * m[:, :, None]).sum(axis=1) / neighbor_count  # (N, 384)
    return out

if __name__ == "__main__":
    import jax
    _d = setup_inputs()
    print(jax.jit(kernel)(*tuple(_d.values())))

</pallas_src>

<mosaic_0001>
#map = affine_map<(d0, d1) -> (0, 0)>
module attributes {stable_mosaic.version = 14 : i64} {
  func.func @_sc_gnd_body(%arg0: i32, %arg1: i32, %arg2: memref<10240x16xi32, #tpu.memory_space<hbm>>, %arg3: memref<1250x80xf32, #tpu.memory_space<hbm>>, %arg4: memref<10240x160xf32, #tpu.memory_space<hbm>>, %arg5: memref<320x16xi32, #tpu.memory_space<vmem>>, %arg6: memref<1250x80xf32, #tpu.memory_space<vmem>>, %arg7: memref<64x160xf32, #tpu.memory_space<vmem>>, %arg8: memref<64x160xf32, #tpu.memory_space<vmem>>, %arg9: memref<!tpu.dma_semaphore, #tpu.memory_space<semaphore_mem>>, %arg10: memref<!tpu.dma_semaphore, #tpu.memory_space<semaphore_mem>>) attributes {dimension_semantics = [#tpu.dimension_semantics<core_parallel>, #tpu.dimension_semantics<subcore_parallel>], iteration_bounds = array<i64: 2, 16>, scalar_prefetch = 0 : i64, scratch_operands = 6 : i64, tpu.core_type = #tpu.core_type<sc_vector_subcore>, window_params = [{transform_indices = #map}, {transform_indices = #map}, {transform_indices = #map}]} {
    %mul3A = arith.constant 2 : i32
    %mul3A_0 = arith.muli %arg1, %mul3A : i32
    %add3A = arith.addi %mul3A_0, %arg0 : i32
    %mul3A_1 = arith.constant 320 : i32
    %mul3A_2 = arith.muli %add3A, %mul3A_1 : i32
    "tpu.region"() ({
      %run_scoped3A = tpu.sem_alloc : memref<!tpu.dma_semaphore, #tpu.memory_space<semaphore_mem>>
      %dma_start3A_75 = arith.constant 0 : i32
      %dma_start3A_76 = tpu.memref_slice %arg2[%mul3A_2, %dma_start3A_75] : memref<10240x16xi32, #tpu.memory_space<hbm>> -> memref<320x16xi32, #tpu.memory_space<hbm>>
      %dma_start3A_77 = arith.constant 0 : i32
      %dma_start3A_78 = tpu.memref_slice %arg2[%mul3A_2, %dma_start3A_77] : memref<10240x16xi32, #tpu.memory_space<hbm>> -> memref<320x16xi32, #tpu.memory_space<hbm>>
      tpu.enqueue_dma source(%dma_start3A_78 : memref<320x16xi32, #tpu.memory_space<hbm>>) target(%arg5 : memref<320x16xi32, #tpu.memory_space<vmem>>) target_semaphore(%run_scoped3A : memref<!tpu.dma_semaphore, #tpu.memory_space<semaphore_mem>>)
      %dma_wait3A_79 = arith.constant 0 : i32
      %dma_wait3A_80 = tpu.memref_slice %arg2[%mul3A_2, %dma_wait3A_79] : memref<10240x16xi32, #tpu.memory_space<hbm>> -> memref<320x16xi32, #tpu.memory_space<hbm>>
      %dma_wait3A_81 = arith.constant 0 : i32
      %dma_wait3A_82 = tpu.memref_slice %arg2[%mul3A_2, %dma_wait3A_81] : memref<10240x16xi32, #tpu.memory_space<hbm>> -> memref<320x16xi32, #tpu.memory_space<hbm>>
      tpu.wait_dma2 semaphore(%run_scoped3A : memref<!tpu.dma_semaphore, #tpu.memory_space<semaphore_mem>>) src(%dma_wait3A_82 : memref<320x16xi32, #tpu.memory_space<hbm>>) dst(%arg5 : memref<320x16xi32, #tpu.memory_space<vmem>>)
      tpu.yield
    }) : () -> ()
    "tpu.region"() ({
      %run_scoped3A = tpu.sem_alloc : memref<!tpu.dma_semaphore, #tpu.memory_space<semaphore_mem>>
      tpu.enqueue_dma source(%arg3 : memref<1250x80xf32, #tpu.memory_space<hbm>>) target(%arg6 : memref<1250x80xf32, #tpu.memory_space<vmem>>) target_semaphore(%run_scoped3A : memref<!tpu.dma_semaphore, #tpu.memory_space<semaphore_mem>>)
      tpu.wait_dma2 semaphore(%run_scoped3A : memref<!tpu.dma_semaphore, #tpu.memory_space<semaphore_mem>>) src(%arg3 : memref<1250x80xf32, #tpu.memory_space<hbm>>) dst(%arg6 : memref<1250x80xf32, #tpu.memory_space<vmem>>)
      tpu.yield
    }) : () -> ()
    %iota3A = tpu.iota {dimensions = array<i32: 0>} : vector<16xi32>
    %scan3A = arith.constant 0 : i32
    %scan3A_3 = arith.constant 64 : i32
    %scan3A_4 = arith.addi %scan3A, %scan3A_3 : i32
    %scan3A_5 = arith.constant 1 : i32
    scf.for %scan3A_75 = %scan3A to %scan3A_4 step %scan3A_5  : i32 {
      %mul3A_76 = arith.constant 1 : i32
      %mul3A_77 = arith.muli %scan3A_75, %mul3A_76 : i32
      %add3A_78 = arith.constant 0 : i32
      %add3A_79 = arith.addi %add3A_78, %mul3A_77 : i32
      %add3A_80 = arith.constant 0 : i32
      %add3A_81 = arith.addi %add3A_80, %add3A_79 : i32
      %get3A = arith.index_cast %add3A_81 : i32 to index
      %get3A_82 = arith.constant 0 : index
      %get3A_83 = tpu.vector_load %arg5[%get3A, %get3A_82] {strides = array<i32>} : memref<320x16xi32, #tpu.memory_space<vmem>>, vector<16xi32>,
      %min3A = arith.constant 9999 : i32
      %min3A_84 = vector.broadcast %min3A : i32 to vector<16xi32>
      %min3A_85 = arith.minsi %get3A_83, %min3A_84 : vector<16xi32>
      %shift_right_logical3A = arith.constant 3 : i32
      %shift_right_logical3A_86 = vector.broadcast %shift_right_logical3A : i32 to vector<16xi32>
      %shift_right_logical3A_87 = arith.shrui %min3A_85, %shift_right_logical3A_86 : vector<16xi32>
      %and3A = arith.constant 7 : i32
      %and3A_88 = vector.broadcast %and3A : i32 to vector<16xi32>
      %and3A_89 = arith.andi %min3A_85, %and3A_88 : vector<16xi32>
      %mul3A_90 = arith.constant 10 : i32
      %mul3A_91 = vector.broadcast %mul3A_90 : i32 to vector<16xi32>
      %mul3A_92 = arith.muli %and3A_89, %mul3A_91 : vector<16xi32>
      %broadcast_in_dim3A = vector.broadcast %add3A_79 : i32 to vector<16xi32>
      %add3A_93 = arith.constant 0 : i32
      %add3A_94 = vector.broadcast %add3A_93 : i32 to vector<16xi32>
      %add3A_95 = arith.addi %mul3A_92, %add3A_94 : vector<16xi32>
      %gather3A = tpu.vector_load_idx %arg6[%shift_right_logical3A_87, %add3A_95] : memref<1250x80xf32, #tpu.memory_space<vmem>>[vector<16xi32>, vector<16xi32>], vector<16xf32>,
      %mul3A_96 = arith.constant 10 : i32
      %mul3A_97 = vector.broadcast %mul3A_96 : i32 to vector<16xi32>
      %mul3A_98 = arith.muli %iota3A, %mul3A_97 : vector<16xi32>
      %add3A_99 = arith.constant 0 : i32
      %add3A_100 = vector.broadcast %add3A_99 : i32 to vector<16xi32>
      %add3A_101 = arith.addi %mul3A_98, %add3A_100 : vector<16xi32>
      tpu.vector_store_idx %arg7[%broadcast_in_dim3A, %add3A_101], %gather3A : memref<64x160xf32, #tpu.memory_space<vmem>>[vector<16xi32>, vector<16xi32>], vector<16xf32>,
      %add3A_102 = arith.constant 1 : i32
      %add3A_103 = vector.broadcast %add3A_102 : i32 to vector<16xi32>
      %add3A_104 = arith.addi %mul3A_92, %add3A_103 : vector<16xi32>
      %gather3A_105 = tpu.vector_load_idx %arg6[%shift_right_logical3A_87, %add3A_104] : memref<1250x80xf32, #tpu.memory_space<vmem>>[vector<16xi32>, vector<16xi32>], vector<16xf32>,
      %mul3A_106 = arith.constant 10 : i32
      %mul3A_107 = vector.broadcast %mul3A_106 : i32 to vector<16xi32>
      %mul3A_108 = arith.muli %iota3A, %mul3A_107 : vector<16xi32>
      %add3A_109 = arith.constant 1 : i32
      %add3A_110 = vector.broadcast %add3A_109 : i32 to vector<16xi32>
      %add3A_111 = arith.addi %mul3A_108, %add3A_110 : vector<16xi32>
      tpu.vector_store_idx %arg7[%broadcast_in_dim3A, %add3A_111], %gather3A_105 : memref<64x160xf32, #tpu.memory_space<vmem>>[vector<16xi32>, vector<16xi32>], vector<16xf32>,
      %add3A_112 = arith.constant 2 : i32
      %add3A_113 = vector.broadcast %add3A_112 : i32 to vector<16xi32>
      %add3A_114 = arith.addi %mul3A_92, %add3A_113 : vector<16xi32>
      %gather3A_115 = tpu.vector_load_idx %arg6[%shift_right_logical3A_87, %add3A_114] : memref<1250x80xf32, #tpu.memory_space<vmem>>[vector<16xi32>, vector<16xi32>], vector<16xf32>,
      %mul3A_116 = arith.constant 10 : i32
      %mul3A_117 = vector.broadcast %mul3A_116 : i32 to vector<16xi32>
      %mul3A_118 = arith.muli %iota3A, %mul3A_117 : vector<16xi32>
      %add3A_119 = arith.constant 2 : i32
      %add3A_120 = vector.broadcast %add3A_119 : i32 to vector<16xi32>
      %add3A_121 = arith.addi %mul3A_118, %add3A_120 : vector<16xi32>
      tpu.vector_store_idx %arg7[%broadcast_in_dim3A, %add3A_121], %gather3A_115 : memref<64x160xf32, #tpu.memory_space<vmem>>[vector<16xi32>, vector<16xi32>], vector<16xf32>,
      %add3A_122 = arith.constant 3 : i32
      %add3A_123 = vector.broadcast %add3A_122 : i32 to vector<16xi32>
      %add3A_124 = arith.addi %mul3A_92, %add3A_123 : vector<16xi32>
      %gather3A_125 = tpu.vector_load_idx %arg6[%shift_right_logical3A_87, %add3A_124] : memref<1250x80xf32, #tpu.memory_space<vmem>>[vector<16xi32>, vector<16xi32>], vector<16xf32>,
      %mul3A_126 = arith.constant 10 : i32
      %mul3A_127 = vector.broadcast %mul3A_126 : i32 to vector<16xi32>
      %mul3A_128 = arith.muli %iota3A, %mul3A_127 : vector<16xi32>
      %add3A_129 = arith.constant 3 : i32
      %add3A_130 = vector.broadcast %add3A_129 : i32 to vector<16xi32>
      %add3A_131 = arith.addi %mul3A_128, %add3A_130 : vector<16xi32>
      tpu.vector_store_idx %arg7[%broadcast_in_dim3A, %add3A_131], %gather3A_125 : memref<64x160xf32, #tpu.memory_space<vmem>>[vector<16xi32>, vector<16xi32>], vector<16xf32>,
      %add3A_132 = arith.constant 4 : i32
      %add3A_133 = vector.broadcast %add3A_132 : i32 to vector<16xi32>
      %add3A_134 = arith.addi %mul3A_92, %add3A_133 : vector<16xi32>
      %gather3A_135 = tpu.vector_load_idx %arg6[%shift_right_logical3A_87, %add3A_134] : memref<1250x80xf32, #tpu.memory_space<vmem>>[vector<16xi32>, vector<16xi32>], vector<16xf32>,
      %mul3A_136 = arith.constant 10 : i32
      %mul3A_137 = vector.broadcast %mul3A_136 : i32 to vector<16xi32>
      %mul3A_138 = arith.muli %iota3A, %mul3A_137 : vector<16xi32>
      %add3A_139 = arith.constant 4 : i32
      %add3A_140 = vector.broadcast %add3A_139 : i32 to vector<16xi32>
      %add3A_141 = arith.addi %mul3A_138, %add3A_140 : vector<16xi32>
      tpu.vector_store_idx %arg7[%broadcast_in_dim3A, %add3A_141], %gather3A_135 : memref<64x160xf32, #tpu.memory_space<vmem>>[vector<16xi32>, vector<16xi32>], vector<16xf32>,
      %add3A_142 = arith.constant 5 : i32
      %add3A_143 = vector.broadcast %add3A_142 : i32 to vector<16xi32>
      %add3A_144 = arith.addi %mul3A_92, %add3A_143 : vector<16xi32>
      %gather3A_145 = tpu.vector_load_idx %arg6[%shift_right_logical3A_87, %add3A_144] : memref<1250x80xf32, #tpu.memory_space<vmem>>[vector<16xi32>, vector<16xi32>], vector<16xf32>,
      %mul3A_146 = arith.constant 10 : i32
      %mul3A_147 = vector.broadcast %mul3A_146 : i32 to vector<16xi32>
      %mul3A_148 = arith.muli %iota3A, %mul3A_147 : vector<16xi32>
      %add3A_149 = arith.constant 5 : i32
      %add3A_150 = vector.broadcast %add3A_149 : i32 to vector<16xi32>
      %add3A_151 = arith.addi %mul3A_148, %add3A_150 : vector<16xi32>
      tpu.vector_store_idx %arg7[%broadcast_in_dim3A, %add3A_151], %gather3A_145 : memref<64x160xf32, #tpu.memory_space<vmem>>[vector<16xi32>, vector<16xi32>], vector<16xf32>,
      %add3A_152 = arith.constant 6 : i32
      %add3A_153 = vector.broadcast %add3A_152 : i32 to vector<16xi32>
      %add3A_154 = arith.addi %mul3A_92, %add3A_153 : vector<16xi32>
      %gather3A_155 = tpu.vector_load_idx %arg6[%shift_right_logical3A_87, %add3A_154] : memref<1250x80xf32, #tpu.memory_space<vmem>>[vector<16xi32>, vector<16xi32>], vector<16xf32>,
      %mul3A_156 = arith.constant 10 : i32
      %mul3A_157 = vector.broadcast %mul3A_156 : i32 to vector<16xi32>
      %mul3A_158 = arith.muli %iota3A, %mul3A_157 : vector<16xi32>
      %add3A_159 = arith.constant 6 : i32
      %add3A_160 = vector.broadcast %add3A_159 : i32 to vector<16xi32>
      %add3A_161 = arith.addi %mul3A_158, %add3A_160 : vector<16xi32>
      tpu.vector_store_idx %arg7[%broadcast_in_dim3A, %add3A_161], %gather3A_155 : memref<64x160xf32, #tpu.memory_space<vmem>>[vector<16xi32>, vector<16xi32>], vector<16xf32>,
      %add3A_162 = arith.constant 7 : i32
      %add3A_163 = vector.broadcast %add3A_162 : i32 to vector<16xi32>
      %add3A_164 = arith.addi %mul3A_92, %add3A_163 : vector<16xi32>
      %gather3A_165 = tpu.vector_load_idx %arg6[%shift_right_logical3A_87, %add3A_164] : memref<1250x80xf32, #tpu.memory_space<vmem>>[vector<16xi32>, vector<16xi32>], vector<16xf32>,
      %mul3A_166 = arith.constant 10 : i32
      %mul3A_167 = vector.broadcast %mul3A_166 : i32 to vector<16xi32>
      %mul3A_168 = arith.muli %iota3A, %mul3A_167 : vector<16xi32>
      %add3A_169 = arith.constant 7 : i32
      %add3A_170 = vector.broadcast %add3A_169 : i32 to vector<16xi32>
      %add3A_171 = arith.addi %mul3A_168, %add3A_170 : vector<16xi32>
      tpu.vector_store_idx %arg7[%broadcast_in_dim3A, %add3A_171], %gather3A_165 : memref<64x160xf32, #tpu.memory_space<vmem>>[vector<16xi32>, vector<16xi32>], vector<16xf32>,
      %add3A_172 = arith.constant 8 : i32
      %add3A_173 = vector.broadcast %add3A_172 : i32 to vector<16xi32>
      %add3A_174 = arith.addi %mul3A_92, %add3A_173 : vector<16xi32>
      %gather3A_175 = tpu.vector_load_idx %arg6[%shift_right_logical3A_87, %add3A_174] : memref<1250x80xf32, #tpu.memory_space<vmem>>[vector<16xi32>, vector<16xi32>], vector<16xf32>,
      %mul3A_176 = arith.constant 10 : i32
      %mul3A_177 = vector.broadcast %mul3A_176 : i32 to vector<16xi32>
      %mul3A_178 = arith.muli %iota3A, %mul3A_177 : vector<16xi32>
      %add3A_179 = arith.constant 8 : i32
      %add3A_180 = vector.broadcast %add3A_179 : i32 to vector<16xi32>
      %add3A_181 = arith.addi %mul3A_178, %add3A_180 : vector<16xi32>
      tpu.vector_store_idx %arg7[%broadcast_in_dim3A, %add3A_181], %gather3A_175 : memref<64x160xf32, #tpu.memory_space<vmem>>[vector<16xi32>, vector<16xi32>], vector<16xf32>,
      %add3A_182 = arith.constant 9 : i32
      %add3A_183 = vector.broadcast %add3A_182 : i32 to vector<16xi32>
      %add3A_184 = arith.addi %mul3A_92, %add3A_183 : vector<16xi32>
      %gather3A_185 = tpu.vector_load_idx %arg6[%shift_right_logical3A_87, %add3A_184] : memref<1250x80xf32, #tpu.memory_space<vmem>>[vector<16xi32>, vector<16xi32>], vector<16xf32>,
      %mul3A_186 = arith.constant 10 : i32
      %mul3A_187 = vector.broadcast %mul3A_186 : i32 to vector<16xi32>
      %mul3A_188 = arith.muli %iota3A, %mul3A_187 : vector<16xi32>
      %add3A_189 = arith.constant 9 : i32
      %add3A_190 = vector.broadcast %add3A_189 : i32 to vector<16xi32>
      %add3A_191 = arith.addi %mul3A_188, %add3A_190 : vector<16xi32>
      tpu.vector_store_idx %arg7[%broadcast_in_dim3A, %add3A_191], %gather3A_185 : memref<64x160xf32, #tpu.memory_space<vmem>>[vector<16xi32>, vector<16xi32>], vector<16xf32>,
    }
    %scan3A_6 = arith.constant 64 : i32
    %add3A_7 = arith.constant 0 : i32
    %add3A_8 = arith.addi %mul3A_2, %add3A_7 : i32
    %dma_start3A = arith.constant 0 : i32
    %dma_start3A_9 = tpu.memref_slice %arg4[%add3A_8, %dma_start3A] : memref<10240x160xf32, #tpu.memory_space<hbm>> -> memref<64x160xf32, #tpu.memory_space<hbm>>
    %dma_start3A_10 = arith.constant 0 : i32
    %dma_start3A_11 = tpu.memref_slice %arg4[%add3A_8, %dma_start3A_10] : memref<10240x160xf32, #tpu.memory_space<hbm>> -> memref<64x160xf32, #tpu.memory_space<hbm>>
    tpu.enqueue_dma source(%arg7 : memref<64x160xf32, #tpu.memory_space<vmem>>) target(%dma_start3A_11 : memref<64x160xf32, #tpu.memory_space<hbm>>) target_semaphore(%arg9 : memref<!tpu.dma_semaphore, #tpu.memory_space<semaphore_mem>>)
    %scan3A_12 = arith.constant 0 : i32
    %scan3A_13 = arith.constant 64 : i32
    %scan3A_14 = arith.addi %scan3A_12, %scan3A_13 : i32
    %scan3A_15 = arith.constant 1 : i32
    scf.for %scan3A_75 = %scan3A_12 to %scan3A_14 step %scan3A_15  : i32 {
      %mul3A_76 = arith.constant 1 : i32
      %mul3A_77 = arith.muli %scan3A_75, %mul3A_76 : i32
      %add3A_78 = arith.constant 0 : i32
      %add3A_79 = arith.addi %add3A_78, %mul3A_77 : i32
      %add3A_80 = arith.constant 64 : i32
      %add3A_81 = arith.addi %add3A_80, %add3A_79 : i32
      %get3A = arith.index_cast %add3A_81 : i32 to index
      %get3A_82 = arith.constant 0 : index
      %get3A_83 = tpu.vector_load %arg5[%get3A, %get3A_82] {strides = array<i32>} : memref<320x16xi32, #tpu.memory_space<vmem>>, vector<16xi32>,
      %min3A = arith.constant 9999 : i32
      %min3A_84 = vector.broadcast %min3A : i32 to vector<16xi32>
      %min3A_85 = arith.minsi %get3A_83, %min3A_84 : vector<16xi32>
      %shift_right_logical3A = arith.constant 3 : i32
      %shift_right_logical3A_86 = vector.broadcast %shift_right_logical3A : i32 to vector<16xi32>
      %shift_right_logical3A_87 = arith.shrui %min3A_85, %shift_right_logical3A_86 : vector<16xi32>
      %and3A = arith.constant 7 : i32
      %and3A_88 = vector.broadcast %and3A : i32 to vector<16xi32>
      %and3A_89 = arith.andi %min3A_85, %and3A_88 : vector<16xi32>
      %mul3A_90 = arith.constant 10 : i32
      %mul3A_91 = vector.broadcast %mul3A_90 : i32 to vector<16xi32>
      %mul3A_92 = arith.muli %and3A_89, %mul3A_91 : vector<16xi32>
      %broadcast_in_dim3A = vector.broadcast %add3A_79 : i32 to vector<16xi32>
      %add3A_93 = arith.constant 0 : i32
      %add3A_94 = vector.broadcast %add3A_93 : i32 to vector<16xi32>
      %add3A_95 = arith.addi %mul3A_92, %add3A_94 : vector<16xi32>
      %gather3A = tpu.vector_load_idx %arg6[%shift_right_logical3A_87, %add3A_95] : memref<1250x80xf32, #tpu.memory_space<vmem>>[vector<16xi32>, vector<16xi32>], vector<16xf32>,
      %mul3A_96 = arith.constant 10 : i32
      %mul3A_97 = vector.broadcast %mul3A_96 : i32 to vector<16xi32>
      %mul3A_98 = arith.muli %iota3A, %mul3A_97 : vector<16xi32>
      %add3A_99 = arith.constant 0 : i32
      %add3A_100 = vector.broadcast %add3A_99 : i32 to vector<16xi32>
      %add3A_101 = arith.addi %mul3A_98, %add3A_100 : vector<16xi32>
      tpu.vector_store_idx %arg8[%broadcast_in_dim3A, %add3A_101], %gather3A : memref<64x160xf32, #tpu.memory_space<vmem>>[vector<16xi32>, vector<16xi32>], vector<16xf32>,
      %add3A_102 = arith.constant 1 : i32
      %add3A_103 = vector.broadcast %add3A_102 : i32 to vector<16xi32>
      %add3A_104 = arith.addi %mul3A_92, %add3A_103 : vector<16xi32>
      %gather3A_105 = tpu.vector_load_idx %arg6[%shift_right_logical3A_87, %add3A_104] : memref<1250x80xf32, #tpu.memory_space<vmem>>[vector<16xi32>, vector<16xi32>], vector<16xf32>,
      %mul3A_106 = arith.constant 10 : i32
      %mul3A_107 = vector.broadcast %mul3A_106 : i32 to vector<16xi32>
      %mul3A_108 = arith.muli %iota3A, %mul3A_107 : vector<16xi32>
      %add3A_109 = arith.constant 1 : i32
      %add3A_110 = vector.broadcast %add3A_109 : i32 to vector<16xi32>
      %add3A_111 = arith.addi %mul3A_108, %add3A_110 : vector<16xi32>
      tpu.vector_store_idx %arg8[%broadcast_in_dim3A, %add3A_111], %gather3A_105 : memref<64x160xf32, #tpu.memory_space<vmem>>[vector<16xi32>, vector<16xi32>], vector<16xf32>,
      %add3A_112 = arith.constant 2 : i32
      %add3A_113 = vector.broadcast %add3A_112 : i32 to vector<16xi32>
      %add3A_114 = arith.addi %mul3A_92, %add3A_113 : vector<16xi32>
      %gather3A_115 = tpu.vector_load_idx %arg6[%shift_right_logical3A_87, %add3A_114] : memref<1250x80xf32, #tpu.memory_space<vmem>>[vector<16xi32>, vector<16xi32>], vector<16xf32>,
      %mul3A_116 = arith.constant 10 : i32
      %mul3A_117 = vector.broadcast %mul3A_116 : i32 to vector<16xi32>
      %mul3A_118 = arith.muli %iota3A, %mul3A_117 : vector<16xi32>
      %add3A_119 = arith.constant 2 : i32
      %add3A_120 = vector.broadcast %add3A_119 : i32 to vector<16xi32>
      %add3A_121 = arith.addi %mul3A_118, %add3A_120 : vector<16xi32>
      tpu.vector_store_idx %arg8[%broadcast_in_dim3A, %add3A_121], %gather3A_115 : memref<64x160xf32, #tpu.memory_space<vmem>>[vector<16xi32>, vector<16xi32>], vector<16xf32>,
      %add3A_122 = arith.constant 3 : i32
      %add3A_123 = vector.broadcast %add3A_122 : i32 to vector<16xi32>
      %add3A_124 = arith.addi %mul3A_92, %add3A_123 : vector<16xi32>
      %gather3A_125 = tpu.vector_load_idx %arg6[%shift_right_logical3A_87, %add3A_124] : memref<1250x80xf32, #tpu.memory_space<vmem>>[vector<16xi32>, vector<16xi32>], vector<16xf32>,
      %mul3A_126 = arith.constant 10 : i32
      %mul3A_127 = vector.broadcast %mul3A_126 : i32 to vector<16xi32>
      %mul3A_128 = arith.muli %iota3A, %mul3A_127 : vector<16xi32>
      %add3A_129 = arith.constant 3 : i32
      %add3A_130 = vector.broadcast %add3A_129 : i32 to vector<16xi32>
      %add3A_131 = arith.addi %mul3A_128, %add3A_130 : vector<16xi32>
      tpu.vector_store_idx %arg8[%broadcast_in_dim3A, %add3A_131], %gather3A_125 : memref<64x160xf32, #tpu.memory_space<vmem>>[vector<16xi32>, vector<16xi32>], vector<16xf32>,
      %add3A_132 = arith.constant 4 : i32
      %add3A_133 = vector.broadcast %add3A_132 : i32 to vector<16xi32>
      %add3A_134 = arith.addi %mul3A_92, %add3A_133 : vector<16xi32>
      %gather3A_135 = tpu.vector_load_idx %arg6[%shift_right_logical3A_87, %add3A_134] : memref<1250x80xf32, #tpu.memory_space<vmem>>[vector<16xi32>, vector<16xi32>], vector<16xf32>,
      %mul3A_136 = arith.constant 10 : i32
      %mul3A_137 = vector.broadcast %mul3A_136 : i32 to vector<16xi32>
      %mul3A_138 = arith.muli %iota3A, %mul3A_137 : vector<16xi32>
      %add3A_139 = arith.constant 4 : i32
      %add3A_140 = vector.broadcast %add3A_139 : i32 to vector<16xi32>
      %add3A_141 = arith.addi %mul3A_138, %add3A_140 : vector<16xi32>
      tpu.vector_store_idx %arg8[%broadcast_in_dim3A, %add3A_141], %gather3A_135 : memref<64x160xf32, #tpu.memory_space<vmem>>[vector<16xi32>, vector<16xi32>], vector<16xf32>,
      %add3A_142 = arith.constant 5 : i32
      %add3A_143 = vector.broadcast %add3A_142 : i32 to vector<16xi32>
      %add3A_144 = arith.addi %mul3A_92, %add3A_143 : vector<16xi32>
      %gather3A_145 = tpu.vector_load_idx %arg6[%shift_right_logical3A_87, %add3A_144] : memref<1250x80xf32, #tpu.memory_space<vmem>>[vector<16xi32>, vector<16xi32>], vector<16xf32>,
      %mul3A_146 = arith.constant 10 : i32
      %mul3A_147 = vector.broadcast %mul3A_146 : i32 to vector<16xi32>
      %mul3A_148 = arith.muli %iota3A, %mul3A_147 : vector<16xi32>
      %add3A_149 = arith.constant 5 : i32
      %add3A_150 = vector.broadcast %add3A_149 : i32 to vector<16xi32>
      %add3A_151 = arith.addi %mul3A_148, %add3A_150 : vector<16xi32>
      tpu.vector_store_idx %arg8[%broadcast_in_dim3A, %add3A_151], %gather3A_145 : memref<64x160xf32, #tpu.memory_space<vmem>>[vector<16xi32>, vector<16xi32>], vector<16xf32>,
      %add3A_152 = arith.constant 6 : i32
      %add3A_153 = vector.broadcast %add3A_152 : i32 to vector<16xi32>
      %add3A_154 = arith.addi %mul3A_92, %add3A_153 : vector<16xi32>
      %gather3A_155 = tpu.vector_load_idx %arg6[%shift_right_logical3A_87, %add3A_154] : memref<1250x80xf32, #tpu.memory_space<vmem>>[vector<16xi32>, vector<16xi32>], vector<16xf32>,
      %mul3A_156 = arith.constant 10 : i32
      %mul3A_157 = vector.broadcast %mul3A_156 : i32 to vector<16xi32>
      %mul3A_158 = arith.muli %iota3A, %mul3A_157 : vector<16xi32>
      %add3A_159 = arith.constant 6 : i32
      %add3A_160 = vector.broadcast %add3A_159 : i32 to vector<16xi32>
      %add3A_161 = arith.addi %mul3A_158, %add3A_160 : vector<16xi32>
      tpu.vector_store_idx %arg8[%broadcast_in_dim3A, %add3A_161], %gather3A_155 : memref<64x160xf32, #tpu.memory_space<vmem>>[vector<16xi32>, vector<16xi32>], vector<16xf32>,
      %add3A_162 = arith.constant 7 : i32
      %add3A_163 = vector.broadcast %add3A_162 : i32 to vector<16xi32>
      %add3A_164 = arith.addi %mul3A_92, %add3A_163 : vector<16xi32>
      %gather3A_165 = tpu.vector_load_idx %arg6[%shift_right_logical3A_87, %add3A_164] : memref<1250x80xf32, #tpu.memory_space<vmem>>[vector<16xi32>, vector<16xi32>], vector<16xf32>,
      %mul3A_166 = arith.constant 10 : i32
      %mul3A_167 = vector.broadcast %mul3A_166 : i32 to vector<16xi32>
      %mul3A_168 = arith.muli %iota3A, %mul3A_167 : vector<16xi32>
      %add3A_169 = arith.constant 7 : i32
      %add3A_170 = vector.broadcast %add3A_169 : i32 to vector<16xi32>
      %add3A_171 = arith.addi %mul3A_168, %add3A_170 : vector<16xi32>
      tpu.vector_store_idx %arg8[%broadcast_in_dim3A, %add3A_171], %gather3A_165 : memref<64x160xf32, #tpu.memory_space<vmem>>[vector<16xi32>, vector<16xi32>], vector<16xf32>,
      %add3A_172 = arith.constant 8 : i32
      %add3A_173 = vector.broadcast %add3A_172 : i32 to vector<16xi32>
      %add3A_174 = arith.addi %mul3A_92, %add3A_173 : vector<16xi32>
      %gather3A_175 = tpu.vector_load_idx %arg6[%shift_right_logical3A_87, %add3A_174] : memref<1250x80xf32, #tpu.memory_space<vmem>>[vector<16xi32>, vector<16xi32>], vector<16xf32>,
      %mul3A_176 = arith.constant 10 : i32
      %mul3A_177 = vector.broadcast %mul3A_176 : i32 to vector<16xi32>
      %mul3A_178 = arith.muli %iota3A, %mul3A_177 : vector<16xi32>
      %add3A_179 = arith.constant 8 : i32
      %add3A_180 = vector.broadcast %add3A_179 : i32 to vector<16xi32>
      %add3A_181 = arith.addi %mul3A_178, %add3A_180 : vector<16xi32>
      tpu.vector_store_idx %arg8[%broadcast_in_dim3A, %add3A_181], %gather3A_175 : memref<64x160xf32, #tpu.memory_space<vmem>>[vector<16xi32>, vector<16xi32>], vector<16xf32>,
      %add3A_182 = arith.constant 9 : i32
      %add3A_183 = vector.broadcast %add3A_182 : i32 to vector<16xi32>
      %add3A_184 = arith.addi %mul3A_92, %add3A_183 : vector<16xi32>
      %gather3A_185 = tpu.vector_load_idx %arg6[%shift_right_logical3A_87, %add3A_184] : memref<1250x80xf32, #tpu.memory_space<vmem>>[vector<16xi32>, vector<16xi32>], vector<16xf32>,
      %mul3A_186 = arith.constant 10 : i32
      %mul3A_187 = vector.broadcast %mul3A_186 : i32 to vector<16xi32>
      %mul3A_188 = arith.muli %iota3A, %mul3A_187 : vector<16xi32>
      %add3A_189 = arith.constant 9 : i32
      %add3A_190 = vector.broadcast %add3A_189 : i32 to vector<16xi32>
      %add3A_191 = arith.addi %mul3A_188, %add3A_190 : vector<16xi32>
      tpu.vector_store_idx %arg8[%broadcast_in_dim3A, %add3A_191], %gather3A_185 : memref<64x160xf32, #tpu.memory_space<vmem>>[vector<16xi32>, vector<16xi32>], vector<16xf32>,
    }
    %scan3A_16 = arith.constant 64 : i32
    %add3A_17 = arith.constant 64 : i32
    %add3A_18 = arith.addi %mul3A_2, %add3A_17 : i32
    %dma_start3A_19 = arith.constant 0 : i32
    %dma_start3A_20 = tpu.memref_slice %arg4[%add3A_18, %dma_start3A_19] : memref<10240x160xf32, #tpu.memory_space<hbm>> -> memref<64x160xf32, #tpu.memory_space<hbm>>
    %dma_start3A_21 = arith.constant 0 : i32
    %dma_start3A_22 = tpu.memref_slice %arg4[%add3A_18, %dma_start3A_21] : memref<10240x160xf32, #tpu.memory_space<hbm>> -> memref<64x160xf32, #tpu.memory_space<hbm>>
    tpu.enqueue_dma source(%arg8 : memref<64x160xf32, #tpu.memory_space<vmem>>) target(%dma_start3A_22 : memref<64x160xf32, #tpu.memory_space<hbm>>) target_semaphore(%arg10 : memref<!tpu.dma_semaphore, #tpu.memory_space<semaphore_mem>>)
    %dma_wait3A = arith.constant 0 : i32
    %dma_wait3A_23 = tpu.memref_slice %arg4[%add3A_8, %dma_wait3A] : memref<10240x160xf32, #tpu.memory_space<hbm>> -> memref<64x160xf32, #tpu.memory_space<hbm>>
    %dma_wait3A_24 = arith.constant 0 : i32
    %dma_wait3A_25 = tpu.memref_slice %arg4[%add3A_8, %dma_wait3A_24] : memref<10240x160xf32, #tpu.memory_space<hbm>> -> memref<64x160xf32, #tpu.memory_space<hbm>>
    tpu.wait_dma2 semaphore(%arg9 : memref<!tpu.dma_semaphore, #tpu.memory_space<semaphore_mem>>) src(%arg7 : memref<64x160xf32, #tpu.memory_space<vmem>>) dst(%dma_wait3A_25 : memref<64x160xf32, #tpu.memory_space<hbm>>)
    %scan3A_26 = arith.constant 0 : i32
    %scan3A_27 = arith.constant 64 : i32
    %scan3A_28 = arith.addi %scan3A_26, %scan3A_27 : i32
    %scan3A_29 = arith.constant 1 : i32
    scf.for %scan3A_75 = %scan3A_26 to %scan3A_28 step %scan3A_29  : i32 {
      %mul3A_76 = arith.constant 1 : i32
      %mul3A_77 = arith.muli %scan3A_75, %mul3A_76 : i32
      %add3A_78 = arith.constant 0 : i32
      %add3A_79 = arith.addi %add3A_78, %mul3A_77 : i32
      %add3A_80 = arith.constant 128 : i32
      %add3A_81 = arith.addi %add3A_80, %add3A_79 : i32
      %get3A = arith.index_cast %add3A_81 : i32 to index
      %get3A_82 = arith.constant 0 : index
      %get3A_83 = tpu.vector_load %arg5[%get3A, %get3A_82] {strides = array<i32>} : memref<320x16xi32, #tpu.memory_space<vmem>>, vector<16xi32>,
      %min3A = arith.constant 9999 : i32
      %min3A_84 = vector.broadcast %min3A : i32 to vector<16xi32>
      %min3A_85 = arith.minsi %get3A_83, %min3A_84 : vector<16xi32>
      %shift_right_logical3A = arith.constant 3 : i32
      %shift_right_logical3A_86 = vector.broadcast %shift_right_logical3A : i32 to vector<16xi32>
      %shift_right_logical3A_87 = arith.shrui %min3A_85, %shift_right_logical3A_86 : vector<16xi32>
      %and3A = arith.constant 7 : i32
      %and3A_88 = vector.broadcast %and3A : i32 to vector<16xi32>
      %and3A_89 = arith.andi %min3A_85, %and3A_88 : vector<16xi32>
      %mul3A_90 = arith.constant 10 : i32
      %mul3A_91 = vector.broadcast %mul3A_90 : i32 to vector<16xi32>
      %mul3A_92 = arith.muli %and3A_89, %mul3A_91 : vector<16xi32>
      %broadcast_in_dim3A = vector.broadcast %add3A_79 : i32 to vector<16xi32>
      %add3A_93 = arith.constant 0 : i32
      %add3A_94 = vector.broadcast %add3A_93 : i32 to vector<16xi32>
      %add3A_95 = arith.addi %mul3A_92, %add3A_94 : vector<16xi32>
      %gather3A = tpu.vector_load_idx %arg6[%shift_right_logical3A_87, %add3A_95] : memref<1250x80xf32, #tpu.memory_space<vmem>>[vector<16xi32>, vector<16xi32>], vector<16xf32>,
      %mul3A_96 = arith.constant 10 : i32
      %mul3A_97 = vector.broadcast %mul3A_96 : i32 to vector<16xi32>
      %mul3A_98 = arith.muli %iota3A, %mul3A_97 : vector<16xi32>
      %add3A_99 = arith.constant 0 : i32
      %add3A_100 = vector.broadcast %add3A_99 : i32 to vector<16xi32>
      %add3A_101 = arith.addi %mul3A_98, %add3A_100 : vector<16xi32>
      tpu.vector_store_idx %arg7[%broadcast_in_dim3A, %add3A_101], %gather3A : memref<64x160xf32, #tpu.memory_space<vmem>>[vector<16xi32>, vector<16xi32>], vector<16xf32>,
      %add3A_102 = arith.constant 1 : i32
      %add3A_103 = vector.broadcast %add3A_102 : i32 to vector<16xi32>
      %add3A_104 = arith.addi %mul3A_92, %add3A_103 : vector<16xi32>
      %gather3A_105 = tpu.vector_load_idx %arg6[%shift_right_logical3A_87, %add3A_104] : memref<1250x80xf32, #tpu.memory_space<vmem>>[vector<16xi32>, vector<16xi32>], vector<16xf32>,
      %mul3A_106 = arith.constant 10 : i32
      %mul3A_107 = vector.broadcast %mul3A_106 : i32 to vector<16xi32>
      %mul3A_108 = arith.muli %iota3A, %mul3A_107 : vector<16xi32>
      %add3A_109 = arith.constant 1 : i32
      %add3A_110 = vector.broadcast %add3A_109 : i32 to vector<16xi32>
      %add3A_111 = arith.addi %mul3A_108, %add3A_110 : vector<16xi32>
      tpu.vector_store_idx %arg7[%broadcast_in_dim3A, %add3A_111], %gather3A_105 : memref<64x160xf32, #tpu.memory_space<vmem>>[vector<16xi32>, vector<16xi32>], vector<16xf32>,
      %add3A_112 = arith.constant 2 : i32
      %add3A_113 = vector.broadcast %add3A_112 : i32 to vector<16xi32>
      %add3A_114 = arith.addi %mul3A_92, %add3A_113 : vector<16xi32>
      %gather3A_115 = tpu.vector_load_idx %arg6[%shift_right_logical3A_87, %add3A_114] : memref<1250x80xf32, #tpu.memory_space<vmem>>[vector<16xi32>, vector<16xi32>], vector<16xf32>,
      %mul3A_116 = arith.constant 10 : i32
      %mul3A_117 = vector.broadcast %mul3A_116 : i32 to vector<16xi32>
      %mul3A_118 = arith.muli %iota3A, %mul3A_117 : vector<16xi32>
      %add3A_119 = arith.constant 2 : i32
      %add3A_120 = vector.broadcast %add3A_119 : i32 to vector<16xi32>
      %add3A_121 = arith.addi %mul3A_118, %add3A_120 : vector<16xi32>
      tpu.vector_store_idx %arg7[%broadcast_in_dim3A, %add3A_121], %gather3A_115 : memref<64x160xf32, #tpu.memory_space<vmem>>[vector<16xi32>, vector<16xi32>], vector<16xf32>,
      %add3A_122 = arith.constant 3 : i32
      %add3A_123 = vector.broadcast %add3A_122 : i32 to vector<16xi32>
      %add3A_124 = arith.addi %mul3A_92, %add3A_123 : vector<16xi32>
      %gather3A_125 = tpu.vector_load_idx %arg6[%shift_right_logical3A_87, %add3A_124] : memref<1250x80xf32, #tpu.memory_space<vmem>>[vector<16xi32>, vector<16xi32>], vector<16xf32>,
      %mul3A_126 = arith.constant 10 : i32
      %mul3A_127 = vector.broadcast %mul3A_126 : i32 to vector<16xi32>
      %mul3A_128 = arith.muli %iota3A, %mul3A_127 : vector<16xi32>
      %add3A_129 = arith.constant 3 : i32
      %add3A_130 = vector.broadcast %add3A_129 : i32 to vector<16xi32>
      %add3A_131 = arith.addi %mul3A_128, %add3A_130 : vector<16xi32>
      tpu.vector_store_idx %arg7[%broadcast_in_dim3A, %add3A_131], %gather3A_125 : memref<64x160xf32, #tpu.memory_space<vmem>>[vector<16xi32>, vector<16xi32>], vector<16xf32>,
      %add3A_132 = arith.constant 4 : i32
      %add3A_133 = vector.broadcast %add3A_132 : i32 to vector<16xi32>
      %add3A_134 = arith.addi %mul3A_92, %add3A_133 : vector<16xi32>
      %gather3A_135 = tpu.vector_load_idx %arg6[%shift_right_logical3A_87, %add3A_134] : memref<1250x80xf32, #tpu.memory_space<vmem>>[vector<16xi32>, vector<16xi32>], vector<16xf32>,
      %mul3A_136 = arith.constant 10 : i32
      %mul3A_137 = vector.broadcast %mul3A_136 : i32 to vector<16xi32>
      %mul3A_138 = arith.muli %iota3A, %mul3A_137 : vector<16xi32>
      %add3A_139 = arith.constant 4 : i32
      %add3A_140 = vector.broadcast %add3A_139 : i32 to vector<16xi32>
      %add3A_141 = arith.addi %mul3A_138, %add3A_140 : vector<16xi32>
      tpu.vector_store_idx %arg7[%broadcast_in_dim3A, %add3A_141], %gather3A_135 : memref<64x160xf32, #tpu.memory_space<vmem>>[vector<16xi32>, vector<16xi32>], vector<16xf32>,
      %add3A_142 = arith.constant 5 : i32
      %add3A_143 = vector.broadcast %add3A_142 : i32 to vector<16xi32>
      %add3A_144 = arith.addi %mul3A_92, %add3A_143 : vector<16xi32>
      %gather3A_145 = tpu.vector_load_idx %arg6[%shift_right_logical3A_87, %add3A_144] : memref<1250x80xf32, #tpu.memory_space<vmem>>[vector<16xi32>, vector<16xi32>], vector<16xf32>,
      %mul3A_146 = arith.constant 10 : i32
      %mul3A_147 = vector.broadcast %mul3A_146 : i32 to vector<16xi32>
      %mul3A_148 = arith.muli %iota3A, %mul3A_147 : vector<16xi32>
      %add3A_149 = arith.constant 5 : i32
      %add3A_150 = vector.broadcast %add3A_149 : i32 to vector<16xi32>
      %add3A_151 = arith.addi %mul3A_148, %add3A_150 : vector<16xi32>
      tpu.vector_store_idx %arg7[%broadcast_in_dim3A, %add3A_151], %gather3A_145 : memref<64x160xf32, #tpu.memory_space<vmem>>[vector<16xi32>, vector<16xi32>], vector<16xf32>,
      %add3A_152 = arith.constant 6 : i32
      %add3A_153 = vector.broadcast %add3A_152 : i32 to vector<16xi32>
      %add3A_154 = arith.addi %mul3A_92, %add3A_153 : vector<16xi32>
      %gather3A_155 = tpu.vector_load_idx %arg6[%shift_right_logical3A_87, %add3A_154] : memref<1250x80xf32, #tpu.memory_space<vmem>>[vector<16xi32>, vector<16xi32>], vector<16xf32>,
      %mul3A_156 = arith.constant 10 : i32
      %mul3A_157 = vector.broadcast %mul3A_156 : i32 to vector<16xi32>
      %mul3A_158 = arith.muli %iota3A, %mul3A_157 : vector<16xi32>
      %add3A_159 = arith.constant 6 : i32
      %add3A_160 = vector.broadcast %add3A_159 : i32 to vector<16xi32>
      %add3A_161 = arith.addi %mul3A_158, %add3A_160 : vector<16xi32>
      tpu.vector_store_idx %arg7[%broadcast_in_dim3A, %add3A_161], %gather3A_155 : memref<64x160xf32, #tpu.memory_space<vmem>>[vector<16xi32>, vector<16xi32>], vector<16xf32>,
      %add3A_162 = arith.constant 7 : i32
      %add3A_163 = vector.broadcast %add3A_162 : i32 to vector<16xi32>
      %add3A_164 = arith.addi %mul3A_92, %add3A_163 : vector<16xi32>
      %gather3A_165 = tpu.vector_load_idx %arg6[%shift_right_logical3A_87, %add3A_164] : memref<1250x80xf32, #tpu.memory_space<vmem>>[vector<16xi32>, vector<16xi32>], vector<16xf32>,
      %mul3A_166 = arith.constant 10 : i32
      %mul3A_167 = vector.broadcast %mul3A_166 : i32 to vector<16xi32>
      %mul3A_168 = arith.muli %iota3A, %mul3A_167 : vector<16xi32>
      %add3A_169 = arith.constant 7 : i32
      %add3A_170 = vector.broadcast %add3A_169 : i32 to vector<16xi32>
      %add3A_171 = arith.addi %mul3A_168, %add3A_170 : vector<16xi32>
      tpu.vector_store_idx %arg7[%broadcast_in_dim3A, %add3A_171], %gather3A_165 : memref<64x160xf32, #tpu.memory_space<vmem>>[vector<16xi32>, vector<16xi32>], vector<16xf32>,
      %add3A_172 = arith.constant 8 : i32
      %add3A_173 = vector.broadcast %add3A_172 : i32 to vector<16xi32>
      %add3A_174 = arith.addi %mul3A_92, %add3A_173 : vector<16xi32>
      %gather3A_175 = tpu.vector_load_idx %arg6[%shift_right_logical3A_87, %add3A_174] : memref<1250x80xf32, #tpu.memory_space<vmem>>[vector<16xi32>, vector<16xi32>], vector<16xf32>,
      %mul3A_176 = arith.constant 10 : i32
      %mul3A_177 = vector.broadcast %mul3A_176 : i32 to vector<16xi32>
      %mul3A_178 = arith.muli %iota3A, %mul3A_177 : vector<16xi32>
      %add3A_179 = arith.constant 8 : i32
      %add3A_180 = vector.broadcast %add3A_179 : i32 to vector<16xi32>
      %add3A_181 = arith.addi %mul3A_178, %add3A_180 : vector<16xi32>
      tpu.vector_store_idx %arg7[%broadcast_in_dim3A, %add3A_181], %gather3A_175 : memref<64x160xf32, #tpu.memory_space<vmem>>[vector<16xi32>, vector<16xi32>], vector<16xf32>,
      %add3A_182 = arith.constant 9 : i32
      %add3A_183 = vector.broadcast %add3A_182 : i32 to vector<16xi32>
      %add3A_184 = arith.addi %mul3A_92, %add3A_183 : vector<16xi32>
      %gather3A_185 = tpu.vector_load_idx %arg6[%shift_right_logical3A_87, %add3A_184] : memref<1250x80xf32, #tpu.memory_space<vmem>>[vector<16xi32>, vector<16xi32>], vector<16xf32>,
      %mul3A_186 = arith.constant 10 : i32
      %mul3A_187 = vector.broadcast %mul3A_186 : i32 to vector<16xi32>
      %mul3A_188 = arith.muli %iota3A, %mul3A_187 : vector<16xi32>
      %add3A_189 = arith.constant 9 : i32
      %add3A_190 = vector.broadcast %add3A_189 : i32 to vector<16xi32>
      %add3A_191 = arith.addi %mul3A_188, %add3A_190 : vector<16xi32>
      tpu.vector_store_idx %arg7[%broadcast_in_dim3A, %add3A_191], %gather3A_185 : memref<64x160xf32, #tpu.memory_space<vmem>>[vector<16xi32>, vector<16xi32>], vector<16xf32>,
    }
    %scan3A_30 = arith.constant 64 : i32
    %add3A_31 = arith.constant 128 : i32
    %add3A_32 = arith.addi %mul3A_2, %add3A_31 : i32
    %dma_start3A_33 = arith.constant 0 : i32
    %dma_start3A_34 = tpu.memref_slice %arg4[%add3A_32, %dma_start3A_33] : memref<10240x160xf32, #tpu.memory_space<hbm>> -> memref<64x160xf32, #tpu.memory_space<hbm>>
    %dma_start3A_35 = arith.constant 0 : i32
    %dma_start3A_36 = tpu.memref_slice %arg4[%add3A_32, %dma_start3A_35] : memref<10240x160xf32, #tpu.memory_space<hbm>> -> memref<64x160xf32, #tpu.memory_space<hbm>>
    tpu.enqueue_dma source(%arg7 : memref<64x160xf32, #tpu.memory_space<vmem>>) target(%dma_start3A_36 : memref<64x160xf32, #tpu.memory_space<hbm>>) target_semaphore(%arg9 : memref<!tpu.dma_semaphore, #tpu.memory_space<semaphore_mem>>)
    %dma_wait3A_37 = arith.constant 0 : i32
    %dma_wait3A_38 = tpu.memref_slice %arg4[%add3A_18, %dma_wait3A_37] : memref<10240x160xf32, #tpu.memory_space<hbm>> -> memref<64x160xf32, #tpu.memory_space<hbm>>
    %dma_wait3A_39 = arith.constant 0 : i32
    %dma_wait3A_40 = tpu.memref_slice %arg4[%add3A_18, %dma_wait3A_39] : memref<10240x160xf32, #tpu.memory_space<hbm>> -> memref<64x160xf32, #tpu.memory_space<hbm>>
    tpu.wait_dma2 semaphore(%arg10 : memref<!tpu.dma_semaphore, #tpu.memory_space<semaphore_mem>>) src(%arg8 : memref<64x160xf32, #tpu.memory_space<vmem>>) dst(%dma_wait3A_40 : memref<64x160xf32, #tpu.memory_space<hbm>>)
    %scan3A_41 = arith.constant 0 : i32
    %scan3A_42 = arith.constant 64 : i32
    %scan3A_43 = arith.addi %scan3A_41, %scan3A_42 : i32
    %scan3A_44 = arith.constant 1 : i32
    scf.for %scan3A_75 = %scan3A_41 to %scan3A_43 step %scan3A_44  : i32 {
      %mul3A_76 = arith.constant 1 : i32
      %mul3A_77 = arith.muli %scan3A_75, %mul3A_76 : i32
      %add3A_78 = arith.constant 0 : i32
      %add3A_79 = arith.addi %add3A_78, %mul3A_77 : i32
      %add3A_80 = arith.constant 192 : i32
      %add3A_81 = arith.addi %add3A_80, %add3A_79 : i32
      %get3A = arith.index_cast %add3A_81 : i32 to index
      %get3A_82 = arith.constant 0 : index
      %get3A_83 = tpu.vector_load %arg5[%get3A, %get3A_82] {strides = array<i32>} : memref<320x16xi32, #tpu.memory_space<vmem>>, vector<16xi32>,
      %min3A = arith.constant 9999 : i32
      %min3A_84 = vector.broadcast %min3A : i32 to vector<16xi32>
      %min3A_85 = arith.minsi %get3A_83, %min3A_84 : vector<16xi32>
      %shift_right_logical3A = arith.constant 3 : i32
      %shift_right_logical3A_86 = vector.broadcast %shift_right_logical3A : i32 to vector<16xi32>
      %shift_right_logical3A_87 = arith.shrui %min3A_85, %shift_right_logical3A_86 : vector<16xi32>
      %and3A = arith.constant 7 : i32
      %and3A_88 = vector.broadcast %and3A : i32 to vector<16xi32>
      %and3A_89 = arith.andi %min3A_85, %and3A_88 : vector<16xi32>
      %mul3A_90 = arith.constant 10 : i32
      %mul3A_91 = vector.broadcast %mul3A_90 : i32 to vector<16xi32>
      %mul3A_92 = arith.muli %and3A_89, %mul3A_91 : vector<16xi32>
      %broadcast_in_dim3A = vector.broadcast %add3A_79 : i32 to vector<16xi32>
      %add3A_93 = arith.constant 0 : i32
      %add3A_94 = vector.broadcast %add3A_93 : i32 to vector<16xi32>
      %add3A_95 = arith.addi %mul3A_92, %add3A_94 : vector<16xi32>
      %gather3A = tpu.vector_load_idx %arg6[%shift_right_logical3A_87, %add3A_95] : memref<1250x80xf32, #tpu.memory_space<vmem>>[vector<16xi32>, vector<16xi32>], vector<16xf32>,
      %mul3A_96 = arith.constant 10 : i32
      %mul3A_97 = vector.broadcast %mul3A_96 : i32 to vector<16xi32>
      %mul3A_98 = arith.muli %iota3A, %mul3A_97 : vector<16xi32>
      %add3A_99 = arith.constant 0 : i32
      %add3A_100 = vector.broadcast %add3A_99 : i32 to vector<16xi32>
      %add3A_101 = arith.addi %mul3A_98, %add3A_100 : vector<16xi32>
      tpu.vector_store_idx %arg8[%broadcast_in_dim3A, %add3A_101], %gather3A : memref<64x160xf32, #tpu.memory_space<vmem>>[vector<16xi32>, vector<16xi32>], vector<16xf32>,
      %add3A_102 = arith.constant 1 : i32
      %add3A_103 = vector.broadcast %add3A_102 : i32 to vector<16xi32>
      %add3A_104 = arith.addi %mul3A_92, %add3A_103 : vector<16xi32>
      %gather3A_105 = tpu.vector_load_idx %arg6[%shift_right_logical3A_87, %add3A_104] : memref<1250x80xf32, #tpu.memory_space<vmem>>[vector<16xi32>, vector<16xi32>], vector<16xf32>,
      %mul3A_106 = arith.constant 10 : i32
      %mul3A_107 = vector.broadcast %mul3A_106 : i32 to vector<16xi32>
      %mul3A_108 = arith.muli %iota3A, %mul3A_107 : vector<16xi32>
      %add3A_109 = arith.constant 1 : i32
      %add3A_110 = vector.broadcast %add3A_109 : i32 to vector<16xi32>
      %add3A_111 = arith.addi %mul3A_108, %add3A_110 : vector<16xi32>
      tpu.vector_store_idx %arg8[%broadcast_in_dim3A, %add3A_111], %gather3A_105 : memref<64x160xf32, #tpu.memory_space<vmem>>[vector<16xi32>, vector<16xi32>], vector<16xf32>,
      %add3A_112 = arith.constant 2 : i32
      %add3A_113 = vector.broadcast %add3A_112 : i32 to vector<16xi32>
      %add3A_114 = arith.addi %mul3A_92, %add3A_113 : vector<16xi32>
      %gather3A_115 = tpu.vector_load_idx %arg6[%shift_right_logical3A_87, %add3A_114] : memref<1250x80xf32, #tpu.memory_space<vmem>>[vector<16xi32>, vector<16xi32>], vector<16xf32>,
      %mul3A_116 = arith.constant 10 : i32
      %mul3A_117 = vector.broadcast %mul3A_116 : i32 to vector<16xi32>
      %mul3A_118 = arith.muli %iota3A, %mul3A_117 : vector<16xi32>
      %add3A_119 = arith.constant 2 : i32
      %add3A_120 = vector.broadcast %add3A_119 : i32 to vector<16xi32>
      %add3A_121 = arith.addi %mul3A_118, %add3A_120 : vector<16xi32>
      tpu.vector_store_idx %arg8[%broadcast_in_dim3A, %add3A_121], %gather3A_115 : memref<64x160xf32, #tpu.memory_space<vmem>>[vector<16xi32>, vector<16xi32>], vector<16xf32>,
      %add3A_122 = arith.constant 3 : i32
      %add3A_123 = vector.broadcast %add3A_122 : i32 to vector<16xi32>
      %add3A_124 = arith.addi %mul3A_92, %add3A_123 : vector<16xi32>
      %gather3A_125 = tpu.vector_load_idx %arg6[%shift_right_logical3A_87, %add3A_124] : memref<1250x80xf32, #tpu.memory_space<vmem>>[vector<16xi32>, vector<16xi32>], vector<16xf32>,
      %mul3A_126 = arith.constant 10 : i32
      %mul3A_127 = vector.broadcast %mul3A_126 : i32 to vector<16xi32>
      %mul3A_128 = arith.muli %iota3A, %mul3A_127 : vector<16xi32>
      %add3A_129 = arith.constant 3 : i32
      %add3A_130 = vector.broadcast %add3A_129 : i32 to vector<16xi32>
      %add3A_131 = arith.addi %mul3A_128, %add3A_130 : vector<16xi32>
      tpu.vector_store_idx %arg8[%broadcast_in_dim3A, %add3A_131], %gather3A_125 : memref<64x160xf32, #tpu.memory_space<vmem>>[vector<16xi32>, vector<16xi32>], vector<16xf32>,
      %add3A_132 = arith.constant 4 : i32
      %add3A_133 = vector.broadcast %add3A_132 : i32 to vector<16xi32>
      %add3A_134 = arith.addi %mul3A_92, %add3A_133 : vector<16xi32>
      %gather3A_135 = tpu.vector_load_idx %arg6[%shift_right_logical3A_87, %add3A_134] : memref<1250x80xf32, #tpu.memory_space<vmem>>[vector<16xi32>, vector<16xi32>], vector<16xf32>,
      %mul3A_136 = arith.constant 10 : i32
      %mul3A_137 = vector.broadcast %mul3A_136 : i32 to vector<16xi32>
      %mul3A_138 = arith.muli %iota3A, %mul3A_137 : vector<16xi32>
      %add3A_139 = arith.constant 4 : i32
      %add3A_140 = vector.broadcast %add3A_139 : i32 to vector<16xi32>
      %add3A_141 = arith.addi %mul3A_138, %add3A_140 : vector<16xi32>
      tpu.vector_store_idx %arg8[%broadcast_in_dim3A, %add3A_141], %gather3A_135 : memref<64x160xf32, #tpu.memory_space<vmem>>[vector<16xi32>, vector<16xi32>], vector<16xf32>,
      %add3A_142 = arith.constant 5 : i32
      %add3A_143 = vector.broadcast %add3A_142 : i32 to vector<16xi32>
      %add3A_144 = arith.addi %mul3A_92, %add3A_143 : vector<16xi32>
      %gather3A_145 = tpu.vector_load_idx %arg6[%shift_right_logical3A_87, %add3A_144] : memref<1250x80xf32, #tpu.memory_space<vmem>>[vector<16xi32>, vector<16xi32>], vector<16xf32>,
      %mul3A_146 = arith.constant 10 : i32
      %mul3A_147 = vector.broadcast %mul3A_146 : i32 to vector<16xi32>
      %mul3A_148 = arith.muli %iota3A, %mul3A_147 : vector<16xi32>
      %add3A_149 = arith.constant 5 : i32
      %add3A_150 = vector.broadcast %add3A_149 : i32 to vector<16xi32>
      %add3A_151 = arith.addi %mul3A_148, %add3A_150 : vector<16xi32>
      tpu.vector_store_idx %arg8[%broadcast_in_dim3A, %add3A_151], %gather3A_145 : memref<64x160xf32, #tpu.memory_space<vmem>>[vector<16xi32>, vector<16xi32>], vector<16xf32>,
      %add3A_152 = arith.constant 6 : i32
      %add3A_153 = vector.broadcast %add3A_152 : i32 to vector<16xi32>
      %add3A_154 = arith.addi %mul3A_92, %add3A_153 : vector<16xi32>
      %gather3A_155 = tpu.vector_load_idx %arg6[%shift_right_logical3A_87, %add3A_154] : memref<1250x80xf32, #tpu.memory_space<vmem>>[vector<16xi32>, vector<16xi32>], vector<16xf32>,
      %mul3A_156 = arith.constant 10 : i32
      %mul3A_157 = vector.broadcast %mul3A_156 : i32 to vector<16xi32>
      %mul3A_158 = arith.muli %iota3A, %mul3A_157 : vector<16xi32>
      %add3A_159 = arith.constant 6 : i32
      %add3A_160 = vector.broadcast %add3A_159 : i32 to vector<16xi32>
      %add3A_161 = arith.addi %mul3A_158, %add3A_160 : vector<16xi32>
      tpu.vector_store_idx %arg8[%broadcast_in_dim3A, %add3A_161], %gather3A_155 : memref<64x160xf32, #tpu.memory_space<vmem>>[vector<16xi32>, vector<16xi32>], vector<16xf32>,
      %add3A_162 = arith.constant 7 : i32
      %add3A_163 = vector.broadcast %add3A_162 : i32 to vector<16xi32>
      %add3A_164 = arith.addi %mul3A_92, %add3A_163 : vector<16xi32>
      %gather3A_165 = tpu.vector_load_idx %arg6[%shift_right_logical3A_87, %add3A_164] : memref<1250x80xf32, #tpu.memory_space<vmem>>[vector<16xi32>, vector<16xi32>], vector<16xf32>,
      %mul3A_166 = arith.constant 10 : i32
      %mul3A_167 = vector.broadcast %mul3A_166 : i32 to vector<16xi32>
      %mul3A_168 = arith.muli %iota3A, %mul3A_167 : vector<16xi32>
      %add3A_169 = arith.constant 7 : i32
      %add3A_170 = vector.broadcast %add3A_169 : i32 to vector<16xi32>
      %add3A_171 = arith.addi %mul3A_168, %add3A_170 : vector<16xi32>
      tpu.vector_store_idx %arg8[%broadcast_in_dim3A, %add3A_171], %gather3A_165 : memref<64x160xf32, #tpu.memory_space<vmem>>[vector<16xi32>, vector<16xi32>], vector<16xf32>,
      %add3A_172 = arith.constant 8 : i32
      %add3A_173 = vector.broadcast %add3A_172 : i32 to vector<16xi32>
      %add3A_174 = arith.addi %mul3A_92, %add3A_173 : vector<16xi32>
      %gather3A_175 = tpu.vector_load_idx %arg6[%shift_right_logical3A_87, %add3A_174] : memref<1250x80xf32, #tpu.memory_space<vmem>>[vector<16xi32>, vector<16xi32>], vector<16xf32>,
      %mul3A_176 = arith.constant 10 : i32
      %mul3A_177 = vector.broadcast %mul3A_176 : i32 to vector<16xi32>
      %mul3A_178 = arith.muli %iota3A, %mul3A_177 : vector<16xi32>
      %add3A_179 = arith.constant 8 : i32
      %add3A_180 = vector.broadcast %add3A_179 : i32 to vector<16xi32>
      %add3A_181 = arith.addi %mul3A_178, %add3A_180 : vector<16xi32>
      tpu.vector_store_idx %arg8[%broadcast_in_dim3A, %add3A_181], %gather3A_175 : memref<64x160xf32, #tpu.memory_space<vmem>>[vector<16xi32>, vector<16xi32>], vector<16xf32>,
      %add3A_182 = arith.constant 9 : i32
      %add3A_183 = vector.broadcast %add3A_182 : i32 to vector<16xi32>
      %add3A_184 = arith.addi %mul3A_92, %add3A_183 : vector<16xi32>
      %gather3A_185 = tpu.vector_load_idx %arg6[%shift_right_logical3A_87, %add3A_184] : memref<1250x80xf32, #tpu.memory_space<vmem>>[vector<16xi32>, vector<16xi32>], vector<16xf32>,
      %mul3A_186 = arith.constant 10 : i32
      %mul3A_187 = vector.broadcast %mul3A_186 : i32 to vector<16xi32>
      %mul3A_188 = arith.muli %iota3A, %mul3A_187 : vector<16xi32>
      %add3A_189 = arith.constant 9 : i32
      %add3A_190 = vector.broadcast %add3A_189 : i32 to vector<16xi32>
      %add3A_191 = arith.addi %mul3A_188, %add3A_190 : vector<16xi32>
      tpu.vector_store_idx %arg8[%broadcast_in_dim3A, %add3A_191], %gather3A_185 : memref<64x160xf32, #tpu.memory_space<vmem>>[vector<16xi32>, vector<16xi32>], vector<16xf32>,
    }
    %scan3A_45 = arith.constant 64 : i32
    %add3A_46 = arith.constant 192 : i32
    %add3A_47 = arith.addi %mul3A_2, %add3A_46 : i32
    %dma_start3A_48 = arith.constant 0 : i32
    %dma_start3A_49 = tpu.memref_slice %arg4[%add3A_47, %dma_start3A_48] : memref<10240x160xf32, #tpu.memory_space<hbm>> -> memref<64x160xf32, #tpu.memory_space<hbm>>
    %dma_start3A_50 = arith.constant 0 : i32
    %dma_start3A_51 = tpu.memref_slice %arg4[%add3A_47, %dma_start3A_50] : memref<10240x160xf32, #tpu.memory_space<hbm>> -> memref<64x160xf32, #tpu.memory_space<hbm>>
    tpu.enqueue_dma source(%arg8 : memref<64x160xf32, #tpu.memory_space<vmem>>) target(%dma_start3A_51 : memref<64x160xf32, #tpu.memory_space<hbm>>) target_semaphore(%arg10 : memref<!tpu.dma_semaphore, #tpu.memory_space<semaphore_mem>>)
    %dma_wait3A_52 = arith.constant 0 : i32
    %dma_wait3A_53 = tpu.memref_slice %arg4[%add3A_32, %dma_wait3A_52] : memref<10240x160xf32, #tpu.memory_space<hbm>> -> memref<64x160xf32, #tpu.memory_space<hbm>>
    %dma_wait3A_54 = arith.constant 0 : i32
    %dma_wait3A_55 = tpu.memref_slice %arg4[%add3A_32, %dma_wait3A_54] : memref<10240x160xf32, #tpu.memory_space<hbm>> -> memref<64x160xf32, #tpu.memory_space<hbm>>
    tpu.wait_dma2 semaphore(%arg9 : memref<!tpu.dma_semaphore, #tpu.memory_space<semaphore_mem>>) src(%arg7 : memref<64x160xf32, #tpu.memory_space<vmem>>) dst(%dma_wait3A_55 : memref<64x160xf32, #tpu.memory_space<hbm>>)
    %scan3A_56 = arith.constant 0 : i32
    %scan3A_57 = arith.constant 64 : i32
    %scan3A_58 = arith.addi %scan3A_56, %scan3A_57 : i32
    %scan3A_59 = arith.constant 1 : i32
    scf.for %scan3A_75 = %scan3A_56 to %scan3A_58 step %scan3A_59  : i32 {
      %mul3A_76 = arith.constant 1 : i32
      %mul3A_77 = arith.muli %scan3A_75, %mul3A_76 : i32
      %add3A_78 = arith.constant 0 : i32
      %add3A_79 = arith.addi %add3A_78, %mul3A_77 : i32
      %add3A_80 = arith.constant 256 : i32
      %add3A_81 = arith.addi %add3A_80, %add3A_79 : i32
      %get3A = arith.index_cast %add3A_81 : i32 to index
      %get3A_82 = arith.constant 0 : index
      %get3A_83 = tpu.vector_load %arg5[%get3A, %get3A_82] {strides = array<i32>} : memref<320x16xi32, #tpu.memory_space<vmem>>, vector<16xi32>,
      %min3A = arith.constant 9999 : i32
      %min3A_84 = vector.broadcast %min3A : i32 to vector<16xi32>
      %min3A_85 = arith.minsi %get3A_83, %min3A_84 : vector<16xi32>
      %shift_right_logical3A = arith.constant 3 : i32
      %shift_right_logical3A_86 = vector.broadcast %shift_right_logical3A : i32 to vector<16xi32>
      %shift_right_logical3A_87 = arith.shrui %min3A_85, %shift_right_logical3A_86 : vector<16xi32>
      %and3A = arith.constant 7 : i32
      %and3A_88 = vector.broadcast %and3A : i32 to vector<16xi32>
      %and3A_89 = arith.andi %min3A_85, %and3A_88 : vector<16xi32>
      %mul3A_90 = arith.constant 10 : i32
      %mul3A_91 = vector.broadcast %mul3A_90 : i32 to vector<16xi32>
      %mul3A_92 = arith.muli %and3A_89, %mul3A_91 : vector<16xi32>
      %broadcast_in_dim3A = vector.broadcast %add3A_79 : i32 to vector<16xi32>
      %add3A_93 = arith.constant 0 : i32
      %add3A_94 = vector.broadcast %add3A_93 : i32 to vector<16xi32>
      %add3A_95 = arith.addi %mul3A_92, %add3A_94 : vector<16xi32>
      %gather3A = tpu.vector_load_idx %arg6[%shift_right_logical3A_87, %add3A_95] : memref<1250x80xf32, #tpu.memory_space<vmem>>[vector<16xi32>, vector<16xi32>], vector<16xf32>,
      %mul3A_96 = arith.constant 10 : i32
      %mul3A_97 = vector.broadcast %mul3A_96 : i32 to vector<16xi32>
      %mul3A_98 = arith.muli %iota3A, %mul3A_97 : vector<16xi32>
      %add3A_99 = arith.constant 0 : i32
      %add3A_100 = vector.broadcast %add3A_99 : i32 to vector<16xi32>
      %add3A_101 = arith.addi %mul3A_98, %add3A_100 : vector<16xi32>
      tpu.vector_store_idx %arg7[%broadcast_in_dim3A, %add3A_101], %gather3A : memref<64x160xf32, #tpu.memory_space<vmem>>[vector<16xi32>, vector<16xi32>], vector<16xf32>,
      %add3A_102 = arith.constant 1 : i32
      %add3A_103 = vector.broadcast %add3A_102 : i32 to vector<16xi32>
      %add3A_104 = arith.addi %mul3A_92, %add3A_103 : vector<16xi32>
      %gather3A_105 = tpu.vector_load_idx %arg6[%shift_right_logical3A_87, %add3A_104] : memref<1250x80xf32, #tpu.memory_space<vmem>>[vector<16xi32>, vector<16xi32>], vector<16xf32>,
      %mul3A_106 = arith.constant 10 : i32
      %mul3A_107 = vector.broadcast %mul3A_106 : i32 to vector<16xi32>
      %mul3A_108 = arith.muli %iota3A, %mul3A_107 : vector<16xi32>
      %add3A_109 = arith.constant 1 : i32
      %add3A_110 = vector.broadcast %add3A_109 : i32 to vector<16xi32>
      %add3A_111 = arith.addi %mul3A_108, %add3A_110 : vector<16xi32>
      tpu.vector_store_idx %arg7[%broadcast_in_dim3A, %add3A_111], %gather3A_105 : memref<64x160xf32, #tpu.memory_space<vmem>>[vector<16xi32>, vector<16xi32>], vector<16xf32>,
      %add3A_112 = arith.constant 2 : i32
      %add3A_113 = vector.broadcast %add3A_112 : i32 to vector<16xi32>
      %add3A_114 = arith.addi %mul3A_92, %add3A_113 : vector<16xi32>
      %gather3A_115 = tpu.vector_load_idx %arg6[%shift_right_logical3A_87, %add3A_114] : memref<1250x80xf32, #tpu.memory_space<vmem>>[vector<16xi32>, vector<16xi32>], vector<16xf32>,
      %mul3A_116 = arith.constant 10 : i32
      %mul3A_117 = vector.broadcast %mul3A_116 : i32 to vector<16xi32>
      %mul3A_118 = arith.muli %iota3A, %mul3A_117 : vector<16xi32>
      %add3A_119 = arith.constant 2 : i32
      %add3A_120 = vector.broadcast %add3A_119 : i32 to vector<16xi32>
      %add3A_121 = arith.addi %mul3A_118, %add3A_120 : vector<16xi32>
      tpu.vector_store_idx %arg7[%broadcast_in_dim3A, %add3A_121], %gather3A_115 : memref<64x160xf32, #tpu.memory_space<vmem>>[vector<16xi32>, vector<16xi32>], vector<16xf32>,
      %add3A_122 = arith.constant 3 : i32
      %add3A_123 = vector.broadcast %add3A_122 : i32 to vector<16xi32>
      %add3A_124 = arith.addi %mul3A_92, %add3A_123 : vector<16xi32>
      %gather3A_125 = tpu.vector_load_idx %arg6[%shift_right_logical3A_87, %add3A_124] : memref<1250x80xf32, #tpu.memory_space<vmem>>[vector<16xi32>, vector<16xi32>], vector<16xf32>,
      %mul3A_126 = arith.constant 10 : i32
      %mul3A_127 = vector.broadcast %mul3A_126 : i32 to vector<16xi32>
      %mul3A_128 = arith.muli %iota3A, %mul3A_127 : vector<16xi32>
      %add3A_129 = arith.constant 3 : i32
      %add3A_130 = vector.broadcast %add3A_129 : i32 to vector<16xi32>
      %add3A_131 = arith.addi %mul3A_128, %add3A_130 : vector<16xi32>
      tpu.vector_store_idx %arg7[%broadcast_in_dim3A, %add3A_131], %gather3A_125 : memref<64x160xf32, #tpu.memory_space<vmem>>[vector<16xi32>, vector<16xi32>], vector<16xf32>,
      %add3A_132 = arith.constant 4 : i32
      %add3A_133 = vector.broadcast %add3A_132 : i32 to vector<16xi32>
      %add3A_134 = arith.addi %mul3A_92, %add3A_133 : vector<16xi32>
      %gather3A_135 = tpu.vector_load_idx %arg6[%shift_right_logical3A_87, %add3A_134] : memref<1250x80xf32, #tpu.memory_space<vmem>>[vector<16xi32>, vector<16xi32>], vector<16xf32>,
      %mul3A_136 = arith.constant 10 : i32
      %mul3A_137 = vector.broadcast %mul3A_136 : i32 to vector<16xi32>
      %mul3A_138 = arith.muli %iota3A, %mul3A_137 : vector<16xi32>
      %add3A_139 = arith.constant 4 : i32
      %add3A_140 = vector.broadcast %add3A_139 : i32 to vector<16xi32>
      %add3A_141 = arith.addi %mul3A_138, %add3A_140 : vector<16xi32>
      tpu.vector_store_idx %arg7[%broadcast_in_dim3A, %add3A_141], %gather3A_135 : memref<64x160xf32, #tpu.memory_space<vmem>>[vector<16xi32>, vector<16xi32>], vector<16xf32>,
      %add3A_142 = arith.constant 5 : i32
      %add3A_143 = vector.broadcast %add3A_142 : i32 to vector<16xi32>
      %add3A_144 = arith.addi %mul3A_92, %add3A_143 : vector<16xi32>
      %gather3A_145 = tpu.vector_load_idx %arg6[%shift_right_logical3A_87, %add3A_144] : memref<1250x80xf32, #tpu.memory_space<vmem>>[vector<16xi32>, vector<16xi32>], vector<16xf32>,
      %mul3A_146 = arith.constant 10 : i32
      %mul3A_147 = vector.broadcast %mul3A_146 : i32 to vector<16xi32>
      %mul3A_148 = arith.muli %iota3A, %mul3A_147 : vector<16xi32>
      %add3A_149 = arith.constant 5 : i32
      %add3A_150 = vector.broadcast %add3A_149 : i32 to vector<16xi32>
      %add3A_151 = arith.addi %mul3A_148, %add3A_150 : vector<16xi32>
      tpu.vector_store_idx %arg7[%broadcast_in_dim3A, %add3A_151], %gather3A_145 : memref<64x160xf32, #tpu.memory_space<vmem>>[vector<16xi32>, vector<16xi32>], vector<16xf32>,
      %add3A_152 = arith.constant 6 : i32
      %add3A_153 = vector.broadcast %add3A_152 : i32 to vector<16xi32>
      %add3A_154 = arith.addi %mul3A_92, %add3A_153 : vector<16xi32>
      %gather3A_155 = tpu.vector_load_idx %arg6[%shift_right_logical3A_87, %add3A_154] : memref<1250x80xf32, #tpu.memory_space<vmem>>[vector<16xi32>, vector<16xi32>], vector<16xf32>,
      %mul3A_156 = arith.constant 10 : i32
      %mul3A_157 = vector.broadcast %mul3A_156 : i32 to vector<16xi32>
      %mul3A_158 = arith.muli %iota3A, %mul3A_157 : vector<16xi32>
      %add3A_159 = arith.constant 6 : i32
      %add3A_160 = vector.broadcast %add3A_159 : i32 to vector<16xi32>
      %add3A_161 = arith.addi %mul3A_158, %add3A_160 : vector<16xi32>
      tpu.vector_store_idx %arg7[%broadcast_in_dim3A, %add3A_161], %gather3A_155 : memref<64x160xf32, #tpu.memory_space<vmem>>[vector<16xi32>, vector<16xi32>], vector<16xf32>,
      %add3A_162 = arith.constant 7 : i32
      %add3A_163 = vector.broadcast %add3A_162 : i32 to vector<16xi32>
      %add3A_164 = arith.addi %mul3A_92, %add3A_163 : vector<16xi32>
      %gather3A_165 = tpu.vector_load_idx %arg6[%shift_right_logical3A_87, %add3A_164] : memref<1250x80xf32, #tpu.memory_space<vmem>>[vector<16xi32>, vector<16xi32>], vector<16xf32>,
      %mul3A_166 = arith.constant 10 : i32
      %mul3A_167 = vector.broadcast %mul3A_166 : i32 to vector<16xi32>
      %mul3A_168 = arith.muli %iota3A, %mul3A_167 : vector<16xi32>
      %add3A_169 = arith.constant 7 : i32
      %add3A_170 = vector.broadcast %add3A_169 : i32 to vector<16xi32>
      %add3A_171 = arith.addi %mul3A_168, %add3A_170 : vector<16xi32>
      tpu.vector_store_idx %arg7[%broadcast_in_dim3A, %add3A_171], %gather3A_165 : memref<64x160xf32, #tpu.memory_space<vmem>>[vector<16xi32>, vector<16xi32>], vector<16xf32>,
      %add3A_172 = arith.constant 8 : i32
      %add3A_173 = vector.broadcast %add3A_172 : i32 to vector<16xi32>
      %add3A_174 = arith.addi %mul3A_92, %add3A_173 : vector<16xi32>
      %gather3A_175 = tpu.vector_load_idx %arg6[%shift_right_logical3A_87, %add3A_174] : memref<1250x80xf32, #tpu.memory_space<vmem>>[vector<16xi32>, vector<16xi32>], vector<16xf32>,
      %mul3A_176 = arith.constant 10 : i32
      %mul3A_177 = vector.broadcast %mul3A_176 : i32 to vector<16xi32>
      %mul3A_178 = arith.muli %iota3A, %mul3A_177 : vector<16xi32>
      %add3A_179 = arith.constant 8 : i32
      %add3A_180 = vector.broadcast %add3A_179 : i32 to vector<16xi32>
      %add3A_181 = arith.addi %mul3A_178, %add3A_180 : vector<16xi32>
      tpu.vector_store_idx %arg7[%broadcast_in_dim3A, %add3A_181], %gather3A_175 : memref<64x160xf32, #tpu.memory_space<vmem>>[vector<16xi32>, vector<16xi32>], vector<16xf32>,
      %add3A_182 = arith.constant 9 : i32
      %add3A_183 = vector.broadcast %add3A_182 : i32 to vector<16xi32>
      %add3A_184 = arith.addi %mul3A_92, %add3A_183 : vector<16xi32>
      %gather3A_185 = tpu.vector_load_idx %arg6[%shift_right_logical3A_87, %add3A_184] : memref<1250x80xf32, #tpu.memory_space<vmem>>[vector<16xi32>, vector<16xi32>], vector<16xf32>,
      %mul3A_186 = arith.constant 10 : i32
      %mul3A_187 = vector.broadcast %mul3A_186 : i32 to vector<16xi32>
      %mul3A_188 = arith.muli %iota3A, %mul3A_187 : vector<16xi32>
      %add3A_189 = arith.constant 9 : i32
      %add3A_190 = vector.broadcast %add3A_189 : i32 to vector<16xi32>
      %add3A_191 = arith.addi %mul3A_188, %add3A_190 : vector<16xi32>
      tpu.vector_store_idx %arg7[%broadcast_in_dim3A, %add3A_191], %gather3A_185 : memref<64x160xf32, #tpu.memory_space<vmem>>[vector<16xi32>, vector<16xi32>], vector<16xf32>,
    }
    %scan3A_60 = arith.constant 64 : i32
    %add3A_61 = arith.constant 256 : i32
    %add3A_62 = arith.addi %mul3A_2, %add3A_61 : i32
    %dma_start3A_63 = arith.constant 0 : i32
    %dma_start3A_64 = tpu.memref_slice %arg4[%add3A_62, %dma_start3A_63] : memref<10240x160xf32, #tpu.memory_space<hbm>> -> memref<64x160xf32, #tpu.memory_space<hbm>>
    %dma_start3A_65 = arith.constant 0 : i32
    %dma_start3A_66 = tpu.memref_slice %arg4[%add3A_62, %dma_start3A_65] : memref<10240x160xf32, #tpu.memory_space<hbm>> -> memref<64x160xf32, #tpu.memory_space<hbm>>
    tpu.enqueue_dma source(%arg7 : memref<64x160xf32, #tpu.memory_space<vmem>>) target(%dma_start3A_66 : memref<64x160xf32, #tpu.memory_space<hbm>>) target_semaphore(%arg9 : memref<!tpu.dma_semaphore, #tpu.memory_space<semaphore_mem>>)
    %dma_wait3A_67 = arith.constant 0 : i32
    %dma_wait3A_68 = tpu.memref_slice %arg4[%add3A_47, %dma_wait3A_67] : memref<10240x160xf32, #tpu.memory_space<hbm>> -> memref<64x160xf32, #tpu.memory_space<hbm>>
    %dma_wait3A_69 = arith.constant 0 : i32
    %dma_wait3A_70 = tpu.memref_slice %arg4[%add3A_47, %dma_wait3A_69] : memref<10240x160xf32, #tpu.memory_space<hbm>> -> memref<64x160xf32, #tpu.memory_space<hbm>>
    tpu.wait_dma2 semaphore(%arg10 : memref<!tpu.dma_semaphore, #tpu.memory_space<semaphore_mem>>) src(%arg8 : memref<64x160xf32, #tpu.memory_space<vmem>>) dst(%dma_wait3A_70 : memref<64x160xf32, #tpu.memory_space<hbm>>)
    %dma_wait3A_71 = arith.constant 0 : i32
    %dma_wait3A_72 = tpu.memref_slice %arg4[%add3A_62, %dma_wait3A_71] : memref<10240x160xf32, #tpu.memory_space<hbm>> -> memref<64x160xf32, #tpu.memory_space<hbm>>
    %dma_wait3A_73 = arith.constant 0 : i32
    %dma_wait3A_74 = tpu.memref_slice %arg4[%add3A_62, %dma_wait3A_73] : memref<10240x160xf32, #tpu.memory_space<hbm>> -> memref<64x160xf32, #tpu.memory_space<hbm>>
    tpu.wait_dma2 semaphore(%arg9 : memref<!tpu.dma_semaphore, #tpu.memory_space<semaphore_mem>>) src(%arg7 : memref<64x160xf32, #tpu.memory_space<vmem>>) dst(%dma_wait3A_74 : memref<64x160xf32, #tpu.memory_space<hbm>>)
    return
  }
}

#map = affine_map<(d0, d1) -> (0)>
#map1 = affine_map<(d0, d1) -> (0, 0)>
module attributes {stable_mosaic.version = 14 : i64} {
  func.func @_sc_hist_body(%arg0: i32, %arg1: i32, %arg2: memref<10240xi32, #tpu.memory_space<hbm>>, %arg3: memref<10240x16xi32, #tpu.memory_space<hbm>>, %arg4: memref<10240x112xf32, #tpu.memory_space<hbm>>, %arg5: memref<10240xi32, #tpu.memory_space<vmem>>, %arg6: memref<320x16xi32, #tpu.memory_space<vmem>>, %arg7: memref<32x112xf32, #tpu.memory_space<vmem>>) attributes {dimension_semantics = [#tpu.dimension_semantics<core_parallel>, #tpu.dimension_semantics<subcore_parallel>], iteration_bounds = array<i64: 2, 16>, scalar_prefetch = 0 : i64, scratch_operands = 3 : i64, tpu.core_type = #tpu.core_type<sc_vector_subcore>, window_params = [{transform_indices = #map}, {transform_indices = #map1}, {transform_indices = #map1}]} {
    %mul3A = arith.constant 2 : i32
    %mul3A_0 = arith.muli %arg1, %mul3A : i32
    %add3A = arith.addi %mul3A_0, %arg0 : i32
    %mul3A_1 = arith.constant 320 : i32
    %mul3A_2 = arith.muli %add3A, %mul3A_1 : i32
    "tpu.region"() ({
      %run_scoped3A = tpu.sem_alloc : memref<!tpu.dma_semaphore, #tpu.memory_space<semaphore_mem>>
      tpu.enqueue_dma source(%arg2 : memref<10240xi32, #tpu.memory_space<hbm>>) target(%arg5 : memref<10240xi32, #tpu.memory_space<vmem>>) target_semaphore(%run_scoped3A : memref<!tpu.dma_semaphore, #tpu.memory_space<semaphore_mem>>)
      tpu.wait_dma2 semaphore(%run_scoped3A : memref<!tpu.dma_semaphore, #tpu.memory_space<semaphore_mem>>) src(%arg2 : memref<10240xi32, #tpu.memory_space<hbm>>) dst(%arg5 : memref<10240xi32, #tpu.memory_space<vmem>>)
      tpu.yield
    }) : () -> ()
    "tpu.region"() ({
      %run_scoped3A = tpu.sem_alloc : memref<!tpu.dma_semaphore, #tpu.memory_space<semaphore_mem>>
      %dma_start3A = arith.constant 0 : i32
      %dma_start3A_10 = tpu.memref_slice %arg3[%mul3A_2, %dma_start3A] : memref<10240x16xi32, #tpu.memory_space<hbm>> -> memref<320x16xi32, #tpu.memory_space<hbm>>
      %dma_start3A_11 = arith.constant 0 : i32
      %dma_start3A_12 = tpu.memref_slice %arg3[%mul3A_2, %dma_start3A_11] : memref<10240x16xi32, #tpu.memory_space<hbm>> -> memref<320x16xi32, #tpu.memory_space<hbm>>
      tpu.enqueue_dma source(%dma_start3A_12 : memref<320x16xi32, #tpu.memory_space<hbm>>) target(%arg6 : memref<320x16xi32, #tpu.memory_space<vmem>>) target_semaphore(%run_scoped3A : memref<!tpu.dma_semaphore, #tpu.memory_space<semaphore_mem>>)
      %dma_wait3A = arith.constant 0 : i32
      %dma_wait3A_13 = tpu.memref_slice %arg3[%mul3A_2, %dma_wait3A] : memref<10240x16xi32, #tpu.memory_space<hbm>> -> memref<320x16xi32, #tpu.memory_space<hbm>>
      %dma_wait3A_14 = arith.constant 0 : i32
      %dma_wait3A_15 = tpu.memref_slice %arg3[%mul3A_2, %dma_wait3A_14] : memref<10240x16xi32, #tpu.memory_space<hbm>> -> memref<320x16xi32, #tpu.memory_space<hbm>>
      tpu.wait_dma2 semaphore(%run_scoped3A : memref<!tpu.dma_semaphore, #tpu.memory_space<semaphore_mem>>) src(%dma_wait3A_15 : memref<320x16xi32, #tpu.memory_space<hbm>>) dst(%arg6 : memref<320x16xi32, #tpu.memory_space<vmem>>)
      tpu.yield
    }) : () -> ()
    %broadcast_in_dim3A = arith.constant 1.000000e+00 : f32
    %broadcast_in_dim3A_3 = vector.broadcast %broadcast_in_dim3A : f32 to vector<16xf32>
    %broadcast_in_dim3A_4 = arith.constant 0.000000e+00 : f32
    %broadcast_in_dim3A_5 = vector.broadcast %broadcast_in_dim3A_4 : f32 to vector<16xf32>
    %scan3A = arith.constant 0 : i32
    %scan3A_6 = arith.constant 10 : i32
    %scan3A_7 = arith.addi %scan3A, %scan3A_6 : i32
    %scan3A_8 = arith.constant 1 : i32
    scf.for %scan3A_10 = %scan3A to %scan3A_7 step %scan3A_8  : i32 {
      %mul3A_11 = arith.constant 1 : i32
      %mul3A_12 = arith.muli %scan3A_10, %mul3A_11 : i32
      %add3A_13 = arith.constant 0 : i32
      %add3A_14 = arith.addi %add3A_13, %mul3A_12 : i32
      %scan3A_15 = arith.constant 0 : i32
      %scan3A_16 = arith.constant 32 : i32
      %scan3A_17 = arith.addi %scan3A_15, %scan3A_16 : i32
      %scan3A_18 = arith.constant 1 : i32
      scf.for %scan3A_23 = %scan3A_15 to %scan3A_17 step %scan3A_18  : i32 {
        %mul3A_24 = arith.constant 1 : i32
        %mul3A_25 = arith.muli %scan3A_23, %mul3A_24 : i32
        %add3A_26 = arith.constant 0 : i32
        %add3A_27 = arith.addi %add3A_26, %mul3A_25 : i32
        %mul3A_28 = arith.constant 32 : i32
        %mul3A_29 = arith.muli %add3A_14, %mul3A_28 : i32
        %add3A_30 = arith.addi %mul3A_29, %add3A_27 : i32
        %get3A = arith.index_cast %add3A_30 : i32 to index
        %get3A_31 = arith.constant 0 : index
        %get3A_32 = tpu.vector_load %arg6[%get3A, %get3A_31] {strides = array<i32>} : memref<320x16xi32, #tpu.memory_space<vmem>>, vector<16xi32>,
        %gather3A = tpu.vector_load_idx %arg5[%get3A_32] : memref<10240xi32, #tpu.memory_space<vmem>>[vector<16xi32>], vector<16xi32>,
        %swap3A = arith.index_cast %add3A_27 : i32 to index
        %swap3A_33 = arith.constant 0 : index
        %swap3A_34 = tpu.vector_load %arg7[%swap3A, %swap3A_33] {strides = array<i32>} : memref<32x112xf32, #tpu.memory_space<vmem>>, vector<16xf32>,
        tpu.vector_store %arg7[%swap3A, %swap3A_33], %broadcast_in_dim3A_5 {strides = array<i32>} : memref<32x112xf32, #tpu.memory_space<vmem>>, vector<16xf32>,
        %swap3A_35 = arith.index_cast %add3A_27 : i32 to index
        %swap3A_36 = arith.constant 16 : index
        %swap3A_37 = tpu.vector_load %arg7[%swap3A_35, %swap3A_36] {strides = array<i32>} : memref<32x112xf32, #tpu.memory_space<vmem>>, vector<16xf32>,
        tpu.vector_store %arg7[%swap3A_35, %swap3A_36], %broadcast_in_dim3A_5 {strides = array<i32>} : memref<32x112xf32, #tpu.memory_space<vmem>>, vector<16xf32>,
        %swap3A_38 = arith.index_cast %add3A_27 : i32 to index
        %swap3A_39 = arith.constant 32 : index
        %swap3A_40 = tpu.vector_load %arg7[%swap3A_38, %swap3A_39] {strides = array<i32>} : memref<32x112xf32, #tpu.memory_space<vmem>>, vector<16xf32>,
        tpu.vector_store %arg7[%swap3A_38, %swap3A_39], %broadcast_in_dim3A_5 {strides = array<i32>} : memref<32x112xf32, #tpu.memory_space<vmem>>, vector<16xf32>,
        %swap3A_41 = arith.index_cast %add3A_27 : i32 to index
        %swap3A_42 = arith.constant 48 : index
        %swap3A_43 = tpu.vector_load %arg7[%swap3A_41, %swap3A_42] {strides = array<i32>} : memref<32x112xf32, #tpu.memory_space<vmem>>, vector<16xf32>,
        tpu.vector_store %arg7[%swap3A_41, %swap3A_42], %broadcast_in_dim3A_5 {strides = array<i32>} : memref<32x112xf32, #tpu.memory_space<vmem>>, vector<16xf32>,
        %swap3A_44 = arith.index_cast %add3A_27 : i32 to index
        %swap3A_45 = arith.constant 64 : index
        %swap3A_46 = tpu.vector_load %arg7[%swap3A_44, %swap3A_45] {strides = array<i32>} : memref<32x112xf32, #tpu.memory_space<vmem>>, vector<16xf32>,
        tpu.vector_store %arg7[%swap3A_44, %swap3A_45], %broadcast_in_dim3A_5 {strides = array<i32>} : memref<32x112xf32, #tpu.memory_space<vmem>>, vector<16xf32>,
        %swap3A_47 = arith.index_cast %add3A_27 : i32 to index
        %swap3A_48 = arith.constant 80 : index
        %swap3A_49 = tpu.vector_load %arg7[%swap3A_47, %swap3A_48] {strides = array<i32>} : memref<32x112xf32, #tpu.memory_space<vmem>>, vector<16xf32>,
        tpu.vector_store %arg7[%swap3A_47, %swap3A_48], %broadcast_in_dim3A_5 {strides = array<i32>} : memref<32x112xf32, #tpu.memory_space<vmem>>, vector<16xf32>,
        %swap3A_50 = arith.index_cast %add3A_27 : i32 to index
        %swap3A_51 = arith.constant 96 : index
        %swap3A_52 = tpu.vector_load %arg7[%swap3A_50, %swap3A_51] {strides = array<i32>} : memref<32x112xf32, #tpu.memory_space<vmem>>, vector<16xf32>,
        tpu.vector_store %arg7[%swap3A_50, %swap3A_51], %broadcast_in_dim3A_5 {strides = array<i32>} : memref<32x112xf32, #tpu.memory_space<vmem>>, vector<16xf32>,
        %broadcast_in_dim3A_53 = vector.broadcast %add3A_27 : i32 to vector<16xi32>
        tpu.vector_store_idx %arg7[%broadcast_in_dim3A_53, %gather3A], %broadcast_in_dim3A_3 {add = true} : memref<32x112xf32, #tpu.memory_space<vmem>>[vector<16xi32>, vector<16xi32>], vector<16xf32>,
      }
      %scan3A_19 = arith.constant 32 : i32
      %mul3A_20 = arith.constant 32 : i32
      %mul3A_21 = arith.muli %add3A_14, %mul3A_20 : i32
      %add3A_22 = arith.addi %mul3A_2, %mul3A_21 : i32
      "tpu.region"() ({
        %run_scoped3A = tpu.sem_alloc : memref<!tpu.dma_semaphore, #tpu.memory_space<semaphore_mem>>
        %dma_start3A = arith.constant 0 : i32
        %dma_start3A_23 = tpu.memref_slice %arg4[%add3A_22, %dma_start3A] : memref<10240x112xf32, #tpu.memory_space<hbm>> -> memref<32x112xf32, #tpu.memory_space<hbm>>
        %dma_start3A_24 = arith.constant 0 : i32
        %dma_start3A_25 = tpu.memref_slice %arg4[%add3A_22, %dma_start3A_24] : memref<10240x112xf32, #tpu.memory_space<hbm>> -> memref<32x112xf32, #tpu.memory_space<hbm>>
        tpu.enqueue_dma source(%arg7 : memref<32x112xf32, #tpu.memory_space<vmem>>) target(%dma_start3A_25 : memref<32x112xf32, #tpu.memory_space<hbm>>) target_semaphore(%run_scoped3A : memref<!tpu.dma_semaphore, #tpu.memory_space<semaphore_mem>>)
        %dma_wait3A = arith.constant 0 : i32
        %dma_wait3A_26 = tpu.memref_slice %arg4[%add3A_22, %dma_wait3A] : memref<10240x112xf32, #tpu.memory_space<hbm>> -> memref<32x112xf32, #tpu.memory_space<hbm>>
        %dma_wait3A_27 = arith.constant 0 : i32
        %dma_wait3A_28 = tpu.memref_slice %arg4[%add3A_22, %dma_wait3A_27] : memref<10240x112xf32, #tpu.memory_space<hbm>> -> memref<32x112xf32, #tpu.memory_space<hbm>>
        tpu.wait_dma2 semaphore(%run_scoped3A : memref<!tpu.dma_semaphore, #tpu.memory_space<semaphore_mem>>) src(%arg7 : memref<32x112xf32, #tpu.memory_space<vmem>>) dst(%dma_wait3A_28 : memref<32x112xf32, #tpu.memory_space<hbm>>)
        tpu.yield
      }) : () -> ()
    }
    %scan3A_9 = arith.constant 10 : i32
    return
  }
}

module attributes {stable_mosaic.version = 14 : i64} {
  func.func @_node_body(%arg0: i32, %arg1: memref<2048x1xi32, #tpu.memory_space<vmem>>, %arg2: memref<2048x10xf32, #tpu.memory_space<vmem>>, %arg3: memref<2048x16xf32, #tpu.memory_space<vmem>>, %arg4: memref<2048x16xi32, #tpu.memory_space<vmem>>, %arg5: memref<100x128xf32, #tpu.memory_space<vmem>>, %arg6: memref<10x32xf32, #tpu.memory_space<vmem>>, %arg7: memref<1x32xf32, #tpu.memory_space<vmem>>, %arg8: memref<2048x160xf32, #tpu.memory_space<vmem>>, %arg9: memref<2048x16xi32, #tpu.memory_space<vmem>>, %arg10: memref<2048x16xf32, #tpu.memory_space<vmem>>) attributes {dimension_semantics = [#tpu.dimension_semantics<arbitrary>], iteration_bounds = array<i64: 5>, scalar_prefetch = 0 : i64, scratch_operands = 0 : i64, tpu.core_type = #tpu.core_type<tc>, window_params = [{transform_indices = @transform_0, window_bounds = array<i64: 2048, 1>}, {transform_indices = @transform_1, window_bounds = array<i64: 2048, 10>}, {transform_indices = @transform_2, window_bounds = array<i64: 2048, 16>}, {transform_indices = @transform_3, window_bounds = array<i64: 2048, 16>}, {pipeline_mode = #tpu.pipeline_mode<synchronous>, transform_indices = @transform_4, window_bounds = array<i64: 100, 128>}, {pipeline_mode = #tpu.pipeline_mode<synchronous>, transform_indices = @transform_5, window_bounds = array<i64: 10, 32>}, {pipeline_mode = #tpu.pipeline_mode<synchronous>, transform_indices = @transform_6, window_bounds = array<i64: 1, 32>}, {transform_indices = @transform_7, window_bounds = array<i64: 2048, 160>}, {transform_indices = @transform_8, window_bounds = array<i64: 2048, 16>}, {transform_indices = @transform_9, window_bounds = array<i64: 2048, 16>}]} {
    %get3A = arith.constant 0 : index
    %get3A_0 = arith.constant 0 : index
    %get3A_1 = vector.load %arg1[%get3A, %get3A_0] : memref<2048x1xi32, #tpu.memory_space<vmem>>, vector<2048x1xi32>
    %iota3A = tpu.iota {dimensions = array<i32: 1>} : vector<2048x100xi32>
    %eq3A = vector.broadcast %get3A_1 : vector<2048x1xi32> to vector<2048x100xi32>
    %eq3A_2 = arith.cmpi eq, %iota3A, %eq3A : vector<2048x100xi32>
    %convert_element_type3A = arith.extui %eq3A_2 : vector<2048x100xi1> to vector<2048x100xi32>
    %convert_element_type3A_3 = arith.sitofp %convert_element_type3A : vector<2048x100xi32> to vector<2048x100xf32>
    %get3A_4 = arith.constant 0 : index
    %get3A_5 = arith.constant 0 : index
    %get3A_6 = vector.load %arg5[%get3A_4, %get3A_5] : memref<100x128xf32, #tpu.memory_space<vmem>>, vector<100x128xf32>
    %dot_general3A = arith.constant dense<0.000000e+00> : vector<2048x128xf32>
    %dot_general3A_7 = tpu.matmul %convert_element_type3A_3, %get3A_6, %dot_general3A {dimension_numbers = #tpu.dot_dimension_numbers<[1], [0], [0], [1], [0, 0, 1, 1], [], []>, transpose_lhs_hint = false} : vector<2048x100xf32>, vector<100x128xf32>, vector<2048x128xf32> -> vector<2048x128xf32>
    %get3A_8 = arith.constant 0 : index
    %get3A_9 = arith.constant 0 : index
    %get3A_10 = vector.load %arg2[%get3A_8, %get3A_9] : memref<2048x10xf32, #tpu.memory_space<vmem>>, vector<2048x10xf32>
    %get3A_11 = arith.constant 0 : index
    %get3A_12 = arith.constant 0 : index
    %get3A_13 = vector.load %arg6[%get3A_11, %get3A_12] : memref<10x32xf32, #tpu.memory_space<vmem>>, vector<10x32xf32>
    %dot_general3A_14 = arith.constant dense<0.000000e+00> : vector<2048x32xf32>
    %dot_general3A_15 = tpu.matmul %get3A_10, %get3A_13, %dot_general3A_14 {dimension_numbers = #tpu.dot_dimension_numbers<[1], [0], [0], [1], [0, 0, 1, 1], [], []>, transpose_lhs_hint = false} : vector<2048x10xf32>, vector<10x32xf32>, vector<2048x32xf32> -> vector<2048x32xf32>
    %get3A_16 = arith.constant 0 : index
    %get3A_17 = arith.constant 0 : index
    %get3A_18 = vector.load %arg7[%get3A_16, %get3A_17] : memref<1x32xf32, #tpu.memory_space<vmem>>, vector<1x32xf32>
    %add3A = vector.broadcast %get3A_18 : vector<1x32xf32> to vector<2048x32xf32>
    %add3A_19 = arith.addf %dot_general3A_15, %add3A : vector<2048x32xf32>
    %neg3A = arith.constant 0.000000e+00 : f32
    %neg3A_20 = vector.broadcast %neg3A : f32 to vector<2048x32xf32>
    %neg3A_21 = arith.subf %neg3A_20, %add3A_19 : vector<2048x32xf32>
    %exp3A = math.exp %neg3A_21 : vector<2048x32xf32>
    %add3A_22 = arith.constant 1.000000e+00 : f32
    %add3A_23 = vector.broadcast %add3A_22 : f32 to vector<2048x32xf32>
    %add3A_24 = arith.addf %add3A_23, %exp3A : vector<2048x32xf32>
    %div3A = arith.constant 1.000000e+00 : f32
    %div3A_25 = vector.broadcast %div3A : f32 to vector<2048x32xf32>
    %div3A_26 = arith.divf %div3A_25, %add3A_24 : vector<2048x32xf32>
    %mul3A = arith.mulf %add3A_19, %div3A_26 : vector<2048x32xf32>
    %get3A_27 = arith.constant 0 : index
    %get3A_28 = arith.constant 0 : index
    %get3A_29 = vector.load %arg3[%get3A_27, %get3A_28] : memref<2048x16xf32, #tpu.memory_space<vmem>>, vector<2048x16xf32>
    %reduce_sum3A = arith.constant dense<0.000000e+00> : vector<2048xf32>
    %reduce_sum3A_30 = vector.multi_reduction <add>, %get3A_29, %reduce_sum3A [1] : vector<2048x16xf32> to vector<2048xf32>
    %broadcast_in_dim3A = vector.shape_cast %reduce_sum3A_30 : vector<2048xf32> to vector<2048x1xf32>
    %add3A_31 = arith.constant 9.99999974E-6 : f32
    %add3A_32 = vector.broadcast %add3A_31 : f32 to vector<2048x1xf32>
    %add3A_33 = arith.addf %broadcast_in_dim3A, %add3A_32 : vector<2048x1xf32>
    %div3A_34 = arith.constant 1.000000e+00 : f32
    %div3A_35 = vector.broadcast %div3A_34 : f32 to vector<2048x1xf32>
    %div3A_36 = arith.divf %div3A_35, %add3A_33 : vector<2048x1xf32>
    %mul3A_37 = arith.mulf %broadcast_in_dim3A, %div3A_36 : vector<2048x1xf32>
    %mul3A_38 = arith.constant 2048 : i32
    %mul3A_39 = arith.muli %arg0, %mul3A_38 : i32
    %iota3A_40 = tpu.iota {dimensions = array<i32: 0>} : vector<2048x1xi32>
    %add3A_41 = vector.broadcast %mul3A_39 : i32 to vector<2048x1xi32>
    %add3A_42 = arith.addi %add3A_41, %iota3A_40 : vector<2048x1xi32>
    %concatenate3A = tpu.concatenate %mul3A, %dot_general3A_7 in 1 : vector<2048x32xf32>, vector<2048x128xf32> -> vector<2048x160xf32>
    %mul3A_43 = vector.broadcast %mul3A_37 : vector<2048x1xf32> to vector<2048x160xf32>
    %mul3A_44 = arith.mulf %concatenate3A, %mul3A_43 : vector<2048x160xf32>
    %swap3A = arith.constant 0 : index
    %swap3A_45 = arith.constant 0 : index
    %swap3A_46 = vector.load %arg8[%swap3A, %swap3A_45] : memref<2048x160xf32, #tpu.memory_space<vmem>>, vector<2048x160xf32>
    tpu.vector_store %arg8[%swap3A, %swap3A_45], %mul3A_44 {strides = array<i32>} : memref<2048x160xf32, #tpu.memory_space<vmem>>, vector<2048x160xf32>,
    %gt3A = arith.constant 5.000000e-01 : f32
    %gt3A_47 = vector.broadcast %gt3A : f32 to vector<2048x16xf32>
    %gt3A_48 = arith.cmpf ogt, %get3A_29, %gt3A_47 : vector<2048x16xf32>
    %lt3A = arith.constant 10000 : i32
    %lt3A_49 = vector.broadcast %lt3A : i32 to vector<2048x1xi32>
    %lt3A_50 = arith.cmpi slt, %add3A_42, %lt3A_49 : vector<2048x1xi32>
    %and3A = vector.broadcast %lt3A_50 : vector<2048x1xi1> to vector<2048x16xi1>
    %and3A_51 = arith.andi %gt3A_48, %and3A : vector<2048x16xi1>
    %get3A_52 = arith.constant 0 : index
    %get3A_53 = arith.constant 0 : index
    %get3A_54 = vector.load %arg4[%get3A_52, %get3A_53] : memref<2048x16xi32, #tpu.memory_space<vmem>>, vector<2048x16xi32>
    %jit3A = arith.constant 10000 : i32
    %broadcast_in_dim3A_55 = vector.broadcast %jit3A : i32 to vector<2048x16xi32>
    %select_n3A = arith.select %and3A_51, %get3A_54, %broadcast_in_dim3A_55 : vector<2048x16xi1>, vector<2048x16xi32>
    %swap3A_56 = arith.constant 0 : index
    %swap3A_57 = arith.constant 0 : index
    %swap3A_58 = vector.load %arg9[%swap3A_56, %swap3A_57] : memref<2048x16xi32, #tpu.memory_space<vmem>>, vector<2048x16xi32>
    tpu.vector_store %arg9[%swap3A_56, %swap3A_57], %select_n3A {strides = array<i32>} : memref<2048x16xi32, #tpu.memory_space<vmem>>, vector<2048x16xi32>,
    %broadcast_in_dim3A_59 = vector.shape_cast %div3A_36 : vector<2048x1xf32> to vector<2048x1xf32>
    %broadcast_in_dim3A_60 = vector.broadcast %broadcast_in_dim3A_59 : vector<2048x1xf32> to vector<2048x16xf32>
    %swap3A_61 = arith.constant 0 : index
    %swap3A_62 = arith.constant 0 : index
    %swap3A_63 = vector.load %arg10[%swap3A_61, %swap3A_62] : memref<2048x16xf32, #tpu.memory_space<vmem>>, vector<2048x16xf32>
    tpu.vector_store %arg10[%swap3A_61, %swap3A_62], %broadcast_in_dim3A_60 {strides = array<i32>} : memref<2048x16xf32, #tpu.memory_space<vmem>>, vector<2048x16xf32>,
    return
  }
  func.func @transform_0(%arg0: i32) -> (i32, i32) {
    %c0_i32 = arith.constant 0 : i32
    %c0_i32_0 = arith.constant 0 : i32
    return %arg0, %c0_i32 : i32, i32
  }
  func.func @transform_1(%arg0: i32) -> (i32, i32) {
    %c0_i32 = arith.constant 0 : i32
    %c0_i32_0 = arith.constant 0 : i32
    return %arg0, %c0_i32 : i32, i32
  }
  func.func @transform_2(%arg0: i32) -> (i32, i32) {
    %c0_i32 = arith.constant 0 : i32
    %c0_i32_0 = arith.constant 0 : i32
    return %arg0, %c0_i32 : i32, i32
  }
  func.func @transform_3(%arg0: i32) -> (i32, i32) {
    %c0_i32 = arith.constant 0 : i32
    %c0_i32_0 = arith.constant 0 : i32
    return %arg0, %c0_i32 : i32, i32
  }
  func.func @transform_4(%arg0: i32) -> (i32, i32) {
    %c0_i32 = arith.constant 0 : i32
    %c0_i32_0 = arith.constant 0 : i32
    %c0_i32_1 = arith.constant 0 : i32
    return %c0_i32, %c0_i32_0 : i32, i32
  }
  func.func @transform_5(%arg0: i32) -> (i32, i32) {
    %c0_i32 = arith.constant 0 : i32
    %c0_i32_0 = arith.constant 0 : i32
    %c0_i32_1 = arith.constant 0 : i32
    return %c0_i32, %c0_i32_0 : i32, i32
  }
  func.func @transform_6(%arg0: i32) -> (i32, i32) {
    %c0_i32 = arith.constant 0 : i32
    %c0_i32_0 = arith.constant 0 : i32
    %c0_i32_1 = arith.constant 0 : i32
    return %c0_i32, %c0_i32_0 : i32, i32
  }
  func.func @transform_7(%arg0: i32) -> (i32, i32) {
    %c0_i32 = arith.constant 0 : i32
    %c0_i32_0 = arith.constant 0 : i32
    return %arg0, %c0_i32 : i32, i32
  }
  func.func @transform_8(%arg0: i32) -> (i32, i32) {
    %c0_i32 = arith.constant 0 : i32
    %c0_i32_0 = arith.constant 0 : i32
    return %arg0, %c0_i32 : i32, i32
  }
  func.func @transform_9(%arg0: i32) -> (i32, i32) {
    %c0_i32 = arith.constant 0 : i32
    %c0_i32_0 = arith.constant 0 : i32
    return %arg0, %c0_i32 : i32, i32
  }
}

module attributes {stable_mosaic.version = 14 : i64} {
  func.func @_edge_body(%arg0: i32, %arg1: memref<2000x1024xf32, #tpu.memory_space<vmem>>, %arg2: memref<2000x16xf32, #tpu.memory_space<vmem>>, %arg3: memref<64x64xf32, #tpu.memory_space<vmem>>, %arg4: memref<1x64xf32, #tpu.memory_space<vmem>>, %arg5: memref<2000x64xf32, #tpu.memory_space<vmem>>) attributes {dimension_semantics = [#tpu.dimension_semantics<arbitrary>], iteration_bounds = array<i64: 5>, scalar_prefetch = 0 : i64, scratch_operands = 0 : i64, tpu.core_type = #tpu.core_type<tc>, window_params = [{transform_indices = @transform_0, window_bounds = array<i64: 2000, 1024>}, {transform_indices = @transform_1, window_bounds = array<i64: 2000, 16>}, {pipeline_mode = #tpu.pipeline_mode<synchronous>, transform_indices = @transform_2, window_bounds = array<i64: 64, 64>}, {pipeline_mode = #tpu.pipeline_mode<synchronous>, transform_indices = @transform_3, window_bounds = array<i64: 1, 64>}, {transform_indices = @transform_4, window_bounds = array<i64: 2000, 64>}]} {
    %get3A = arith.constant 0 : index
    %get3A_0 = arith.constant 0 : index
    %get3A_1 = vector.load %arg2[%get3A, %get3A_0] : memref<2000x16xf32, #tpu.memory_space<vmem>>, vector<2000x16xf32>
    %reduce_sum3A = arith.constant dense<0.000000e+00> : vector<2000xf32>
    %reduce_sum3A_2 = vector.multi_reduction <add>, %get3A_1, %reduce_sum3A [1] : vector<2000x16xf32> to vector<2000xf32>
    %broadcast_in_dim3A = vector.shape_cast %reduce_sum3A_2 : vector<2000xf32> to vector<2000x1xf32>
    %add3A = arith.constant 9.99999974E-6 : f32
    %add3A_3 = vector.broadcast %add3A : f32 to vector<2000x1xf32>
    %add3A_4 = arith.addf %broadcast_in_dim3A, %add3A_3 : vector<2000x1xf32>
    %div3A = vector.broadcast %add3A_4 : vector<2000x1xf32> to vector<2000x16xf32>
    %div3A_5 = arith.divf %get3A_1, %div3A : vector<2000x16xf32>
    %get3A_6 = arith.constant 0 : index
    %get3A_7 = arith.constant 0 : index
    %get3A_8 = vector.load %arg1[%get3A_6, %get3A_7] : memref<2000x1024xf32, #tpu.memory_space<vmem>>, vector<2000x1024xf32>
    %get3A_9 = arith.constant 0 : index
    %get3A_10 = arith.constant 0 : index
    %get3A_11 = vector.load %arg3[%get3A_9, %get3A_10] : memref<64x64xf32, #tpu.memory_space<vmem>>, vector<64x64xf32>
    %convert_element_type3A = arith.truncf %get3A_11 : vector<64x64xf32> to vector<64x64xbf16>
    %broadcast_in_dim3A_12 = arith.constant 0.000000e+00 : f32
    %broadcast_in_dim3A_13 = vector.broadcast %broadcast_in_dim3A_12 : f32 to vector<2000x64xf32>
    %slice3A = vector.extract_strided_slice %get3A_8 {offsets = [0, 0], sizes = [2000, 64], strides = [1, 1]} : vector<2000x1024xf32> to vector<2000x64xf32>
    %convert_element_type3A_14 = arith.truncf %slice3A : vector<2000x64xf32> to vector<2000x64xbf16>
    %dot_general3A = arith.constant dense<0.000000e+00> : vector<2000x64xf32>
    %dot_general3A_15 = tpu.matmul %convert_element_type3A_14, %convert_element_type3A, %dot_general3A {dimension_numbers = #tpu.dot_dimension_numbers<[1], [0], [0], [1], [0, 0, 1, 1], [], []>, transpose_lhs_hint = false} : vector<2000x64xbf16>, vector<64x64xbf16>, vector<2000x64xf32> -> vector<2000x64xf32>
    %get3A_16 = arith.constant 0 : index
    %get3A_17 = arith.constant 0 : index
    %get3A_18 = vector.load %arg4[%get3A_16, %get3A_17] : memref<1x64xf32, #tpu.memory_space<vmem>>, vector<1x64xf32>
    %add3A_19 = vector.broadcast %get3A_18 : vector<1x64xf32> to vector<2000x64xf32>
    %add3A_20 = arith.addf %dot_general3A_15, %add3A_19 : vector<2000x64xf32>
    %neg3A = arith.constant 0.000000e+00 : f32
    %neg3A_21 = vector.broadcast %neg3A : f32 to vector<2000x64xf32>
    %neg3A_22 = arith.subf %neg3A_21, %add3A_20 : vector<2000x64xf32>
    %exp3A = math.exp %neg3A_22 : vector<2000x64xf32>
    %add3A_23 = arith.constant 1.000000e+00 : f32
    %add3A_24 = vector.broadcast %add3A_23 : f32 to vector<2000x64xf32>
    %add3A_25 = arith.addf %add3A_24, %exp3A : vector<2000x64xf32>
    %div3A_26 = arith.constant 1.000000e+00 : f32
    %div3A_27 = vector.broadcast %div3A_26 : f32 to vector<2000x64xf32>
    %div3A_28 = arith.divf %div3A_27, %add3A_25 : vector<2000x64xf32>
    %mul3A = arith.mulf %add3A_20, %div3A_28 : vector<2000x64xf32>
    %slice3A_29 = vector.extract_strided_slice %div3A_5 {offsets = [0, 0], sizes = [2000, 1], strides = [1, 1]} : vector<2000x16xf32> to vector<2000x1xf32>
    %mul3A_30 = vector.broadcast %slice3A_29 : vector<2000x1xf32> to vector<2000x64xf32>
    %mul3A_31 = arith.mulf %mul3A, %mul3A_30 : vector<2000x64xf32>
    %add3A_32 = arith.addf %broadcast_in_dim3A_13, %mul3A_31 : vector<2000x64xf32>
    %slice3A_33 = vector.extract_strided_slice %get3A_8 {offsets = [0, 64], sizes = [2000, 64], strides = [1, 1]} : vector<2000x1024xf32> to vector<2000x64xf32>
    %convert_element_type3A_34 = arith.truncf %slice3A_33 : vector<2000x64xf32> to vector<2000x64xbf16>
    %dot_general3A_35 = arith.constant dense<0.000000e+00> : vector<2000x64xf32>
    %dot_general3A_36 = tpu.matmul %convert_element_type3A_34, %convert_element_type3A, %dot_general3A_35 {dimension_numbers = #tpu.dot_dimension_numbers<[1], [0], [0], [1], [0, 0, 1, 1], [], []>, transpose_lhs_hint = false} : vector<2000x64xbf16>, vector<64x64xbf16>, vector<2000x64xf32> -> vector<2000x64xf32>
    %get3A_37 = arith.constant 0 : index
    %get3A_38 = arith.constant 0 : index
    %get3A_39 = vector.load %arg4[%get3A_37, %get3A_38] : memref<1x64xf32, #tpu.memory_space<vmem>>, vector<1x64xf32>
    %add3A_40 = vector.broadcast %get3A_39 : vector<1x64xf32> to vector<2000x64xf32>
    %add3A_41 = arith.addf %dot_general3A_36, %add3A_40 : vector<2000x64xf32>
    %neg3A_42 = arith.constant 0.000000e+00 : f32
    %neg3A_43 = vector.broadcast %neg3A_42 : f32 to vector<2000x64xf32>
    %neg3A_44 = arith.subf %neg3A_43, %add3A_41 : vector<2000x64xf32>
    %exp3A_45 = math.exp %neg3A_44 : vector<2000x64xf32>
    %add3A_46 = arith.constant 1.000000e+00 : f32
    %add3A_47 = vector.broadcast %add3A_46 : f32 to vector<2000x64xf32>
    %add3A_48 = arith.addf %add3A_47, %exp3A_45 : vector<2000x64xf32>
    %div3A_49 = arith.constant 1.000000e+00 : f32
    %div3A_50 = vector.broadcast %div3A_49 : f32 to vector<2000x64xf32>
    %div3A_51 = arith.divf %div3A_50, %add3A_48 : vector<2000x64xf32>
    %mul3A_52 = arith.mulf %add3A_41, %div3A_51 : vector<2000x64xf32>
    %slice3A_53 = vector.extract_strided_slice %div3A_5 {offsets = [0, 1], sizes = [2000, 1], strides = [1, 1]} : vector<2000x16xf32> to vector<2000x1xf32>
    %mul3A_54 = vector.broadcast %slice3A_53 : vector<2000x1xf32> to vector<2000x64xf32>
    %mul3A_55 = arith.mulf %mul3A_52, %mul3A_54 : vector<2000x64xf32>
    %add3A_56 = arith.addf %add3A_32, %mul3A_55 : vector<2000x64xf32>
    %slice3A_57 = vector.extract_strided_slice %get3A_8 {offsets = [0, 128], sizes = [2000, 64], strides = [1, 1]} : vector<2000x1024xf32> to vector<2000x64xf32>
    %convert_element_type3A_58 = arith.truncf %slice3A_57 : vector<2000x64xf32> to vector<2000x64xbf16>
    %dot_general3A_59 = arith.constant dense<0.000000e+00> : vector<2000x64xf32>
    %dot_general3A_60 = tpu.matmul %convert_element_type3A_58, %convert_element_type3A, %dot_general3A_59 {dimension_numbers = #tpu.dot_dimension_numbers<[1], [0], [0], [1], [0, 0, 1, 1], [], []>, transpose_lhs_hint = false} : vector<2000x64xbf16>, vector<64x64xbf16>, vector<2000x64xf32> -> vector<2000x64xf32>
    %get3A_61 = arith.constant 0 : index
    %get3A_62 = arith.constant 0 : index
    %get3A_63 = vector.load %arg4[%get3A_61, %get3A_62] : memref<1x64xf32, #tpu.memory_space<vmem>>, vector<1x64xf32>
    %add3A_64 = vector.broadcast %get3A_63 : vector<1x64xf32> to vector<2000x64xf32>
    %add3A_65 = arith.addf %dot_general3A_60, %add3A_64 : vector<2000x64xf32>
    %neg3A_66 = arith.constant 0.000000e+00 : f32
    %neg3A_67 = vector.broadcast %neg3A_66 : f32 to vector<2000x64xf32>
    %neg3A_68 = arith.subf %neg3A_67, %add3A_65 : vector<2000x64xf32>
    %exp3A_69 = math.exp %neg3A_68 : vector<2000x64xf32>
    %add3A_70 = arith.constant 1.000000e+00 : f32
    %add3A_71 = vector.broadcast %add3A_70 : f32 to vector<2000x64xf32>
    %add3A_72 = arith.addf %add3A_71, %exp3A_69 : vector<2000x64xf32>
    %div3A_73 = arith.constant 1.000000e+00 : f32
    %div3A_74 = vector.broadcast %div3A_73 : f32 to vector<2000x64xf32>
    %div3A_75 = arith.divf %div3A_74, %add3A_72 : vector<2000x64xf32>
    %mul3A_76 = arith.mulf %add3A_65, %div3A_75 : vector<2000x64xf32>
    %slice3A_77 = vector.extract_strided_slice %div3A_5 {offsets = [0, 2], sizes = [2000, 1], strides = [1, 1]} : vector<2000x16xf32> to vector<2000x1xf32>
    %mul3A_78 = vector.broadcast %slice3A_77 : vector<2000x1xf32> to vector<2000x64xf32>
    %mul3A_79 = arith.mulf %mul3A_76, %mul3A_78 : vector<2000x64xf32>
    %add3A_80 = arith.addf %add3A_56, %mul3A_79 : vector<2000x64xf32>
    %slice3A_81 = vector.extract_strided_slice %get3A_8 {offsets = [0, 192], sizes = [2000, 64], strides = [1, 1]} : vector<2000x1024xf32> to vector<2000x64xf32>
    %convert_element_type3A_82 = arith.truncf %slice3A_81 : vector<2000x64xf32> to vector<2000x64xbf16>
    %dot_general3A_83 = arith.constant dense<0.000000e+00> : vector<2000x64xf32>
    %dot_general3A_84 = tpu.matmul %convert_element_type3A_82, %convert_element_type3A, %dot_general3A_83 {dimension_numbers = #tpu.dot_dimension_numbers<[1], [0], [0], [1], [0, 0, 1, 1], [], []>, transpose_lhs_hint = false} : vector<2000x64xbf16>, vector<64x64xbf16>, vector<2000x64xf32> -> vector<2000x64xf32>
    %get3A_85 = arith.constant 0 : index
    %get3A_86 = arith.constant 0 : index
    %get3A_87 = vector.load %arg4[%get3A_85, %get3A_86] : memref<1x64xf32, #tpu.memory_space<vmem>>, vector<1x64xf32>
    %add3A_88 = vector.broadcast %get3A_87 : vector<1x64xf32> to vector<2000x64xf32>
    %add3A_89 = arith.addf %dot_general3A_84, %add3A_88 : vector<2000x64xf32>
    %neg3A_90 = arith.constant 0.000000e+00 : f32
    %neg3A_91 = vector.broadcast %neg3A_90 : f32 to vector<2000x64xf32>
    %neg3A_92 = arith.subf %neg3A_91, %add3A_89 : vector<2000x64xf32>
    %exp3A_93 = math.exp %neg3A_92 : vector<2000x64xf32>
    %add3A_94 = arith.constant 1.000000e+00 : f32
    %add3A_95 = vector.broadcast %add3A_94 : f32 to vector<2000x64xf32>
    %add3A_96 = arith.addf %add3A_95, %exp3A_93 : vector<2000x64xf32>
    %div3A_97 = arith.constant 1.000000e+00 : f32
    %div3A_98 = vector.broadcast %div3A_97 : f32 to vector<2000x64xf32>
    %div3A_99 = arith.divf %div3A_98, %add3A_96 : vector<2000x64xf32>
    %mul3A_100 = arith.mulf %add3A_89, %div3A_99 : vector<2000x64xf32>
    %slice3A_101 = vector.extract_strided_slice %div3A_5 {offsets = [0, 3], sizes = [2000, 1], strides = [1, 1]} : vector<2000x16xf32> to vector<2000x1xf32>
    %mul3A_102 = vector.broadcast %slice3A_101 : vector<2000x1xf32> to vector<2000x64xf32>
    %mul3A_103 = arith.mulf %mul3A_100, %mul3A_102 : vector<2000x64xf32>
    %add3A_104 = arith.addf %add3A_80, %mul3A_103 : vector<2000x64xf32>
    %slice3A_105 = vector.extract_strided_slice %get3A_8 {offsets = [0, 256], sizes = [2000, 64], strides = [1, 1]} : vector<2000x1024xf32> to vector<2000x64xf32>
    %convert_element_type3A_106 = arith.truncf %slice3A_105 : vector<2000x64xf32> to vector<2000x64xbf16>
    %dot_general3A_107 = arith.constant dense<0.000000e+00> : vector<2000x64xf32>
    %dot_general3A_108 = tpu.matmul %convert_element_type3A_106, %convert_element_type3A, %dot_general3A_107 {dimension_numbers = #tpu.dot_dimension_numbers<[1], [0], [0], [1], [0, 0, 1, 1], [], []>, transpose_lhs_hint = false} : vector<2000x64xbf16>, vector<64x64xbf16>, vector<2000x64xf32> -> vector<2000x64xf32>
    %get3A_109 = arith.constant 0 : index
    %get3A_110 = arith.constant 0 : index
    %get3A_111 = vector.load %arg4[%get3A_109, %get3A_110] : memref<1x64xf32, #tpu.memory_space<vmem>>, vector<1x64xf32>
    %add3A_112 = vector.broadcast %get3A_111 : vector<1x64xf32> to vector<2000x64xf32>
    %add3A_113 = arith.addf %dot_general3A_108, %add3A_112 : vector<2000x64xf32>
    %neg3A_114 = arith.constant 0.000000e+00 : f32
    %neg3A_115 = vector.broadcast %neg3A_114 : f32 to vector<2000x64xf32>
    %neg3A_116 = arith.subf %neg3A_115, %add3A_113 : vector<2000x64xf32>
    %exp3A_117 = math.exp %neg3A_116 : vector<2000x64xf32>
    %add3A_118 = arith.constant 1.000000e+00 : f32
    %add3A_119 = vector.broadcast %add3A_118 : f32 to vector<2000x64xf32>
    %add3A_120 = arith.addf %add3A_119, %exp3A_117 : vector<2000x64xf32>
    %div3A_121 = arith.constant 1.000000e+00 : f32
    %div3A_122 = vector.broadcast %div3A_121 : f32 to vector<2000x64xf32>
    %div3A_123 = arith.divf %div3A_122, %add3A_120 : vector<2000x64xf32>
    %mul3A_124 = arith.mulf %add3A_113, %div3A_123 : vector<2000x64xf32>
    %slice3A_125 = vector.extract_strided_slice %div3A_5 {offsets = [0, 4], sizes = [2000, 1], strides = [1, 1]} : vector<2000x16xf32> to vector<2000x1xf32>
    %mul3A_126 = vector.broadcast %slice3A_125 : vector<2000x1xf32> to vector<2000x64xf32>
    %mul3A_127 = arith.mulf %mul3A_124, %mul3A_126 : vector<2000x64xf32>
    %add3A_128 = arith.addf %add3A_104, %mul3A_127 : vector<2000x64xf32>
    %slice3A_129 = vector.extract_strided_slice %get3A_8 {offsets = [0, 320], sizes = [2000, 64], strides = [1, 1]} : vector<2000x1024xf32> to vector<2000x64xf32>
    %convert_element_type3A_130 = arith.truncf %slice3A_129 : vector<2000x64xf32> to vector<2000x64xbf16>
    %dot_general3A_131 = arith.constant dense<0.000000e+00> : vector<2000x64xf32>
    %dot_general3A_132 = tpu.matmul %convert_element_type3A_130, %convert_element_type3A, %dot_general3A_131 {dimension_numbers = #tpu.dot_dimension_numbers<[1], [0], [0], [1], [0, 0, 1, 1], [], []>, transpose_lhs_hint = false} : vector<2000x64xbf16>, vector<64x64xbf16>, vector<2000x64xf32> -> vector<2000x64xf32>
    %get3A_133 = arith.constant 0 : index
    %get3A_134 = arith.constant 0 : index
    %get3A_135 = vector.load %arg4[%get3A_133, %get3A_134] : memref<1x64xf32, #tpu.memory_space<vmem>>, vector<1x64xf32>
    %add3A_136 = vector.broadcast %get3A_135 : vector<1x64xf32> to vector<2000x64xf32>
    %add3A_137 = arith.addf %dot_general3A_132, %add3A_136 : vector<2000x64xf32>
    %neg3A_138 = arith.constant 0.000000e+00 : f32
    %neg3A_139 = vector.broadcast %neg3A_138 : f32 to vector<2000x64xf32>
    %neg3A_140 = arith.subf %neg3A_139, %add3A_137 : vector<2000x64xf32>
    %exp3A_141 = math.exp %neg3A_140 : vector<2000x64xf32>
    %add3A_142 = arith.constant 1.000000e+00 : f32
    %add3A_143 = vector.broadcast %add3A_142 : f32 to vector<2000x64xf32>
    %add3A_144 = arith.addf %add3A_143, %exp3A_141 : vector<2000x64xf32>
    %div3A_145 = arith.constant 1.000000e+00 : f32
    %div3A_146 = vector.broadcast %div3A_145 : f32 to vector<2000x64xf32>
    %div3A_147 = arith.divf %div3A_146, %add3A_144 : vector<2000x64xf32>
    %mul3A_148 = arith.mulf %add3A_137, %div3A_147 : vector<2000x64xf32>
    %slice3A_149 = vector.extract_strided_slice %div3A_5 {offsets = [0, 5], sizes = [2000, 1], strides = [1, 1]} : vector<2000x16xf32> to vector<2000x1xf32>
    %mul3A_150 = vector.broadcast %slice3A_149 : vector<2000x1xf32> to vector<2000x64xf32>
    %mul3A_151 = arith.mulf %mul3A_148, %mul3A_150 : vector<2000x64xf32>
    %add3A_152 = arith.addf %add3A_128, %mul3A_151 : vector<2000x64xf32>
    %slice3A_153 = vector.extract_strided_slice %get3A_8 {offsets = [0, 384], sizes = [2000, 64], strides = [1, 1]} : vector<2000x1024xf32> to vector<2000x64xf32>
    %convert_element_type3A_154 = arith.truncf %slice3A_153 : vector<2000x64xf32> to vector<2000x64xbf16>
    %dot_general3A_155 = arith.constant dense<0.000000e+00> : vector<2000x64xf32>
    %dot_general3A_156 = tpu.matmul %convert_element_type3A_154, %convert_element_type3A, %dot_general3A_155 {dimension_numbers = #tpu.dot_dimension_numbers<[1], [0], [0], [1], [0, 0, 1, 1], [], []>, transpose_lhs_hint = false} : vector<2000x64xbf16>, vector<64x64xbf16>, vector<2000x64xf32> -> vector<2000x64xf32>
    %get3A_157 = arith.constant 0 : index
    %get3A_158 = arith.constant 0 : index
    %get3A_159 = vector.load %arg4[%get3A_157, %get3A_158] : memref<1x64xf32, #tpu.memory_space<vmem>>, vector<1x64xf32>
    %add3A_160 = vector.broadcast %get3A_159 : vector<1x64xf32> to vector<2000x64xf32>
    %add3A_161 = arith.addf %dot_general3A_156, %add3A_160 : vector<2000x64xf32>
    %neg3A_162 = arith.constant 0.000000e+00 : f32
    %neg3A_163 = vector.broadcast %neg3A_162 : f32 to vector<2000x64xf32>
    %neg3A_164 = arith.subf %neg3A_163, %add3A_161 : vector<2000x64xf32>
    %exp3A_165 = math.exp %neg3A_164 : vector<2000x64xf32>
    %add3A_166 = arith.constant 1.000000e+00 : f32
    %add3A_167 = vector.broadcast %add3A_166 : f32 to vector<2000x64xf32>
    %add3A_168 = arith.addf %add3A_167, %exp3A_165 : vector<2000x64xf32>
    %div3A_169 = arith.constant 1.000000e+00 : f32
    %div3A_170 = vector.broadcast %div3A_169 : f32 to vector<2000x64xf32>
    %div3A_171 = arith.divf %div3A_170, %add3A_168 : vector<2000x64xf32>
    %mul3A_172 = arith.mulf %add3A_161, %div3A_171 : vector<2000x64xf32>
    %slice3A_173 = vector.extract_strided_slice %div3A_5 {offsets = [0, 6], sizes = [2000, 1], strides = [1, 1]} : vector<2000x16xf32> to vector<2000x1xf32>
    %mul3A_174 = vector.broadcast %slice3A_173 : vector<2000x1xf32> to vector<2000x64xf32>
    %mul3A_175 = arith.mulf %mul3A_172, %mul3A_174 : vector<2000x64xf32>
    %add3A_176 = arith.addf %add3A_152, %mul3A_175 : vector<2000x64xf32>
    %slice3A_177 = vector.extract_strided_slice %get3A_8 {offsets = [0, 448], sizes = [2000, 64], strides = [1, 1]} : vector<2000x1024xf32> to vector<2000x64xf32>
    %convert_element_type3A_178 = arith.truncf %slice3A_177 : vector<2000x64xf32> to vector<2000x64xbf16>
    %dot_general3A_179 = arith.constant dense<0.000000e+00> : vector<2000x64xf32>
    %dot_general3A_180 = tpu.matmul %convert_element_type3A_178, %convert_element_type3A, %dot_general3A_179 {dimension_numbers = #tpu.dot_dimension_numbers<[1], [0], [0], [1], [0, 0, 1, 1], [], []>, transpose_lhs_hint = false} : vector<2000x64xbf16>, vector<64x64xbf16>, vector<2000x64xf32> -> vector<2000x64xf32>
    %get3A_181 = arith.constant 0 : index
    %get3A_182 = arith.constant 0 : index
    %get3A_183 = vector.load %arg4[%get3A_181, %get3A_182] : memref<1x64xf32, #tpu.memory_space<vmem>>, vector<1x64xf32>
    %add3A_184 = vector.broadcast %get3A_183 : vector<1x64xf32> to vector<2000x64xf32>
    %add3A_185 = arith.addf %dot_general3A_180, %add3A_184 : vector<2000x64xf32>
    %neg3A_186 = arith.constant 0.000000e+00 : f32
    %neg3A_187 = vector.broadcast %neg3A_186 : f32 to vector<2000x64xf32>
    %neg3A_188 = arith.subf %neg3A_187, %add3A_185 : vector<2000x64xf32>
    %exp3A_189 = math.exp %neg3A_188 : vector<2000x64xf32>
    %add3A_190 = arith.constant 1.000000e+00 : f32
    %add3A_191 = vector.broadcast %add3A_190 : f32 to vector<2000x64xf32>
    %add3A_192 = arith.addf %add3A_191, %exp3A_189 : vector<2000x64xf32>
    %div3A_193 = arith.constant 1.000000e+00 : f32
    %div3A_194 = vector.broadcast %div3A_193 : f32 to vector<2000x64xf32>
    %div3A_195 = arith.divf %div3A_194, %add3A_192 : vector<2000x64xf32>
    %mul3A_196 = arith.mulf %add3A_185, %div3A_195 : vector<2000x64xf32>
    %slice3A_197 = vector.extract_strided_slice %div3A_5 {offsets = [0, 7], sizes = [2000, 1], strides = [1, 1]} : vector<2000x16xf32> to vector<2000x1xf32>
    %mul3A_198 = vector.broadcast %slice3A_197 : vector<2000x1xf32> to vector<2000x64xf32>
    %mul3A_199 = arith.mulf %mul3A_196, %mul3A_198 : vector<2000x64xf32>
    %add3A_200 = arith.addf %add3A_176, %mul3A_199 : vector<2000x64xf32>
    %slice3A_201 = vector.extract_strided_slice %get3A_8 {offsets = [0, 512], sizes = [2000, 64], strides = [1, 1]} : vector<2000x1024xf32> to vector<2000x64xf32>
    %convert_element_type3A_202 = arith.truncf %slice3A_201 : vector<2000x64xf32> to vector<2000x64xbf16>
    %dot_general3A_203 = arith.constant dense<0.000000e+00> : vector<2000x64xf32>
    %dot_general3A_204 = tpu.matmul %convert_element_type3A_202, %convert_element_type3A, %dot_general3A_203 {dimension_numbers = #tpu.dot_dimension_numbers<[1], [0], [0], [1], [0, 0, 1, 1], [], []>, transpose_lhs_hint = false} : vector<2000x64xbf16>, vector<64x64xbf16>, vector<2000x64xf32> -> vector<2000x64xf32>
    %get3A_205 = arith.constant 0 : index
    %get3A_206 = arith.constant 0 : index
    %get3A_207 = vector.load %arg4[%get3A_205, %get3A_206] : memref<1x64xf32, #tpu.memory_space<vmem>>, vector<1x64xf32>
    %add3A_208 = vector.broadcast %get3A_207 : vector<1x64xf32> to vector<2000x64xf32>
    %add3A_209 = arith.addf %dot_general3A_204, %add3A_208 : vector<2000x64xf32>
    %neg3A_210 = arith.constant 0.000000e+00 : f32
    %neg3A_211 = vector.broadcast %neg3A_210 : f32 to vector<2000x64xf32>
    %neg3A_212 = arith.subf %neg3A_211, %add3A_209 : vector<2000x64xf32>
    %exp3A_213 = math.exp %neg3A_212 : vector<2000x64xf32>
    %add3A_214 = arith.constant 1.000000e+00 : f32
    %add3A_215 = vector.broadcast %add3A_214 : f32 to vector<2000x64xf32>
    %add3A_216 = arith.addf %add3A_215, %exp3A_213 : vector<2000x64xf32>
    %div3A_217 = arith.constant 1.000000e+00 : f32
    %div3A_218 = vector.broadcast %div3A_217 : f32 to vector<2000x64xf32>
    %div3A_219 = arith.divf %div3A_218, %add3A_216 : vector<2000x64xf32>
    %mul3A_220 = arith.mulf %add3A_209, %div3A_219 : vector<2000x64xf32>
    %slice3A_221 = vector.extract_strided_slice %div3A_5 {offsets = [0, 8], sizes = [2000, 1], strides = [1, 1]} : vector<2000x16xf32> to vector<2000x1xf32>
    %mul3A_222 = vector.broadcast %slice3A_221 : vector<2000x1xf32> to vector<2000x64xf32>
    %mul3A_223 = arith.mulf %mul3A_220, %mul3A_222 : vector<2000x64xf32>
    %add3A_224 = arith.addf %add3A_200, %mul3A_223 : vector<2000x64xf32>
    %slice3A_225 = vector.extract_strided_slice %get3A_8 {offsets = [0, 576], sizes = [2000, 64], strides = [1, 1]} : vector<2000x1024xf32> to vector<2000x64xf32>
    %convert_element_type3A_226 = arith.truncf %slice3A_225 : vector<2000x64xf32> to vector<2000x64xbf16>
    %dot_general3A_227 = arith.constant dense<0.000000e+00> : vector<2000x64xf32>
    %dot_general3A_228 = tpu.matmul %convert_element_type3A_226, %convert_element_type3A, %dot_general3A_227 {dimension_numbers = #tpu.dot_dimension_numbers<[1], [0], [0], [1], [0, 0, 1, 1], [], []>, transpose_lhs_hint = false} : vector<2000x64xbf16>, vector<64x64xbf16>, vector<2000x64xf32> -> vector<2000x64xf32>
    %get3A_229 = arith.constant 0 : index
    %get3A_230 = arith.constant 0 : index
    %get3A_231 = vector.load %arg4[%get3A_229, %get3A_230] : memref<1x64xf32, #tpu.memory_space<vmem>>, vector<1x64xf32>
    %add3A_232 = vector.broadcast %get3A_231 : vector<1x64xf32> to vector<2000x64xf32>
    %add3A_233 = arith.addf %dot_general3A_228, %add3A_232 : vector<2000x64xf32>
    %neg3A_234 = arith.constant 0.000000e+00 : f32
    %neg3A_235 = vector.broadcast %neg3A_234 : f32 to vector<2000x64xf32>
    %neg3A_236 = arith.subf %neg3A_235, %add3A_233 : vector<2000x64xf32>
    %exp3A_237 = math.exp %neg3A_236 : vector<2000x64xf32>
    %add3A_238 = arith.constant 1.000000e+00 : f32
    %add3A_239 = vector.broadcast %add3A_238 : f32 to vector<2000x64xf32>
    %add3A_240 = arith.addf %add3A_239, %exp3A_237 : vector<2000x64xf32>
    %div3A_241 = arith.constant 1.000000e+00 : f32
    %div3A_242 = vector.broadcast %div3A_241 : f32 to vector<2000x64xf32>
    %div3A_243 = arith.divf %div3A_242, %add3A_240 : vector<2000x64xf32>
    %mul3A_244 = arith.mulf %add3A_233, %div3A_243 : vector<2000x64xf32>
    %slice3A_245 = vector.extract_strided_slice %div3A_5 {offsets = [0, 9], sizes = [2000, 1], strides = [1, 1]} : vector<2000x16xf32> to vector<2000x1xf32>
    %mul3A_246 = vector.broadcast %slice3A_245 : vector<2000x1xf32> to vector<2000x64xf32>
    %mul3A_247 = arith.mulf %mul3A_244, %mul3A_246 : vector<2000x64xf32>
    %add3A_248 = arith.addf %add3A_224, %mul3A_247 : vector<2000x64xf32>
    %slice3A_249 = vector.extract_strided_slice %get3A_8 {offsets = [0, 640], sizes = [2000, 64], strides = [1, 1]} : vector<2000x1024xf32> to vector<2000x64xf32>
    %convert_element_type3A_250 = arith.truncf %slice3A_249 : vector<2000x64xf32> to vector<2000x64xbf16>
    %dot_general3A_251 = arith.constant dense<0.000000e+00> : vector<2000x64xf32>
    %dot_general3A_252 = tpu.matmul %convert_element_type3A_250, %convert_element_type3A, %dot_general3A_251 {dimension_numbers = #tpu.dot_dimension_numbers<[1], [0], [0], [1], [0, 0, 1, 1], [], []>, transpose_lhs_hint = false} : vector<2000x64xbf16>, vector<64x64xbf16>, vector<2000x64xf32> -> vector<2000x64xf32>
    %get3A_253 = arith.constant 0 : index
    %get3A_254 = arith.constant 0 : index
    %get3A_255 = vector.load %arg4[%get3A_253, %get3A_254] : memref<1x64xf32, #tpu.memory_space<vmem>>, vector<1x64xf32>
    %add3A_256 = vector.broadcast %get3A_255 : vector<1x64xf32> to vector<2000x64xf32>
    %add3A_257 = arith.addf %dot_general3A_252, %add3A_256 : vector<2000x64xf32>
    %neg3A_258 = arith.constant 0.000000e+00 : f32
    %neg3A_259 = vector.broadcast %neg3A_258 : f32 to vector<2000x64xf32>
    %neg3A_260 = arith.subf %neg3A_259, %add3A_257 : vector<2000x64xf32>
    %exp3A_261 = math.exp %neg3A_260 : vector<2000x64xf32>
    %add3A_262 = arith.constant 1.000000e+00 : f32
    %add3A_263 = vector.broadcast %add3A_262 : f32 to vector<2000x64xf32>
    %add3A_264 = arith.addf %add3A_263, %exp3A_261 : vector<2000x64xf32>
    %div3A_265 = arith.constant 1.000000e+00 : f32
    %div3A_266 = vector.broadcast %div3A_265 : f32 to vector<2000x64xf32>
    %div3A_267 = arith.divf %div3A_266, %add3A_264 : vector<2000x64xf32>
    %mul3A_268 = arith.mulf %add3A_257, %div3A_267 : vector<2000x64xf32>
    %slice3A_269 = vector.extract_strided_slice %div3A_5 {offsets = [0, 10], sizes = [2000, 1], strides = [1, 1]} : vector<2000x16xf32> to vector<2000x1xf32>
    %mul3A_270 = vector.broadcast %slice3A_269 : vector<2000x1xf32> to vector<2000x64xf32>
    %mul3A_271 = arith.mulf %mul3A_268, %mul3A_270 : vector<2000x64xf32>
    %add3A_272 = arith.addf %add3A_248, %mul3A_271 : vector<2000x64xf32>
    %slice3A_273 = vector.extract_strided_slice %get3A_8 {offsets = [0, 704], sizes = [2000, 64], strides = [1, 1]} : vector<2000x1024xf32> to vector<2000x64xf32>
    %convert_element_type3A_274 = arith.truncf %slice3A_273 : vector<2000x64xf32> to vector<2000x64xbf16>
    %dot_general3A_275 = arith.constant dense<0.000000e+00> : vector<2000x64xf32>
    %dot_general3A_276 = tpu.matmul %convert_element_type3A_274, %convert_element_type3A, %dot_general3A_275 {dimension_numbers = #tpu.dot_dimension_numbers<[1], [0], [0], [1], [0, 0, 1, 1], [], []>, transpose_lhs_hint = false} : vector<2000x64xbf16>, vector<64x64xbf16>, vector<2000x64xf32> -> vector<2000x64xf32>
    %get3A_277 = arith.constant 0 : index
    %get3A_278 = arith.constant 0 : index
    %get3A_279 = vector.load %arg4[%get3A_277, %get3A_278] : memref<1x64xf32, #tpu.memory_space<vmem>>, vector<1x64xf32>
    %add3A_280 = vector.broadcast %get3A_279 : vector<1x64xf32> to vector<2000x64xf32>
    %add3A_281 = arith.addf %dot_general3A_276, %add3A_280 : vector<2000x64xf32>
    %neg3A_282 = arith.constant 0.000000e+00 : f32
    %neg3A_283 = vector.broadcast %neg3A_282 : f32 to vector<2000x64xf32>
    %neg3A_284 = arith.subf %neg3A_283, %add3A_281 : vector<2000x64xf32>
    %exp3A_285 = math.exp %neg3A_284 : vector<2000x64xf32>
    %add3A_286 = arith.constant 1.000000e+00 : f32
    %add3A_287 = vector.broadcast %add3A_286 : f32 to vector<2000x64xf32>
    %add3A_288 = arith.addf %add3A_287, %exp3A_285 : vector<2000x64xf32>
    %div3A_289 = arith.constant 1.000000e+00 : f32
    %div3A_290 = vector.broadcast %div3A_289 : f32 to vector<2000x64xf32>
    %div3A_291 = arith.divf %div3A_290, %add3A_288 : vector<2000x64xf32>
    %mul3A_292 = arith.mulf %add3A_281, %div3A_291 : vector<2000x64xf32>
    %slice3A_293 = vector.extract_strided_slice %div3A_5 {offsets = [0, 11], sizes = [2000, 1], strides = [1, 1]} : vector<2000x16xf32> to vector<2000x1xf32>
    %mul3A_294 = vector.broadcast %slice3A_293 : vector<2000x1xf32> to vector<2000x64xf32>
    %mul3A_295 = arith.mulf %mul3A_292, %mul3A_294 : vector<2000x64xf32>
    %add3A_296 = arith.addf %add3A_272, %mul3A_295 : vector<2000x64xf32>
    %slice3A_297 = vector.extract_strided_slice %get3A_8 {offsets = [0, 768], sizes = [2000, 64], strides = [1, 1]} : vector<2000x1024xf32> to vector<2000x64xf32>
    %convert_element_type3A_298 = arith.truncf %slice3A_297 : vector<2000x64xf32> to vector<2000x64xbf16>
    %dot_general3A_299 = arith.constant dense<0.000000e+00> : vector<2000x64xf32>
    %dot_general3A_300 = tpu.matmul %convert_element_type3A_298, %convert_element_type3A, %dot_general3A_299 {dimension_numbers = #tpu.dot_dimension_numbers<[1], [0], [0], [1], [0, 0, 1, 1], [], []>, transpose_lhs_hint = false} : vector<2000x64xbf16>, vector<64x64xbf16>, vector<2000x64xf32> -> vector<2000x64xf32>
    %get3A_301 = arith.constant 0 : index
    %get3A_302 = arith.constant 0 : index
    %get3A_303 = vector.load %arg4[%get3A_301, %get3A_302] : memref<1x64xf32, #tpu.memory_space<vmem>>, vector<1x64xf32>
    %add3A_304 = vector.broadcast %get3A_303 : vector<1x64xf32> to vector<2000x64xf32>
    %add3A_305 = arith.addf %dot_general3A_300, %add3A_304 : vector<2000x64xf32>
    %neg3A_306 = arith.constant 0.000000e+00 : f32
    %neg3A_307 = vector.broadcast %neg3A_306 : f32 to vector<2000x64xf32>
    %neg3A_308 = arith.subf %neg3A_307, %add3A_305 : vector<2000x64xf32>
    %exp3A_309 = math.exp %neg3A_308 : vector<2000x64xf32>
    %add3A_310 = arith.constant 1.000000e+00 : f32
    %add3A_311 = vector.broadcast %add3A_310 : f32 to vector<2000x64xf32>
    %add3A_312 = arith.addf %add3A_311, %exp3A_309 : vector<2000x64xf32>
    %div3A_313 = arith.constant 1.000000e+00 : f32
    %div3A_314 = vector.broadcast %div3A_313 : f32 to vector<2000x64xf32>
    %div3A_315 = arith.divf %div3A_314, %add3A_312 : vector<2000x64xf32>
    %mul3A_316 = arith.mulf %add3A_305, %div3A_315 : vector<2000x64xf32>
    %slice3A_317 = vector.extract_strided_slice %div3A_5 {offsets = [0, 12], sizes = [2000, 1], strides = [1, 1]} : vector<2000x16xf32> to vector<2000x1xf32>
    %mul3A_318 = vector.broadcast %slice3A_317 : vector<2000x1xf32> to vector<2000x64xf32>
    %mul3A_319 = arith.mulf %mul3A_316, %mul3A_318 : vector<2000x64xf32>
    %add3A_320 = arith.addf %add3A_296, %mul3A_319 : vector<2000x64xf32>
    %slice3A_321 = vector.extract_strided_slice %get3A_8 {offsets = [0, 832], sizes = [2000, 64], strides = [1, 1]} : vector<2000x1024xf32> to vector<2000x64xf32>
    %convert_element_type3A_322 = arith.truncf %slice3A_321 : vector<2000x64xf32> to vector<2000x64xbf16>
    %dot_general3A_323 = arith.constant dense<0.000000e+00> : vector<2000x64xf32>
    %dot_general3A_324 = tpu.matmul %convert_element_type3A_322, %convert_element_type3A, %dot_general3A_323 {dimension_numbers = #tpu.dot_dimension_numbers<[1], [0], [0], [1], [0, 0, 1, 1], [], []>, transpose_lhs_hint = false} : vector<2000x64xbf16>, vector<64x64xbf16>, vector<2000x64xf32> -> vector<2000x64xf32>
    %get3A_325 = arith.constant 0 : index
    %get3A_326 = arith.constant 0 : index
    %get3A_327 = vector.load %arg4[%get3A_325, %get3A_326] : memref<1x64xf32, #tpu.memory_space<vmem>>, vector<1x64xf32>
    %add3A_328 = vector.broadcast %get3A_327 : vector<1x64xf32> to vector<2000x64xf32>
    %add3A_329 = arith.addf %dot_general3A_324, %add3A_328 : vector<2000x64xf32>
    %neg3A_330 = arith.constant 0.000000e+00 : f32
    %neg3A_331 = vector.broadcast %neg3A_330 : f32 to vector<2000x64xf32>
    %neg3A_332 = arith.subf %neg3A_331, %add3A_329 : vector<2000x64xf32>
    %exp3A_333 = math.exp %neg3A_332 : vector<2000x64xf32>
    %add3A_334 = arith.constant 1.000000e+00 : f32
    %add3A_335 = vector.broadcast %add3A_334 : f32 to vector<2000x64xf32>
    %add3A_336 = arith.addf %add3A_335, %exp3A_333 : vector<2000x64xf32>
    %div3A_337 = arith.constant 1.000000e+00 : f32
    %div3A_338 = vector.broadcast %div3A_337 : f32 to vector<2000x64xf32>
    %div3A_339 = arith.divf %div3A_338, %add3A_336 : vector<2000x64xf32>
    %mul3A_340 = arith.mulf %add3A_329, %div3A_339 : vector<2000x64xf32>
    %slice3A_341 = vector.extract_strided_slice %div3A_5 {offsets = [0, 13], sizes = [2000, 1], strides = [1, 1]} : vector<2000x16xf32> to vector<2000x1xf32>
    %mul3A_342 = vector.broadcast %slice3A_341 : vector<2000x1xf32> to vector<2000x64xf32>
    %mul3A_343 = arith.mulf %mul3A_340, %mul3A_342 : vector<2000x64xf32>
    %add3A_344 = arith.addf %add3A_320, %mul3A_343 : vector<2000x64xf32>
    %slice3A_345 = vector.extract_strided_slice %get3A_8 {offsets = [0, 896], sizes = [2000, 64], strides = [1, 1]} : vector<2000x1024xf32> to vector<2000x64xf32>
    %convert_element_type3A_346 = arith.truncf %slice3A_345 : vector<2000x64xf32> to vector<2000x64xbf16>
    %dot_general3A_347 = arith.constant dense<0.000000e+00> : vector<2000x64xf32>
    %dot_general3A_348 = tpu.matmul %convert_element_type3A_346, %convert_element_type3A, %dot_general3A_347 {dimension_numbers = #tpu.dot_dimension_numbers<[1], [0], [0], [1], [0, 0, 1, 1], [], []>, transpose_lhs_hint = false} : vector<2000x64xbf16>, vector<64x64xbf16>, vector<2000x64xf32> -> vector<2000x64xf32>
    %get3A_349 = arith.constant 0 : index
    %get3A_350 = arith.constant 0 : index
    %get3A_351 = vector.load %arg4[%get3A_349, %get3A_350] : memref<1x64xf32, #tpu.memory_space<vmem>>, vector<1x64xf32>
    %add3A_352 = vector.broadcast %get3A_351 : vector<1x64xf32> to vector<2000x64xf32>
    %add3A_353 = arith.addf %dot_general3A_348, %add3A_352 : vector<2000x64xf32>
    %neg3A_354 = arith.constant 0.000000e+00 : f32
    %neg3A_355 = vector.broadcast %neg3A_354 : f32 to vector<2000x64xf32>
    %neg3A_356 = arith.subf %neg3A_355, %add3A_353 : vector<2000x64xf32>
    %exp3A_357 = math.exp %neg3A_356 : vector<2000x64xf32>
    %add3A_358 = arith.constant 1.000000e+00 : f32
    %add3A_359 = vector.broadcast %add3A_358 : f32 to vector<2000x64xf32>
    %add3A_360 = arith.addf %add3A_359, %exp3A_357 : vector<2000x64xf32>
    %div3A_361 = arith.constant 1.000000e+00 : f32
    %div3A_362 = vector.broadcast %div3A_361 : f32 to vector<2000x64xf32>
    %div3A_363 = arith.divf %div3A_362, %add3A_360 : vector<2000x64xf32>
    %mul3A_364 = arith.mulf %add3A_353, %div3A_363 : vector<2000x64xf32>
    %slice3A_365 = vector.extract_strided_slice %div3A_5 {offsets = [0, 14], sizes = [2000, 1], strides = [1, 1]} : vector<2000x16xf32> to vector<2000x1xf32>
    %mul3A_366 = vector.broadcast %slice3A_365 : vector<2000x1xf32> to vector<2000x64xf32>
    %mul3A_367 = arith.mulf %mul3A_364, %mul3A_366 : vector<2000x64xf32>
    %add3A_368 = arith.addf %add3A_344, %mul3A_367 : vector<2000x64xf32>
    %slice3A_369 = vector.extract_strided_slice %get3A_8 {offsets = [0, 960], sizes = [2000, 64], strides = [1, 1]} : vector<2000x1024xf32> to vector<2000x64xf32>
    %convert_element_type3A_370 = arith.truncf %slice3A_369 : vector<2000x64xf32> to vector<2000x64xbf16>
    %dot_general3A_371 = arith.constant dense<0.000000e+00> : vector<2000x64xf32>
    %dot_general3A_372 = tpu.matmul %convert_element_type3A_370, %convert_element_type3A, %dot_general3A_371 {dimension_numbers = #tpu.dot_dimension_numbers<[1], [0], [0], [1], [0, 0, 1, 1], [], []>, transpose_lhs_hint = false} : vector<2000x64xbf16>, vector<64x64xbf16>, vector<2000x64xf32> -> vector<2000x64xf32>
    %get3A_373 = arith.constant 0 : index
    %get3A_374 = arith.constant 0 : index
    %get3A_375 = vector.load %arg4[%get3A_373, %get3A_374] : memref<1x64xf32, #tpu.memory_space<vmem>>, vector<1x64xf32>
    %add3A_376 = vector.broadcast %get3A_375 : vector<1x64xf32> to vector<2000x64xf32>
    %add3A_377 = arith.addf %dot_general3A_372, %add3A_376 : vector<2000x64xf32>
    %neg3A_378 = arith.constant 0.000000e+00 : f32
    %neg3A_379 = vector.broadcast %neg3A_378 : f32 to vector<2000x64xf32>
    %neg3A_380 = arith.subf %neg3A_379, %add3A_377 : vector<2000x64xf32>
    %exp3A_381 = math.exp %neg3A_380 : vector<2000x64xf32>
    %add3A_382 = arith.constant 1.000000e+00 : f32
    %add3A_383 = vector.broadcast %add3A_382 : f32 to vector<2000x64xf32>
    %add3A_384 = arith.addf %add3A_383, %exp3A_381 : vector<2000x64xf32>
    %div3A_385 = arith.constant 1.000000e+00 : f32
    %div3A_386 = vector.broadcast %div3A_385 : f32 to vector<2000x64xf32>
    %div3A_387 = arith.divf %div3A_386, %add3A_384 : vector<2000x64xf32>
    %mul3A_388 = arith.mulf %add3A_377, %div3A_387 : vector<2000x64xf32>
    %slice3A_389 = vector.extract_strided_slice %div3A_5 {offsets = [0, 15], sizes = [2000, 1], strides = [1, 1]} : vector<2000x16xf32> to vector<2000x1xf32>
    %mul3A_390 = vector.broadcast %slice3A_389 : vector<2000x1xf32> to vector<2000x64xf32>
    %mul3A_391 = arith.mulf %mul3A_388, %mul3A_390 : vector<2000x64xf32>
    %add3A_392 = arith.addf %add3A_368, %mul3A_391 : vector<2000x64xf32>
    %swap3A = arith.constant 0 : index
    %swap3A_393 = arith.constant 0 : index
    %swap3A_394 = vector.load %arg5[%swap3A, %swap3A_393] : memref<2000x64xf32, #tpu.memory_space<vmem>>, vector<2000x64xf32>
    tpu.vector_store %arg5[%swap3A, %swap3A_393], %add3A_392 {strides = array<i32>} : memref<2000x64xf32, #tpu.memory_space<vmem>>, vector<2000x64xf32>,
    return
  }
  func.func @transform_0(%arg0: i32) -> (i32, i32) {
    %c0_i32 = arith.constant 0 : i32
    %c0_i32_0 = arith.constant 0 : i32
    return %arg0, %c0_i32 : i32, i32
  }
  func.func @transform_1(%arg0: i32) -> (i32, i32) {
    %c0_i32 = arith.constant 0 : i32
    %c0_i32_0 = arith.constant 0 : i32
    return %arg0, %c0_i32 : i32, i32
  }
  func.func @transform_2(%arg0: i32) -> (i32, i32) {
    %c0_i32 = arith.constant 0 : i32
    %c0_i32_0 = arith.constant 0 : i32
    %c0_i32_1 = arith.constant 0 : i32
    return %c0_i32, %c0_i32_0 : i32, i32
  }
  func.func @transform_3(%arg0: i32) -> (i32, i32) {
    %c0_i32 = arith.constant 0 : i32
    %c0_i32_0 = arith.constant 0 : i32
    %c0_i32_1 = arith.constant 0 : i32
    return %c0_i32, %c0_i32_0 : i32, i32
  }
  func.func @transform_4(%arg0: i32) -> (i32, i32) {
    %c0_i32 = arith.constant 0 : i32
    %c0_i32_0 = arith.constant 0 : i32
    return %arg0, %c0_i32 : i32, i32
  }
}

module attributes {stable_mosaic.version = 14 : i64} {
  func.func @_final_body(%arg0: i32, %arg1: memref<2000x64xf32, #tpu.memory_space<vmem>>, %arg2: memref<2000x112xf32, #tpu.memory_space<vmem>>, %arg3: memref<2000x160xf32, #tpu.memory_space<vmem>>, %arg4: memref<2000x16xf32, #tpu.memory_space<vmem>>, %arg5: memref<2000x16xf32, #tpu.memory_space<vmem>>, %arg6: memref<2000x160xf32, #tpu.memory_space<vmem>>, %arg7: memref<112x128xbf16, #tpu.memory_space<vmem>>, %arg8: memref<160x512xbf16, #tpu.memory_space<vmem>>, %arg9: memref<1x512xf32, #tpu.memory_space<vmem>>, %arg10: memref<2000x384xf32, #tpu.memory_space<vmem>>) attributes {dimension_semantics = [#tpu.dimension_semantics<arbitrary>], iteration_bounds = array<i64: 5>, scalar_prefetch = 0 : i64, scratch_operands = 0 : i64, tpu.core_type = #tpu.core_type<tc>, window_params = [{transform_indices = @transform_0, window_bounds = array<i64: 2000, 64>}, {transform_indices = @transform_1, window_bounds = array<i64: 2000, 112>}, {transform_indices = @transform_2, window_bounds = array<i64: 2000, 160>}, {transform_indices = @transform_3, window_bounds = array<i64: 2000, 16>}, {transform_indices = @transform_4, window_bounds = array<i64: 2000, 16>}, {transform_indices = @transform_5, window_bounds = array<i64: 2000, 160>}, {pipeline_mode = #tpu.pipeline_mode<synchronous>, transform_indices = @transform_6, window_bounds = array<i64: 112, 128>}, {pipeline_mode = #tpu.pipeline_mode<synchronous>, transform_indices = @transform_7, window_bounds = array<i64: 160, 512>}, {pipeline_mode = #tpu.pipeline_mode<synchronous>, transform_indices = @transform_8, window_bounds = array<i64: 1, 512>}, {transform_indices = @transform_9, window_bounds = array<i64: 2000, 384>}]} {
    %get3A = arith.constant 0 : index
    %get3A_0 = arith.constant 0 : index
    %get3A_1 = vector.load %arg4[%get3A, %get3A_0] : memref<2000x16xf32, #tpu.memory_space<vmem>>, vector<2000x16xf32>
    %reduce_sum3A = arith.constant dense<0.000000e+00> : vector<2000xf32>
    %reduce_sum3A_2 = vector.multi_reduction <add>, %get3A_1, %reduce_sum3A [1] : vector<2000x16xf32> to vector<2000xf32>
    %broadcast_in_dim3A = vector.shape_cast %reduce_sum3A_2 : vector<2000xf32> to vector<2000x1xf32>
    %add3A = arith.constant 9.99999974E-6 : f32
    %add3A_3 = vector.broadcast %add3A : f32 to vector<2000x1xf32>
    %add3A_4 = arith.addf %broadcast_in_dim3A, %add3A_3 : vector<2000x1xf32>
    %div3A = vector.broadcast %add3A_4 : vector<2000x1xf32> to vector<2000x16xf32>
    %div3A_5 = arith.divf %get3A_1, %div3A : vector<2000x16xf32>
    %get3A_6 = arith.constant 0 : index
    %get3A_7 = arith.constant 0 : index
    %get3A_8 = vector.load %arg3[%get3A_6, %get3A_7] : memref<2000x160xf32, #tpu.memory_space<vmem>>, vector<2000x160xf32>
    %convert_element_type3A = arith.truncf %get3A_8 : vector<2000x160xf32> to vector<2000x160xbf16>
    %get3A_9 = arith.constant 0 : index
    %get3A_10 = arith.constant 0 : index
    %get3A_11 = vector.load %arg8[%get3A_9, %get3A_10] : memref<160x512xbf16, #tpu.memory_space<vmem>>, vector<160x512xbf16>
    %dot_general3A = arith.constant dense<0.000000e+00> : vector<2000x512xf32>
    %dot_general3A_12 = tpu.matmul %convert_element_type3A, %get3A_11, %dot_general3A {dimension_numbers = #tpu.dot_dimension_numbers<[1], [0], [0], [1], [0, 0, 1, 1], [], []>, transpose_lhs_hint = false} : vector<2000x160xbf16>, vector<160x512xbf16>, vector<2000x512xf32> -> vector<2000x512xf32>
    %get3A_13 = arith.constant 0 : index
    %get3A_14 = arith.constant 0 : index
    %get3A_15 = vector.load %arg9[%get3A_13, %get3A_14] : memref<1x512xf32, #tpu.memory_space<vmem>>, vector<1x512xf32>
    %add3A_16 = vector.broadcast %get3A_15 : vector<1x512xf32> to vector<2000x512xf32>
    %add3A_17 = arith.addf %dot_general3A_12, %add3A_16 : vector<2000x512xf32>
    %neg3A = arith.constant 0.000000e+00 : f32
    %neg3A_18 = vector.broadcast %neg3A : f32 to vector<2000x512xf32>
    %neg3A_19 = arith.subf %neg3A_18, %add3A_17 : vector<2000x512xf32>
    %exp3A = math.exp %neg3A_19 : vector<2000x512xf32>
    %add3A_20 = arith.constant 1.000000e+00 : f32
    %add3A_21 = vector.broadcast %add3A_20 : f32 to vector<2000x512xf32>
    %add3A_22 = arith.addf %add3A_21, %exp3A : vector<2000x512xf32>
    %div3A_23 = arith.constant 1.000000e+00 : f32
    %div3A_24 = vector.broadcast %div3A_23 : f32 to vector<2000x512xf32>
    %div3A_25 = arith.divf %div3A_24, %add3A_22 : vector<2000x512xf32>
    %mul3A = arith.mulf %add3A_17, %div3A_25 : vector<2000x512xf32>
    %broadcast_in_dim3A_26 = arith.constant 0.000000e+00 : f32
    %broadcast_in_dim3A_27 = vector.broadcast %broadcast_in_dim3A_26 : f32 to vector<2000x32xf32>
    %slice3A = vector.extract_strided_slice %mul3A {offsets = [0, 0], sizes = [2000, 32], strides = [1, 1]} : vector<2000x512xf32> to vector<2000x32xf32>
    %slice3A_28 = vector.extract_strided_slice %div3A_5 {offsets = [0, 0], sizes = [2000, 1], strides = [1, 1]} : vector<2000x16xf32> to vector<2000x1xf32>
    %mul3A_29 = vector.broadcast %slice3A_28 : vector<2000x1xf32> to vector<2000x32xf32>
    %mul3A_30 = arith.mulf %slice3A, %mul3A_29 : vector<2000x32xf32>
    %add3A_31 = arith.addf %broadcast_in_dim3A_27, %mul3A_30 : vector<2000x32xf32>
    %slice3A_32 = vector.extract_strided_slice %mul3A {offsets = [0, 32], sizes = [2000, 32], strides = [1, 1]} : vector<2000x512xf32> to vector<2000x32xf32>
    %slice3A_33 = vector.extract_strided_slice %div3A_5 {offsets = [0, 1], sizes = [2000, 1], strides = [1, 1]} : vector<2000x16xf32> to vector<2000x1xf32>
    %mul3A_34 = vector.broadcast %slice3A_33 : vector<2000x1xf32> to vector<2000x32xf32>
    %mul3A_35 = arith.mulf %slice3A_32, %mul3A_34 : vector<2000x32xf32>
    %add3A_36 = arith.addf %add3A_31, %mul3A_35 : vector<2000x32xf32>
    %slice3A_37 = vector.extract_strided_slice %mul3A {offsets = [0, 64], sizes = [2000, 32], strides = [1, 1]} : vector<2000x512xf32> to vector<2000x32xf32>
    %slice3A_38 = vector.extract_strided_slice %div3A_5 {offsets = [0, 2], sizes = [2000, 1], strides = [1, 1]} : vector<2000x16xf32> to vector<2000x1xf32>
    %mul3A_39 = vector.broadcast %slice3A_38 : vector<2000x1xf32> to vector<2000x32xf32>
    %mul3A_40 = arith.mulf %slice3A_37, %mul3A_39 : vector<2000x32xf32>
    %add3A_41 = arith.addf %add3A_36, %mul3A_40 : vector<2000x32xf32>
    %slice3A_42 = vector.extract_strided_slice %mul3A {offsets = [0, 96], sizes = [2000, 32], strides = [1, 1]} : vector<2000x512xf32> to vector<2000x32xf32>
    %slice3A_43 = vector.extract_strided_slice %div3A_5 {offsets = [0, 3], sizes = [2000, 1], strides = [1, 1]} : vector<2000x16xf32> to vector<2000x1xf32>
    %mul3A_44 = vector.broadcast %slice3A_43 : vector<2000x1xf32> to vector<2000x32xf32>
    %mul3A_45 = arith.mulf %slice3A_42, %mul3A_44 : vector<2000x32xf32>
    %add3A_46 = arith.addf %add3A_41, %mul3A_45 : vector<2000x32xf32>
    %slice3A_47 = vector.extract_strided_slice %mul3A {offsets = [0, 128], sizes = [2000, 32], strides = [1, 1]} : vector<2000x512xf32> to vector<2000x32xf32>
    %slice3A_48 = vector.extract_strided_slice %div3A_5 {offsets = [0, 4], sizes = [2000, 1], strides = [1, 1]} : vector<2000x16xf32> to vector<2000x1xf32>
    %mul3A_49 = vector.broadcast %slice3A_48 : vector<2000x1xf32> to vector<2000x32xf32>
    %mul3A_50 = arith.mulf %slice3A_47, %mul3A_49 : vector<2000x32xf32>
    %add3A_51 = arith.addf %add3A_46, %mul3A_50 : vector<2000x32xf32>
    %slice3A_52 = vector.extract_strided_slice %mul3A {offsets = [0, 160], sizes = [2000, 32], strides = [1, 1]} : vector<2000x512xf32> to vector<2000x32xf32>
    %slice3A_53 = vector.extract_strided_slice %div3A_5 {offsets = [0, 5], sizes = [2000, 1], strides = [1, 1]} : vector<2000x16xf32> to vector<2000x1xf32>
    %mul3A_54 = vector.broadcast %slice3A_53 : vector<2000x1xf32> to vector<2000x32xf32>
    %mul3A_55 = arith.mulf %slice3A_52, %mul3A_54 : vector<2000x32xf32>
    %add3A_56 = arith.addf %add3A_51, %mul3A_55 : vector<2000x32xf32>
    %slice3A_57 = vector.extract_strided_slice %mul3A {offsets = [0, 192], sizes = [2000, 32], strides = [1, 1]} : vector<2000x512xf32> to vector<2000x32xf32>
    %slice3A_58 = vector.extract_strided_slice %div3A_5 {offsets = [0, 6], sizes = [2000, 1], strides = [1, 1]} : vector<2000x16xf32> to vector<2000x1xf32>
    %mul3A_59 = vector.broadcast %slice3A_58 : vector<2000x1xf32> to vector<2000x32xf32>
    %mul3A_60 = arith.mulf %slice3A_57, %mul3A_59 : vector<2000x32xf32>
    %add3A_61 = arith.addf %add3A_56, %mul3A_60 : vector<2000x32xf32>
    %slice3A_62 = vector.extract_strided_slice %mul3A {offsets = [0, 224], sizes = [2000, 32], strides = [1, 1]} : vector<2000x512xf32> to vector<2000x32xf32>
    %slice3A_63 = vector.extract_strided_slice %div3A_5 {offsets = [0, 7], sizes = [2000, 1], strides = [1, 1]} : vector<2000x16xf32> to vector<2000x1xf32>
    %mul3A_64 = vector.broadcast %slice3A_63 : vector<2000x1xf32> to vector<2000x32xf32>
    %mul3A_65 = arith.mulf %slice3A_62, %mul3A_64 : vector<2000x32xf32>
    %add3A_66 = arith.addf %add3A_61, %mul3A_65 : vector<2000x32xf32>
    %slice3A_67 = vector.extract_strided_slice %mul3A {offsets = [0, 256], sizes = [2000, 32], strides = [1, 1]} : vector<2000x512xf32> to vector<2000x32xf32>
    %slice3A_68 = vector.extract_strided_slice %div3A_5 {offsets = [0, 8], sizes = [2000, 1], strides = [1, 1]} : vector<2000x16xf32> to vector<2000x1xf32>
    %mul3A_69 = vector.broadcast %slice3A_68 : vector<2000x1xf32> to vector<2000x32xf32>
    %mul3A_70 = arith.mulf %slice3A_67, %mul3A_69 : vector<2000x32xf32>
    %add3A_71 = arith.addf %add3A_66, %mul3A_70 : vector<2000x32xf32>
    %slice3A_72 = vector.extract_strided_slice %mul3A {offsets = [0, 288], sizes = [2000, 32], strides = [1, 1]} : vector<2000x512xf32> to vector<2000x32xf32>
    %slice3A_73 = vector.extract_strided_slice %div3A_5 {offsets = [0, 9], sizes = [2000, 1], strides = [1, 1]} : vector<2000x16xf32> to vector<2000x1xf32>
    %mul3A_74 = vector.broadcast %slice3A_73 : vector<2000x1xf32> to vector<2000x32xf32>
    %mul3A_75 = arith.mulf %slice3A_72, %mul3A_74 : vector<2000x32xf32>
    %add3A_76 = arith.addf %add3A_71, %mul3A_75 : vector<2000x32xf32>
    %slice3A_77 = vector.extract_strided_slice %mul3A {offsets = [0, 320], sizes = [2000, 32], strides = [1, 1]} : vector<2000x512xf32> to vector<2000x32xf32>
    %slice3A_78 = vector.extract_strided_slice %div3A_5 {offsets = [0, 10], sizes = [2000, 1], strides = [1, 1]} : vector<2000x16xf32> to vector<2000x1xf32>
    %mul3A_79 = vector.broadcast %slice3A_78 : vector<2000x1xf32> to vector<2000x32xf32>
    %mul3A_80 = arith.mulf %slice3A_77, %mul3A_79 : vector<2000x32xf32>
    %add3A_81 = arith.addf %add3A_76, %mul3A_80 : vector<2000x32xf32>
    %slice3A_82 = vector.extract_strided_slice %mul3A {offsets = [0, 352], sizes = [2000, 32], strides = [1, 1]} : vector<2000x512xf32> to vector<2000x32xf32>
    %slice3A_83 = vector.extract_strided_slice %div3A_5 {offsets = [0, 11], sizes = [2000, 1], strides = [1, 1]} : vector<2000x16xf32> to vector<2000x1xf32>
    %mul3A_84 = vector.broadcast %slice3A_83 : vector<2000x1xf32> to vector<2000x32xf32>
    %mul3A_85 = arith.mulf %slice3A_82, %mul3A_84 : vector<2000x32xf32>
    %add3A_86 = arith.addf %add3A_81, %mul3A_85 : vector<2000x32xf32>
    %slice3A_87 = vector.extract_strided_slice %mul3A {offsets = [0, 384], sizes = [2000, 32], strides = [1, 1]} : vector<2000x512xf32> to vector<2000x32xf32>
    %slice3A_88 = vector.extract_strided_slice %div3A_5 {offsets = [0, 12], sizes = [2000, 1], strides = [1, 1]} : vector<2000x16xf32> to vector<2000x1xf32>
    %mul3A_89 = vector.broadcast %slice3A_88 : vector<2000x1xf32> to vector<2000x32xf32>
    %mul3A_90 = arith.mulf %slice3A_87, %mul3A_89 : vector<2000x32xf32>
    %add3A_91 = arith.addf %add3A_86, %mul3A_90 : vector<2000x32xf32>
    %slice3A_92 = vector.extract_strided_slice %mul3A {offsets = [0, 416], sizes = [2000, 32], strides = [1, 1]} : vector<2000x512xf32> to vector<2000x32xf32>
    %slice3A_93 = vector.extract_strided_slice %div3A_5 {offsets = [0, 13], sizes = [2000, 1], strides = [1, 1]} : vector<2000x16xf32> to vector<2000x1xf32>
    %mul3A_94 = vector.broadcast %slice3A_93 : vector<2000x1xf32> to vector<2000x32xf32>
    %mul3A_95 = arith.mulf %slice3A_92, %mul3A_94 : vector<2000x32xf32>
    %add3A_96 = arith.addf %add3A_91, %mul3A_95 : vector<2000x32xf32>
    %slice3A_97 = vector.extract_strided_slice %mul3A {offsets = [0, 448], sizes = [2000, 32], strides = [1, 1]} : vector<2000x512xf32> to vector<2000x32xf32>
    %slice3A_98 = vector.extract_strided_slice %div3A_5 {offsets = [0, 14], sizes = [2000, 1], strides = [1, 1]} : vector<2000x16xf32> to vector<2000x1xf32>
    %mul3A_99 = vector.broadcast %slice3A_98 : vector<2000x1xf32> to vector<2000x32xf32>
    %mul3A_100 = arith.mulf %slice3A_97, %mul3A_99 : vector<2000x32xf32>
    %add3A_101 = arith.addf %add3A_96, %mul3A_100 : vector<2000x32xf32>
    %slice3A_102 = vector.extract_strided_slice %mul3A {offsets = [0, 480], sizes = [2000, 32], strides = [1, 1]} : vector<2000x512xf32> to vector<2000x32xf32>
    %slice3A_103 = vector.extract_strided_slice %div3A_5 {offsets = [0, 15], sizes = [2000, 1], strides = [1, 1]} : vector<2000x16xf32> to vector<2000x1xf32>
    %mul3A_104 = vector.broadcast %slice3A_103 : vector<2000x1xf32> to vector<2000x32xf32>
    %mul3A_105 = arith.mulf %slice3A_102, %mul3A_104 : vector<2000x32xf32>
    %add3A_106 = arith.addf %add3A_101, %mul3A_105 : vector<2000x32xf32>
    %get3A_107 = arith.constant 0 : index
    %get3A_108 = arith.constant 0 : index
    %get3A_109 = vector.load %arg2[%get3A_107, %get3A_108] : memref<2000x112xf32, #tpu.memory_space<vmem>>, vector<2000x112xf32>
    %convert_element_type3A_110 = arith.truncf %get3A_109 : vector<2000x112xf32> to vector<2000x112xbf16>
    %get3A_111 = arith.constant 0 : index
    %get3A_112 = arith.constant 0 : index
    %get3A_113 = vector.load %arg7[%get3A_111, %get3A_112] : memref<112x128xbf16, #tpu.memory_space<vmem>>, vector<112x128xbf16>
    %dot_general3A_114 = arith.constant dense<0.000000e+00> : vector<2000x128xf32>
    %dot_general3A_115 = tpu.matmul %convert_element_type3A_110, %get3A_113, %dot_general3A_114 {dimension_numbers = #tpu.dot_dimension_numbers<[1], [0], [0], [1], [0, 0, 1, 1], [], []>, transpose_lhs_hint = false} : vector<2000x112xbf16>, vector<112x128xbf16>, vector<2000x128xf32> -> vector<2000x128xf32>
    %get3A_116 = arith.constant 0 : index
    %get3A_117 = arith.constant 0 : index
    %get3A_118 = vector.load %arg5[%get3A_116, %get3A_117] : memref<2000x16xf32, #tpu.memory_space<vmem>>, vector<2000x1xf32>
    %mul3A_119 = vector.broadcast %get3A_118 : vector<2000x1xf32> to vector<2000x128xf32>
    %mul3A_120 = arith.mulf %dot_general3A_115, %mul3A_119 : vector<2000x128xf32>
    %get3A_121 = arith.constant 0 : index
    %get3A_122 = arith.constant 0 : index
    %get3A_123 = vector.load %arg1[%get3A_121, %get3A_122] : memref<2000x64xf32, #tpu.memory_space<vmem>>, vector<2000x64xf32>
    %get3A_124 = arith.constant 0 : index
    %get3A_125 = arith.constant 0 : index
    %get3A_126 = vector.load %arg6[%get3A_124, %get3A_125] : memref<2000x160xf32, #tpu.memory_space<vmem>>, vector<2000x160xf32>
    %concatenate3A = tpu.concatenate %get3A_123, %add3A_106, %mul3A_120, %get3A_126 in 1 : vector<2000x64xf32>, vector<2000x32xf32>, vector<2000x128xf32>, vector<2000x160xf32> -> vector<2000x384xf32>
    %swap3A = arith.constant 0 : index
    %swap3A_127 = arith.constant 0 : index
    %swap3A_128 = vector.load %arg10[%swap3A, %swap3A_127] : memref<2000x384xf32, #tpu.memory_space<vmem>>, vector<2000x384xf32>
    tpu.vector_store %arg10[%swap3A, %swap3A_127], %concatenate3A {strides = array<i32>} : memref<2000x384xf32, #tpu.memory_space<vmem>>, vector<2000x384xf32>,
    return
  }
  func.func @transform_0(%arg0: i32) -> (i32, i32) {
    %c0_i32 = arith.constant 0 : i32
    %c0_i32_0 = arith.constant 0 : i32
    return %arg0, %c0_i32 : i32, i32
  }
  func.func @transform_1(%arg0: i32) -> (i32, i32) {
    %c0_i32 = arith.constant 0 : i32
    %c0_i32_0 = arith.constant 0 : i32
    return %arg0, %c0_i32 : i32, i32
  }
  func.func @transform_2(%arg0: i32) -> (i32, i32) {
    %c0_i32 = arith.constant 0 : i32
    %c0_i32_0 = arith.constant 0 : i32
    return %arg0, %c0_i32 : i32, i32
  }
  func.func @transform_3(%arg0: i32) -> (i32, i32) {
    %c0_i32 = arith.constant 0 : i32
    %c0_i32_0 = arith.constant 0 : i32
    return %arg0, %c0_i32 : i32, i32
  }
  func.func @transform_4(%arg0: i32) -> (i32, i32) {
    %c0_i32 = arith.constant 0 : i32
    %c0_i32_0 = arith.constant 0 : i32
    return %arg0, %c0_i32 : i32, i32
  }
  func.func @transform_5(%arg0: i32) -> (i32, i32) {
    %c0_i32 = arith.constant 0 : i32
    %c0_i32_0 = arith.constant 0 : i32
    return %arg0, %c0_i32 : i32, i32
  }
  func.func @transform_6(%arg0: i32) -> (i32, i32) {
    %c0_i32 = arith.constant 0 : i32
    %c0_i32_0 = arith.constant 0 : i32
    %c0_i32_1 = arith.constant 0 : i32
    return %c0_i32, %c0_i32_0 : i32, i32
  }
  func.func @transform_7(%arg0: i32) -> (i32, i32) {
    %c0_i32 = arith.constant 0 : i32
    %c0_i32_0 = arith.constant 0 : i32
    %c0_i32_1 = arith.constant 0 : i32
    return %c0_i32, %c0_i32_0 : i32, i32
  }
  func.func @transform_8(%arg0: i32) -> (i32, i32) {
    %c0_i32 = arith.constant 0 : i32
    %c0_i32_0 = arith.constant 0 : i32
    %c0_i32_1 = arith.constant 0 : i32
    return %c0_i32, %c0_i32_0 : i32, i32
  }
  func.func @transform_9(%arg0: i32) -> (i32, i32) {
    %c0_i32 = arith.constant 0 : i32
    %c0_i32_0 = arith.constant 0 : i32
    return %arg0, %c0_i32 : i32, i32
  }
}

</mosaic_0001>

<sc_bundles>
// kernel: kernel.10.cloned.1.call-start
scs
__scs_entry_jumppad:
0x0: {  	(pc) =	sbr.rel $0x88, $3  }
0x1: {  	(tag) =	ssettag $0x0;
	lr =	simm.s32 $0x1  }
0x2: {  	[smem:$0x3F94] =	sst lr;
	_ =	strace $0xD0000000  }
0x3: {  	_ = 	snop  }
0x4: {  	_ = 	snop  }
0x5: {  	_ = 	snop  }
0x6: {  	_ = 	snop  }
0x7: {  	_ = 	snop  }
__scs_overlays_trampoline_lowered:
0x8: {  	[smem:$0x3FA3] =	sst s0  }
0x9: {  	[smem:$0x3FA4] =	sst s1  }
0xa: {  	[smem:$0x3FA5] =	sst s2  }
0xb: {  	[smem:$0x3FA6] =	sst s3  }
0xc: {  	[smem:$0x3FA7] =	sst s4  }
0xd: {  	[smem:$0x3FA8] =	sst s5  }
0xe: {  	[smem:$0x3FA9] =	sst s6  }
0xf: {  	[smem:$0x3FAA] =	sst s7  }
0x10: {  	[smem:$0x3FAB] =	sst s8  }
0x11: {  	[smem:$0x3FAC] =	sst s9;
	s0 =	simm.s32 @!p0 $0x0  }
0x12: {  	s1 =	sld [smem:$0x3F92];
	s0 =	simm.s32 @p0 $0x1  }
0x13: {  	[smem:$0x3FAD] =	sst s0;
	s0 =	simm.s32 @!p1 $0x0  }
0x14: {  	s2 =	sld [smem:$0x3F91];
	s0 =	simm.s32 @p1 $0x1  }
0x15: {  	[smem:$0x3FAE] =	sst s0;
	s0 =	simm.s32 @!p2 $0x0  }
0x16: {  	s3 =	sld [smem:$0x3FDB];
	s0 =	simm.s32 @p2 $0x1  }
0x17: {  	s4 =	simm.s32 $0x1BF5;
	[smem:$0x3FB0] =	sst s0  }
0x18: {  	s0 =	sld [smem:$0x3F93];
	_ =	swait.ge [sflag:s4], $0x0  }
0x19: {  	s7 =	sld [smem:$0x3F94]  }
0x1a: {  	s8 =	sadd.s32 $0xFFFFE003, lr  }
0x1b: {  	s9 =	sadd.s32 $0xFFFFFEF7, lr;
	s5 =	simm.s32 $0xFFFFFFFF;
	p2 =	slt.u32 s8, $0xFFFFF086  }
0x1c: {  	p1 =	slt.u32 s9, $0xF7A;
	s5 =	simm.s32 @!p2 $0x0  }
0x1d: {  	s5 =	simm.s32 @p1 $0x1;
	p0 =	seq.s32 s7, s2  }
0x1e: {  	s7 =	smul.u32 @!p0 $0xF7A, s2;
	p2 =	seq.s32 @!p0 s5, $0x0  }
0x1f: {  	s9 =	smul.u32 $0xF7A, s1;
	s8 =	simm.s32 @!p0 $0x1BF5;
	p2 =	por !p2, p0  }
0x20: {  	[sflag:s8] =	ssyncset.s32 @!p0 $0xFFFFF086;
	s6 =	sadd.s32 @!p0 s3, s7;
	s7 =	simm.s32 @!p0 $0x108  }
0x21: {  	s3 =	sadd.s32 s3, s9;
	s6 =	sadd.s32 @!p0 $0x88, s6;
	s7 =	simm.s32 @p2 $0x1082  }
0x22: {  	[simem:s7], [sflag:s8] =	dma.local @!p0 [hbm:s6], $0xF7A  }
0x23: {  	s9 =	sor.u32 $0xD0000000, s2;
	s6 =	simm.s32 $0x108;
	_ =	swait.ge @!p0 [sflag:s8], $0x0  }
0x24: {  	s3 =	sadd.s32 $0x88, s3;
	s6 =	simm.s32 @!p1 $0x1082;
	[sflag:s4] =	ssyncset.s32 $0xFFFFF086  }
0x25: {  	[simem:s6], [sflag:s4] =	dma.local [hbm:s3], $0xF7A  }
0x26: {  	[smem:$0x3F94] =	sst s1;
	(tag) =	ssettag s2;
	_ =	strace s9  }
0x27: {  	s1 =	sld [smem:$0x3FA4]  }
0x28: {  	s2 =	sld [smem:$0x3FA5]  }
0x29: {  	s4 =	sld [smem:$0x3FA7]  }
0x2a: {  	p0 =	seq.s32 s5, $0x0;
	s5 =	sld [smem:$0x3FA8]  }
0x2b: {  	s6 =	sld [smem:$0x3FA9]  }
0x2c: {  	s7 =	sld [smem:$0x3FAA]  }
0x2d: {  	s3 =	simm.s32 $0x108;
	s8 =	sld [smem:$0x3FAB]  }
0x2e: {  	s3 =	simm.s32 @!p0 $0x1082;
	s9 =	sld [smem:$0x3FAC]  }
0x2f: {  	lr =	sadd.s32 s0, s3;
	s0 =	sld [smem:$0x3FA3]  }
0x30: {  	s3 =	sld [smem:$0x3FA6]  }
0x31: {  	[smem:$0x3FAF] =	sst s10  }
0x32: {  	s10 =	sld [smem:$0x3FAD];
	_ =	sdelay $0x3  }
0x33: {  	p0 =	seq.s32 s10, $0x1;
	s10 =	sld [smem:$0x3FAF];
	_ =	sdelay $0x3  }
0x34: {  	[smem:$0x3FAF] =	sst s10  }
0x35: {  	s10 =	sld [smem:$0x3FAE];
	_ =	sdelay $0x3  }
0x36: {  	p1 =	seq.s32 s10, $0x1;
	s10 =	sld [smem:$0x3FAF];
	_ =	sdelay $0x3  }
0x37: {  	[smem:$0x3FAF] =	sst s10  }
0x38: {  	s10 =	sld [smem:$0x3FB0]  }
0x39: {  	_ = 	snop;
	(pc) =	sbr.ind lr, $3  }
0x3a: {  	_ = 	snop  }
0x3b: {  	_ = 	snop  }
0x3c: {  	p2 =	seq.s32 s10, $0x1;
	s10 =	sld [smem:$0x3FAF]  }
0x3d: {  	_ =	shalt  }
0x3e: {  	_ =	shalt  }
0x3f: {  	_ =	shalt  }
0x40: {  	_ =	shalt  }
0x41: {  	_ =	shalt  }
0x42: {  	_ =	shalt  }
0x43: {  	_ =	shalt  }
0x44: {  	_ =	shalt  }
0x45: {  	_ =	shalt  }
0x46: {  	_ =	shalt  }
0x47: {  	_ =	shalt  }
0x48: {  	_ =	shalt  }
0x49: {  	_ =	shalt  }
0x4a: {  	_ =	shalt  }
0x4b: {  	_ =	shalt  }
0x4c: {  	_ =	shalt  }
0x4d: {  	_ =	shalt  }
0x4e: {  	_ =	shalt  }
0x4f: {  	_ =	shalt  }
0x50: {  	_ =	shalt  }
0x51: {  	_ =	shalt  }
0x52: {  	_ =	shalt  }
0x53: {  	_ =	shalt  }
0x54: {  	_ =	shalt  }
0x55: {  	_ =	shalt  }
0x56: {  	_ =	shalt  }
0x57: {  	_ =	shalt  }
0x58: {  	_ =	shalt  }
0x59: {  	_ =	shalt  }
0x5a: {  	_ =	shalt  }
0x5b: {  	_ =	shalt  }
0x5c: {  	_ =	shalt  }
0x5d: {  	_ =	shalt  }
0x5e: {  	_ =	shalt  }
0x5f: {  	_ =	shalt  }
0x60: {  	_ =	shalt  }
0x61: {  	_ =	shalt  }
0x62: {  	_ =	shalt  }
0x63: {  	_ =	shalt  }
0x64: {  	_ =	shalt  }
0x65: {  	_ =	shalt  }
0x66: {  	_ =	shalt  }
0x67: {  	_ =	shalt  }
0x68: {  	_ =	shalt  }
0x69: {  	_ =	shalt  }
0x6a: {  	_ =	shalt  }
0x6b: {  	_ =	shalt  }
0x6c: {  	_ =	shalt  }
0x6d: {  	_ =	shalt  }
0x6e: {  	_ =	shalt  }
0x6f: {  	_ =	shalt  }
0x70: {  	_ =	shalt  }
0x71: {  	_ =	shalt  }
0x72: {  	_ =	shalt  }
0x73: {  	_ =	shalt  }
0x74: {  	_ =	shalt  }
0x75: {  	_ =	shalt  }
0x76: {  	_ =	shalt  }
0x77: {  	_ =	shalt  }
0x78: {  	_ =	shalt  }
0x79: {  	_ =	shalt  }
0x7a: {  	_ =	shalt  }
0x7b: {  	_ =	shalt  }
0x7c: {  	_ =	shalt  }
0x7d: {  	_ =	shalt  }
0x7e: {  	_ =	shalt  }
0x7f: {  	_ =	shalt  }
0x80: {  	_ =	shalt  }
0x81: {  	_ =	shalt  }
0x82: {  	_ =	shalt  }
0x83: {  	_ =	shalt  }
0x84: {  	_ =	shalt  }
0x85: {  	_ =	shalt  }
0x86: {  	_ =	shalt  }
0x87: {  	_ =	shalt  }
.Lfunc_end0:
.L_simem_size_0:
called_computation.1_lowered:
.L_overlay_start_0:
0x88: {  	s2 =	sld [smem:$0x3FD9]  }
0x89: {  	s3 =	sld [smem:$0x3FFE];
	_ =	sdelay $0x1  }
0x8a: {  	s1 =	srdreg.scid  }
0x8b: {  	s0 =	sand.u32 $0x1, s1  }
0x8c: {  	s17 =	sshll.u32 s0, $0xA;
	s2 =	sadd.s32 s3, s2  }
0x8d: {  	s2 =	sadd.s32 s2, s17  }
0x8e: {  	[smem:$0x3FBB] =	sst s2  }
0x8f: {  	_ = 	snop  }
0x90: {  	s18 =	sld [smem:$0x3FD0];
	(tm) =	ssettm $0x1  }
0x91: {  	s19 =	sld [smem:$0x3FFB];
	_ =	sdelay $0x3  }
0x92: {  	_ =	strace s19  }
0x93: {  	s2 =	sld [smem:$0x3FFC];
	_ =	sdelay $0x3  }
0x94: {  	_ =	strace s2  }
0x95: {  	s2 =	sld [smem:$0x3FFD];
	_ =	sdelay $0x3  }
0x96: {  	_ =	strace s2  }
0x97: {  	_ =	strace $0x8FFFFFFF  }
0x98: {  	s20 =	sld [smem:$0x3FDB];
	_ =	sdelay $0x1  }
0x99: {  	s4 =	simm.s32 $_scs_section_size  }
0x9a: {  	s5 =	simm.s32 $_size__tile_overlayer_lowered;
	s6 =	simm.s32 $_tile_overlayer_lowered  }
0x9b: {  	s7 =	simm.s32 $0x1BFF;
	s21 =	sshll.u32 s6, $0x1;
	s4 =	sadd.s32 s4, s20  }
0x9c: {  	s22 =	simm.s32 $0x0;
	s5 =	sshll.u32 s5, $0x1;
	s6 =	sadd.s32 s21, s4  }
0x9d: {  	[timem:s22], [sflag:s7] =	dma.local [hbm:s6], s5  }
0x9e: {  	_ =	swait.ge [sflag:s7], s5  }
0x9f: {  	s5 =	ssub.s32 $0x0, s5;
	[sflag:s7] =	ssyncset.done $0x0  }
0xa0: {  	[sflag:s7] =	ssyncadd.s32 s5;
	_ =	sdelay $0x1  }
0xa1: {  	s23 =	simm.s32 $0x1B8B  }
0xa2: {  	_ =	swait.ge [sflag:s23], $0x1  }
0xa3: {  	[sflag:s23] =	ssyncset.done $0x0  }
0xa4: {  	[sflag:s23] =	ssyncadd.s32 $0xFFFFFFFF  }
0xa5: {  	s5 =	sld [smem:$0x0]  }
0xa6: {  	s6 =	sand.u32 $0xFFFFFFFE, s1  }
0xa7: {  	p0 =	sne.s32 s1, s6  }
0xa8: {  	s6 =	sshll.u32 @p0 s6, $0xE  }
0xa9: {  	s6 =	sadd.s32 @p0 $0x11B8D, s6;
	s7 =	sshll.u32 @p0 s5, $0x11  }
0xaa: {  	s6 =	sor.u32 @p0 s7, s6  }
0xab: {  	[sflag:s6] =	ssyncadd.remote.s32 @p0 $0x1;
	_ =	sdelay $0x1  }
0xac: {  	s6 =	simm.s32 @p0 $0x1B8D  }
0xad: {  	_ =	swait.eq @p0 [sflag:s6], $0x1  }
0xae: {  	[sflag:s6] =	ssyncadd.s32 @p0 $0xFFFFFFFF  }
0xaf: {  	s7 =	sshll.u32 @!p0 s1, $0xE  }
0xb0: {  	s7 =	sor.u32 @!p0 $0x4000, s7;
	s6 =	simm.s32 @!p0 $0x1B8D  }
0xb1: {  	s5 =	sshll.u32 @!p0 s5, $0x11;
	s7 =	sadd.s32 @!p0 $0x11B8D, s7;
	_ =	swait.eq @!p0 [sflag:s6], $0x1  }
0xb2: {  	s5 =	sor.u32 @!p0 s5, s7;
	[sflag:s6] =	ssyncadd.s32 @!p0 $0xFFFFFFFF  }
0xb3: {  	s25 =	simm.s32 $0x1B8E;
	s24 =	sld [smem:$0x3FFE];
	[sflag:s5] =	ssyncadd.remote.s32 @!p0 $0x1  }
0xb4: {  	s26 =	simm.s32 $execute0_lowered;
	[smem:$0x3FD2] =	sst s25  }
0xb5: {  	s6 =	sshll.u32 s26, $0x1;
	_ =	strace $0x80000049;
	[dreg:$0x1] =	wrdreg $0xFFFFFFFF  }
0xb6: {  	s28 =	simm.s32 $_size_execute0_lowered;
	s4 =	sadd.s32 s4, s6;
	[dreg:$0x0] =	wrdreg $0x0  }
0xb7: {  	s6 =	sshll.u32 s28, $0x1;
	[dreg:$0x2] =	wrdreg s4  }
0xb8: {  	[dreg:$0x3] =	wrdreg s6  }
0xb9: {  	[dreg:$0x4] =	wrdreg $0xC0  }
0xba: {  	_ =	task [dreg:s22], $0x5FFFF  }
0xbb: {  	[dreg:$0x1] =	wrdreg $0xFFFFFFFF  }
0xbc: {  	[dreg:$0x0] =	wrdreg $0x60  }
0xbd: {  	[dreg:$0x2] =	wrdreg s24  }
0xbe: {  	[dreg:$0x3] =	wrdreg s18  }
0xbf: {  	[dreg:$0x4] =	wrdreg $0xA  }
0xc0: {  	_ =	task.clear_ibuf [dreg:s22], $0x5FFFF;
	_ =	strace $0x90000049  }
0xc1: {  	s29 =	simm.s32 $0xA;
	_ =	strace $0x8000004B  }
0xc2: {  	_ =	swait.ge [sflag:s29], $0x1  }
0xc3: {  	[sflag:s29] =	ssyncadd.s32 $0xFFFFFFFF  }
0xc4: {  	_ =	strace $0x9000004B  }
0xc5: {  	_ =	sfence  }
0xc6: {  	s30 =	sld [smem:$0x0];
	_ =	sdelay $0x2  }
0xc7: {  	s31 =	sshll.u32 s1, $0xD;
	s1 =	sshrl.u32 s1, $0x2  }
0xc8: {  	s4 =	sand.u32 $0x4000, s31;
	s1 =	sadd.s32 s1, s30  }
0xc9: {  	s0 =	sor.u32 s4, s0;
	s1 =	sshll.u32 s1, $0x11  }
0xca: {  	s0 =	sor.u32 s1, s0  }
0xcb: {  	s0 =	sadd.s32 $0x8F2B, s0  }
0xcc: {  	[sflag:s0] =	ssyncadd.remote.s32 $0x1  }
0xcd: {  	_ =	sfence.sel $0xFFFF  }
0xce: {  	[dreg:$0x0] =	wrdreg $0xFFFFFFFF;
	(pc) =	sbr.abs _section_cstart, $3  }
0xcf: {  	[dreg:$0x1] =	wrdreg $0xFFFFFFFF  }
0xd0: {  	_ =	task.clear_ibuf [dreg:s22], $0x2FFFF;
	_ =	strace $0x9FFFFFFF  }
0xd1: {  	(tm) =	ssettm $0x7FFFFFFF  }
tec
execute0_lowered:
.L_overlay_start_1:
0x0: {  	(tag) =	ssettag $0x1  }
0x1: {  	s3 =	rddreg [dreg:$0x0];
	s1 =	srdreg.scid  }
0x2: {  	s0 =	stileid.u32;
	s6 =	rddreg [dreg:$0x1];
	s2 =	simm.s32 $0x0  }
0x3: {  	s11 =	simm.s32 $0x3;
	s12 =	simm.s32 $0x1400;
	s13 =	simm.s32 $0x19AA0  }
0x4: {  	s14 =	simm.s32 $0x1C2A0;
	s4 =	sand.u32 $0x1, s1;
	s5 =	sshll.u32 s0, $0x1  }
0x5: {  	s15 =	simm.s32 $0x1;
	s16 =	simm.s32 $0x2;
	s5 =	sor.u32 s4, s5  }
0x6: {  	s17 =	simm.s32 $0x0;
	s1 =	rddreg [dreg:$0x2];
	s7 =	smul.u32 $0x280, s5  }
0x7: {  	v0 =	vlaneseq.u32;
	[smem:$0x7FF] =	sst s2;
	s4 =	ssub.s32 $0x2, s4;
	s8 =	smul.u32 $0xC800, s5  }
0x8: {  	v0 =	vmul.u32 $0xA, v0;
	_ =	strace $0x8000004A;
	s9 =	sshrl.u32 s4, $0x1;
	s5 =	smul.u32 $0x1900, s5  }
0x9: {  	s10 =	ssub.s32 s4, s9;
	s7 =	sadd.s32 s7, s3;
	s8 =	sshrl.u32 s8, $0x3  }
0xa: {  	v1 =	vor.u32 $0x1, v0;
	v2 =	vadd.s32 $0x2, v0;
	v3 =	vadd.s32 $0x3, v0;
	s3 =	sadd.s32 $0xA2E00, s3;
	s5 =	sadd.s32 s6, s5;
	s31 =	sadd.s32 s6, s8  }
0xb: {  	v4 =	vadd.s32 $0x4, v0;
	v5 =	vadd.s32 $0x5, v0;
	v6 =	vadd.s32 $0x6, v0;
	s10 =	smax.u32 s10, $0x1;
	s4 =	sadd.s32 $0x7AE00, s7;
	s6 =	sadd.s32 $0x500, s31  }
0xc: {  	v7 =	vadd.s32 $0x7, v0;
	v8 =	vadd.s32 $0x8, v0;
	v9 =	vadd.s32 $0x9, v0;
	s7 =	sadd.s32 $0xA00, s31;
	s8 =	sadd.s32 $0xF00, s31;
	s9 =	sadd.s32 $0x1400, s31  }
.LBB2_1:
0xd: {  	[tilespmem:s2], [sflag:$0x3] =	stream.linear.gather [hbm4b:s4+s2], $0x1400, $0x38;
	[tilespmem:$0x1EAA0] =	vst v63  }
0xe: {  	_ =	swait.ge [sflag:s11], $0x1400  }
0xf: {  	[sflag:s11] =	ssyncset.done $0x0  }
0x10: {  	[sflag:s11] =	ssyncadd.s32 $0xFFFFEC00  }
0x11: {  	[tilespmem:s12], [sflag:$0x3] =	stream.linear.gather [hbm4b:s3+s2], $0x186A0, $0x38;
	[tilespmem:$0x1EAA0] =	vst v63  }
0x12: {  	_ =	swait.ge [sflag:s11], $0x186A0  }
0x13: {  	[sflag:s11] =	ssyncset.done $0x0  }
0x14: {  	[sflag:s11] =	ssyncadd.s32 $0xFFFE7960  }
0x15: {  	v10 =	vld [tilespmem:s2+$0x0];
	_ =	sdelay $0x4  }
0x16: {  	vm0 =	vlt.s32 v10, $0x270F  }
0x17: {  	v10 =	vnsel vm0, $0x270F, v10  }
0x18: {  	v11 =	vand.u32 $0x7, v10  }
0x19: {  	v10 =	vshrl.u32 v10, $0x3;
	v11 =	vmul.u32 $0xA, v11  }
0x1a: {  	v10 =	vmul.u32 $0x50, v10  }
0x1b: {  	v12 =	vand.u32 $0x78, v11  }
0x1c: {  	v13 =	vand.u32 $0x6, v11;
	v12 =	vadd.s32 v10, v12  }
0x1d: {  	v14 =	vmov s2;
	v12 =	vor.u32 v13, v12  }
0x1e: {  	v14 =	vmul.u32 $0xA0, v14;
	_ =	sdelay $0x1  }
0x1f: {  	v14 =	vbroadcast v14, $0x0;
	_ =	sdelay $0x1  }
0x20: {  	v16 =	vadd.s32 v0, v14;
	v15 =	vld.idx.msk [tilespmem:v12+s12+$0x0], $0xffff  }
0x21: {  	v12 =	vor.u32 $0x1, v12;
	_ =	sdelay $0x2  }
0x22: {  	v17 =	vadd.s32 $0x2, v11  }
0x23: {  	v18 =	vand.u32 $0xF8, v17;
	[tilespmem:v16+s13+$0x0] =	vst.idx.msk $0xffff, v15  }
0x24: {  	v38 =	vadd.s32 v1, v14;
	v17 =	vand.u32 $0x6, v17;
	v37 =	vadd.s32 v10, v18;
	v12 =	vld.idx.msk [tilespmem:v12+s12+$0x0], $0xffff  }
0x25: {  	v15 =	vor.u32 v17, v37;
	_ =	sdelay $0x2  }
0x26: {  	v39 =	vadd.s32 $0x3, v11  }
0x27: {  	v40 =	vand.u32 $0xF8, v39;
	[tilespmem:v38+s13+$0x0] =	vst.idx.msk $0xffff, v12  }
0x28: {  	v42 =	vadd.s32 v2, v14;
	v41 =	vadd.s32 v10, v40;
	v17 =	vand.u32 $0x7, v39;
	v15 =	vld.idx.msk [tilespmem:v15+s12+$0x0], $0xffff  }
0x29: {  	v12 =	vor.u32 v17, v41;
	_ =	sdelay $0x2  }
0x2a: {  	v43 =	vadd.s32 $0x4, v11  }
0x2b: {  	v44 =	vand.u32 $0xF8, v43;
	[tilespmem:v42+s13+$0x0] =	vst.idx.msk $0xffff, v15  }
0x2c: {  	v46 =	vadd.s32 v3, v14;
	v45 =	vadd.s32 v10, v44;
	v17 =	vand.u32 $0x6, v43;
	v12 =	vld.idx.msk [tilespmem:v12+s12+$0x0], $0xffff  }
0x2d: {  	v15 =	vor.u32 v17, v45;
	_ =	sdelay $0x2  }
0x2e: {  	v47 =	vadd.s32 $0x5, v11  }
0x2f: {  	v48 =	vand.u32 $0xF8, v47;
	[tilespmem:v46+s13+$0x0] =	vst.idx.msk $0xffff, v12  }
0x30: {  	v50 =	vadd.s32 v4, v14;
	v49 =	vadd.s32 v10, v48;
	v17 =	vand.u32 $0x7, v47;
	v15 =	vld.idx.msk [tilespmem:v15+s12+$0x0], $0xffff  }
0x31: {  	v12 =	vor.u32 v17, v49;
	_ =	sdelay $0x2  }
0x32: {  	v51 =	vadd.s32 $0x6, v11  }
0x33: {  	v52 =	vand.u32 $0xF8, v51;
	[tilespmem:v50+s13+$0x0] =	vst.idx.msk $0xffff, v15  }
0x34: {  	v54 =	vadd.s32 v5, v14;
	v53 =	vadd.s32 v10, v52;
	v17 =	vand.u32 $0x6, v51;
	v12 =	vld.idx.msk [tilespmem:v12+s12+$0x0], $0xffff  }
0x35: {  	v15 =	vor.u32 v17, v53;
	_ =	sdelay $0x2  }
0x36: {  	v55 =	vadd.s32 $0x7, v11  }
0x37: {  	v56 =	vand.u32 $0xF8, v55;
	[tilespmem:v54+s13+$0x0] =	vst.idx.msk $0xffff, v12  }
0x38: {  	v58 =	vadd.s32 v6, v14;
	v57 =	vadd.s32 v10, v56;
	v17 =	vand.u32 $0x7, v55;
	v15 =	vld.idx.msk [tilespmem:v15+s12+$0x0], $0xffff  }
0x39: {  	v12 =	vor.u32 v17, v57;
	_ =	sdelay $0x2  }
0x3a: {  	v59 =	vadd.s32 $0x8, v11  }
0x3b: {  	v17 =	vand.u32 $0xF8, v59;
	[tilespmem:v58+s13+$0x0] =	vst.idx.msk $0xffff, v15  }
0x3c: {  	v61 =	vadd.s32 v7, v14;
	v60 =	vadd.s32 v10, v17;
	v12 =	vld.idx.msk [tilespmem:v12+s12+$0x0], $0xffff  }
0x3d: {  	v13 =	vor.u32 v13, v60;
	_ =	sdelay $0x2  }
0x3e: {  	v11 =	vadd.s32 $0x9, v11  }
0x3f: {  	v62 =	vand.u32 $0xF8, v11;
	[tilespmem:v61+s13+$0x0] =	vst.idx.msk $0xffff, v12  }
0x40: {  	v63 =	vadd.s32 v8, v14;
	v11 =	vand.u32 $0x7, v11;
	v10 =	vadd.s32 v10, v62;
	v12 =	vld.idx.msk [tilespmem:v13+s12+$0x0], $0xffff  }
0x41: {  	v10 =	vor.u32 v11, v10;
	_ =	sdelay $0x3  }
0x42: {  	[tilespmem:v63+s13+$0x0] =	vst.idx.msk $0xffff, v12  }
0x43: {  	s18 =	simm.s32 $0x1;
	s19 =	simm.s32 $0x0;
	v11 =	vadd.s32 v9, v14;
	v10 =	vld.idx.msk [tilespmem:v10+s12+$0x0], $0xffff  }
.LBB2_2:
0x44: {  	_ =	sdelay $0x2  }
0x45: {  	p0 =	sne.s32 s18, $0x3F  }
0x46: {  	s19 =	sadd.s32 $0x10, s19;
	s20 =	smov.u32 s18;
	s18 =	sadd.s32 $0x1, s18;
	[tilespmem:v11+s13+$0x0] =	vst.idx.msk $0xffff, v10  }
0x47: {  	v10 =	vld [tilespmem:s19+$0x0];
	_ =	sdelay $0x4  }
0x48: {  	vm0 =	vlt.s32 v10, $0x270F  }
0x49: {  	v10 =	vnsel vm0, $0x270F, v10  }
0x4a: {  	v11 =	vshrl.u32 v10, $0x3;
	v10 =	vand.u32 $0x7, v10  }
0x4b: {  	v10 =	vmul.u32 $0xA, v10  }
0x4c: {  	v11 =	vmul.u32 $0x50, v11  }
0x4d: {  	v12 =	vand.u32 $0x78, v10;
	v13 =	vadd.s32 $0x2, v10;
	v14 =	vadd.s32 $0x3, v10  }
0x4e: {  	v15 =	vand.u32 $0x6, v10;
	v12 =	vadd.s32 v11, v12;
	v16 =	vand.u32 $0xF8, v13  }
0x4f: {  	v17 =	vand.u32 $0xF8, v14;
	v12 =	vor.u32 v15, v12;
	v16 =	vadd.s32 v11, v16  }
0x50: {  	v18 =	vmov s20;
	v19 =	vadd.s32 $0x4, v10;
	v17 =	vadd.s32 v11, v17  }
0x51: {  	v18 =	vmul.u32 $0xA0, v18;
	v21 =	vadd.s32 $0x5, v10;
	v20 =	vand.u32 $0xF8, v19  }
0x52: {  	v23 =	vadd.s32 $0x6, v10;
	v22 =	vand.u32 $0xF8, v21;
	v20 =	vadd.s32 v11, v20  }
0x53: {  	v18 =	vbroadcast v18, $0x0;
	v24 =	vand.u32 $0xF8, v23;
	v22 =	vadd.s32 v11, v22  }
0x54: {  	v26 =	vadd.s32 $0x7, v10;
	v27 =	vadd.s32 $0x8, v10;
	v24 =	vadd.s32 v11, v24;
	v25 =	vld.idx.msk [tilespmem:v12+s12+$0x0], $0xffff  }
0x55: {  	v28 =	vadd.s32 v0, v18;
	v29 =	vand.u32 $0xF8, v26;
	v27 =	vand.u32 $0xF8, v27  }
0x56: {  	v29 =	vadd.s32 v11, v29;
	v27 =	vadd.s32 v11, v27;
	v12 =	vor.u32 $0x1, v12  }
0x57: {  	v10 =	vadd.s32 $0x9, v10;
	v15 =	vor.u32 v15, v27  }
0x58: {  	v27 =	vand.u32 $0xF8, v10  }
0x59: {  	v11 =	vadd.s32 v11, v27  }
0x5a: {  	[tilespmem:v28+s13+$0x0] =	vst.idx.msk $0xffff, v25  }
0x5b: {  	v12 =	vld.idx.msk [tilespmem:v12+s12+$0x0], $0xffff  }
0x5c: {  	v13 =	vand.u32 $0x6, v13;
	v25 =	vadd.s32 v1, v18  }
0x5d: {  	v13 =	vor.u32 v13, v16;
	_ =	sdelay $0x3  }
0x5e: {  	[tilespmem:v25+s13+$0x0] =	vst.idx.msk $0xffff, v12  }
0x5f: {  	v12 =	vld.idx.msk [tilespmem:v13+s12+$0x0], $0xffff  }
0x60: {  	v14 =	vand.u32 $0x7, v14;
	v13 =	vadd.s32 v2, v18  }
0x61: {  	v14 =	vor.u32 v14, v17;
	_ =	sdelay $0x3  }
0x62: {  	[tilespmem:v13+s13+$0x0] =	vst.idx.msk $0xffff, v12  }
0x63: {  	v12 =	vld.idx.msk [tilespmem:v14+s12+$0x0], $0xffff  }
0x64: {  	v13 =	vadd.s32 v3, v18;
	v14 =	vand.u32 $0x6, v19  }
0x65: {  	v14 =	vor.u32 v14, v20;
	_ =	sdelay $0x3  }
0x66: {  	[tilespmem:v13+s13+$0x0] =	vst.idx.msk $0xffff, v12  }
0x67: {  	v12 =	vld.idx.msk [tilespmem:v14+s12+$0x0], $0xffff  }
0x68: {  	v13 =	vadd.s32 v4, v18;
	v14 =	vand.u32 $0x7, v21  }
0x69: {  	v14 =	vor.u32 v14, v22;
	_ =	sdelay $0x3  }
0x6a: {  	[tilespmem:v13+s13+$0x0] =	vst.idx.msk $0xffff, v12  }
0x6b: {  	v12 =	vld.idx.msk [tilespmem:v14+s12+$0x0], $0xffff  }
0x6c: {  	v13 =	vadd.s32 v5, v18;
	v14 =	vand.u32 $0x6, v23  }
0x6d: {  	v14 =	vor.u32 v14, v24;
	_ =	sdelay $0x3  }
0x6e: {  	[tilespmem:v13+s13+$0x0] =	vst.idx.msk $0xffff, v12  }
0x6f: {  	v12 =	vld.idx.msk [tilespmem:v14+s12+$0x0], $0xffff  }
0x70: {  	v13 =	vadd.s32 v6, v18;
	v14 =	vand.u32 $0x7, v26  }
0x71: {  	v14 =	vor.u32 v14, v29;
	_ =	sdelay $0x3  }
0x72: {  	[tilespmem:v13+s13+$0x0] =	vst.idx.msk $0xffff, v12  }
0x73: {  	v12 =	vld.idx.msk [tilespmem:v14+s12+$0x0], $0xffff  }
0x74: {  	v13 =	vadd.s32 v7, v18;
	_ =	sdelay $0x4  }
0x75: {  	[tilespmem:v13+s13+$0x0] =	vst.idx.msk $0xffff, v12  }
0x76: {  	v12 =	vld.idx.msk [tilespmem:v15+s12+$0x0], $0xffff  }
0x77: {  	v10 =	vand.u32 $0x7, v10;
	v13 =	vadd.s32 v8, v18  }
0x78: {  	v10 =	vor.u32 v10, v11;
	_ =	sdelay $0x1  }
.Ltmp0:
0x79: {  	(pc) =	sbr.rel @p0 .LBB2_2-.Ltmp0, $4  }
0x7a: {  	_ = 	snop  }
0x7b: {  	[tilespmem:v13+s13+$0x0] =	vst.idx.msk $0xffff, v12  }
0x7c: {  	v10 =	vld.idx.msk [tilespmem:v10+s12+$0x0], $0xffff  }
0x7d: {  	v11 =	vadd.s32 v9, v18  }
0x7e: {  	_ =	sdelay $0x3  }
0x7f: {  	s19 =	simm.s32 $0x0;
	s18 =	simm.s32 $0x400;
	[tilespmem:v11+s13+$0x0] =	vst.idx.msk $0xffff, v10  }
0x80: {  	[hbm4b:s5+s19] =	stream.linear.scatter [tilespmem:s13], [sflag:$0x1], $0x2800, $0x38;
	[tilespmem:$0x1EAA0] =	vst v63  }
0x81: {  	v10 =	vld [tilespmem:s18+$0x0];
	_ =	sdelay $0x4  }
0x82: {  	vm0 =	vlt.s32 v10, $0x270F  }
0x83: {  	v10 =	vnsel vm0, $0x270F, v10  }
0x84: {  	v11 =	vand.u32 $0x7, v10  }
0x85: {  	v10 =	vshrl.u32 v10, $0x3;
	v11 =	vmul.u32 $0xA, v11  }
0x86: {  	v10 =	vmul.u32 $0x50, v10  }
0x87: {  	v12 =	vand.u32 $0x78, v11  }
0x88: {  	v13 =	vand.u32 $0x6, v11;
	v12 =	vadd.s32 v10, v12  }
0x89: {  	v14 =	vmov s19;
	v12 =	vor.u32 v13, v12  }
0x8a: {  	v14 =	vmul.u32 $0xA0, v14;
	_ =	sdelay $0x1  }
0x8b: {  	v14 =	vbroadcast v14, $0x0;
	_ =	sdelay $0x1  }
0x8c: {  	v16 =	vadd.s32 v0, v14;
	v15 =	vld.idx.msk [tilespmem:v12+s12+$0x0], $0xffff  }
0x8d: {  	v12 =	vor.u32 $0x1, v12;
	_ =	sdelay $0x2  }
0x8e: {  	v17 =	vadd.s32 $0x2, v11  }
0x8f: {  	v18 =	vand.u32 $0xF8, v17;
	[tilespmem:v16+s14+$0x0] =	vst.idx.msk $0xffff, v15  }
0x90: {  	v38 =	vadd.s32 v1, v14;
	v17 =	vand.u32 $0x6, v17;
	v37 =	vadd.s32 v10, v18;
	v12 =	vld.idx.msk [tilespmem:v12+s12+$0x0], $0xffff  }
0x91: {  	v15 =	vor.u32 v17, v37;
	_ =	sdelay $0x2  }
0x92: {  	v39 =	vadd.s32 $0x3, v11  }
0x93: {  	v40 =	vand.u32 $0xF8, v39;
	[tilespmem:v38+s14+$0x0] =	vst.idx.msk $0xffff, v12  }
0x94: {  	v42 =	vadd.s32 v2, v14;
	v41 =	vadd.s32 v10, v40;
	v17 =	vand.u32 $0x7, v39;
	v15 =	vld.idx.msk [tilespmem:v15+s12+$0x0], $0xffff  }
0x95: {  	v12 =	vor.u32 v17, v41;
	_ =	sdelay $0x2  }
0x96: {  	v43 =	vadd.s32 $0x4, v11  }
0x97: {  	v44 =	vand.u32 $0xF8, v43;
	[tilespmem:v42+s14+$0x0] =	vst.idx.msk $0xffff, v15  }
0x98: {  	v46 =	vadd.s32 v3, v14;
	v45 =	vadd.s32 v10, v44;
	v17 =	vand.u32 $0x6, v43;
	v12 =	vld.idx.msk [tilespmem:v12+s12+$0x0], $0xffff  }
0x99: {  	v15 =	vor.u32 v17, v45;
	_ =	sdelay $0x2  }
0x9a: {  	v47 =	vadd.s32 $0x5, v11  }
0x9b: {  	v48 =	vand.u32 $0xF8, v47;
	[tilespmem:v46+s14+$0x0] =	vst.idx.msk $0xffff, v12  }
0x9c: {  	v50 =	vadd.s32 v4, v14;
	v49 =	vadd.s32 v10, v48;
	v17 =	vand.u32 $0x7, v47;
	v15 =	vld.idx.msk [tilespmem:v15+s12+$0x0], $0xffff  }
0x9d: {  	v12 =	vor.u32 v17, v49;
	_ =	sdelay $0x2  }
0x9e: {  	v51 =	vadd.s32 $0x6, v11  }
0x9f: {  	v52 =	vand.u32 $0xF8, v51;
	[tilespmem:v50+s14+$0x0] =	vst.idx.msk $0xffff, v15  }
0xa0: {  	v54 =	vadd.s32 v5, v14;
	v53 =	vadd.s32 v10, v52;
	v17 =	vand.u32 $0x6, v51;
	v12 =	vld.idx.msk [tilespmem:v12+s12+$0x0], $0xffff  }
0xa1: {  	v15 =	vor.u32 v17, v53;
	_ =	sdelay $0x2  }
0xa2: {  	v55 =	vadd.s32 $0x7, v11  }
0xa3: {  	v56 =	vand.u32 $0xF8, v55;
	[tilespmem:v54+s14+$0x0] =	vst.idx.msk $0xffff, v12  }
0xa4: {  	v58 =	vadd.s32 v6, v14;
	v57 =	vadd.s32 v10, v56;
	v17 =	vand.u32 $0x7, v55;
	v15 =	vld.idx.msk [tilespmem:v15+s12+$0x0], $0xffff  }
0xa5: {  	v12 =	vor.u32 v17, v57;
	_ =	sdelay $0x2  }
0xa6: {  	v59 =	vadd.s32 $0x8, v11  }
0xa7: {  	v17 =	vand.u32 $0xF8, v59;
	[tilespmem:v58+s14+$0x0] =	vst.idx.msk $0xffff, v15  }
0xa8: {  	v61 =	vadd.s32 v7, v14;
	v60 =	vadd.s32 v10, v17;
	v12 =	vld.idx.msk [tilespmem:v12+s12+$0x0], $0xffff  }
0xa9: {  	v13 =	vor.u32 v13, v60;
	_ =	sdelay $0x2  }
0xaa: {  	v11 =	vadd.s32 $0x9, v11  }
0xab: {  	v62 =	vand.u32 $0xF8, v11;
	[tilespmem:v61+s14+$0x0] =	vst.idx.msk $0xffff, v12  }
0xac: {  	v63 =	vadd.s32 v8, v14;
	v11 =	vand.u32 $0x7, v11;
	v10 =	vadd.s32 v10, v62;
	v12 =	vld.idx.msk [tilespmem:v13+s12+$0x0], $0xffff  }
0xad: {  	v10 =	vor.u32 v11, v10;
	_ =	sdelay $0x3  }
0xae: {  	[tilespmem:v63+s14+$0x0] =	vst.idx.msk $0xffff, v12  }
0xaf: {  	s19 =	simm.s32 $0x1;
	v11 =	vadd.s32 v9, v14;
	v10 =	vld.idx.msk [tilespmem:v10+s12+$0x0], $0xffff  }
.LBB2_4:
0xb0: {  	_ =	sdelay $0x2  }
0xb1: {  	p0 =	sne.s32 s19, $0x3F  }
0xb2: {  	s18 =	sadd.s32 $0x10, s18;
	s20 =	smov.u32 s19;
	s19 =	sadd.s32 $0x1, s19;
	[tilespmem:v11+s14+$0x0] =	vst.idx.msk $0xffff, v10  }
0xb3: {  	v10 =	vld [tilespmem:s18+$0x0];
	_ =	sdelay $0x4  }
0xb4: {  	vm0 =	vlt.s32 v10, $0x270F  }
0xb5: {  	v10 =	vnsel vm0, $0x270F, v10  }
0xb6: {  	v11 =	vshrl.u32 v10, $0x3;
	v10 =	vand.u32 $0x7, v10  }
0xb7: {  	v10 =	vmul.u32 $0xA, v10  }
0xb8: {  	v11 =	vmul.u32 $0x50, v11  }
0xb9: {  	v12 =	vand.u32 $0x78, v10;
	v13 =	vadd.s32 $0x2, v10;
	v14 =	vadd.s32 $0x3, v10  }
0xba: {  	v15 =	vand.u32 $0x6, v10;
	v12 =	vadd.s32 v11, v12;
	v16 =	vand.u32 $0xF8, v13  }
0xbb: {  	v17 =	vand.u32 $0xF8, v14;
	v12 =	vor.u32 v15, v12;
	v16 =	vadd.s32 v11, v16  }
0xbc: {  	v18 =	vmov s20;
	v19 =	vadd.s32 $0x4, v10;
	v17 =	vadd.s32 v11, v17  }
0xbd: {  	v18 =	vmul.u32 $0xA0, v18;
	v21 =	vadd.s32 $0x5, v10;
	v20 =	vand.u32 $0xF8, v19  }
0xbe: {  	v23 =	vadd.s32 $0x6, v10;
	v22 =	vand.u32 $0xF8, v21;
	v20 =	vadd.s32 v11, v20  }
0xbf: {  	v18 =	vbroadcast v18, $0x0;
	v24 =	vand.u32 $0xF8, v23;
	v22 =	vadd.s32 v11, v22  }
0xc0: {  	v26 =	vadd.s32 $0x7, v10;
	v27 =	vadd.s32 $0x8, v10;
	v24 =	vadd.s32 v11, v24;
	v25 =	vld.idx.msk [tilespmem:v12+s12+$0x0], $0xffff  }
0xc1: {  	v28 =	vadd.s32 v0, v18;
	v29 =	vand.u32 $0xF8, v26;
	v27 =	vand.u32 $0xF8, v27  }
0xc2: {  	v29 =	vadd.s32 v11, v29;
	v27 =	vadd.s32 v11, v27;
	v12 =	vor.u32 $0x1, v12  }
0xc3: {  	v10 =	vadd.s32 $0x9, v10;
	v15 =	vor.u32 v15, v27  }
0xc4: {  	v27 =	vand.u32 $0xF8, v10  }
0xc5: {  	v11 =	vadd.s32 v11, v27  }
0xc6: {  	[tilespmem:v28+s14+$0x0] =	vst.idx.msk $0xffff, v25  }
0xc7: {  	v12 =	vld.idx.msk [tilespmem:v12+s12+$0x0], $0xffff  }
0xc8: {  	v13 =	vand.u32 $0x6, v13;
	v25 =	vadd.s32 v1, v18  }
0xc9: {  	v13 =	vor.u32 v13, v16;
	_ =	sdelay $0x3  }
0xca: {  	[tilespmem:v25+s14+$0x0] =	vst.idx.msk $0xffff, v12  }
0xcb: {  	v12 =	vld.idx.msk [tilespmem:v13+s12+$0x0], $0xffff  }
0xcc: {  	v14 =	vand.u32 $0x7, v14;
	v13 =	vadd.s32 v2, v18  }
0xcd: {  	v14 =	vor.u32 v14, v17;
	_ =	sdelay $0x3  }
0xce: {  	[tilespmem:v13+s14+$0x0] =	vst.idx.msk $0xffff, v12  }
0xcf: {  	v12 =	vld.idx.msk [tilespmem:v14+s12+$0x0], $0xffff  }
0xd0: {  	v13 =	vadd.s32 v3, v18;
	v14 =	vand.u32 $0x6, v19  }
0xd1: {  	v14 =	vor.u32 v14, v20;
	_ =	sdelay $0x3  }
0xd2: {  	[tilespmem:v13+s14+$0x0] =	vst.idx.msk $0xffff, v12  }
0xd3: {  	v12 =	vld.idx.msk [tilespmem:v14+s12+$0x0], $0xffff  }
0xd4: {  	v13 =	vadd.s32 v4, v18;
	v14 =	vand.u32 $0x7, v21  }
0xd5: {  	v14 =	vor.u32 v14, v22;
	_ =	sdelay $0x3  }
0xd6: {  	[tilespmem:v13+s14+$0x0] =	vst.idx.msk $0xffff, v12  }
0xd7: {  	v12 =	vld.idx.msk [tilespmem:v14+s12+$0x0], $0xffff  }
0xd8: {  	v13 =	vadd.s32 v5, v18;
	v14 =	vand.u32 $0x6, v23  }
0xd9: {  	v14 =	vor.u32 v14, v24;
	_ =	sdelay $0x3  }
0xda: {  	[tilespmem:v13+s14+$0x0] =	vst.idx.msk $0xffff, v12  }
0xdb: {  	v12 =	vld.idx.msk [tilespmem:v14+s12+$0x0], $0xffff  }
0xdc: {  	v13 =	vadd.s32 v6, v18;
	v14 =	vand.u32 $0x7, v26  }
0xdd: {  	v14 =	vor.u32 v14, v29;
	_ =	sdelay $0x3  }
0xde: {  	[tilespmem:v13+s14+$0x0] =	vst.idx.msk $0xffff, v12  }
0xdf: {  	v12 =	vld.idx.msk [tilespmem:v14+s12+$0x0], $0xffff  }
0xe0: {  	v13 =	vadd.s32 v7, v18;
	_ =	sdelay $0x4  }
0xe1: {  	[tilespmem:v13+s14+$0x0] =	vst.idx.msk $0xffff, v12  }
0xe2: {  	v12 =	vld.idx.msk [tilespmem:v15+s12+$0x0], $0xffff  }
0xe3: {  	v10 =	vand.u32 $0x7, v10;
	v13 =	vadd.s32 v8, v18  }
0xe4: {  	v10 =	vor.u32 v10, v11;
	_ =	sdelay $0x1  }
.Ltmp1:
0xe5: {  	(pc) =	sbr.rel @p0 .LBB2_4-.Ltmp1, $4  }
0xe6: {  	_ = 	snop  }
0xe7: {  	[tilespmem:v13+s14+$0x0] =	vst.idx.msk $0xffff, v12  }
0xe8: {  	v10 =	vld.idx.msk [tilespmem:v10+s12+$0x0], $0xffff  }
0xe9: {  	v11 =	vadd.s32 v9, v18  }
0xea: {  	_ =	sdelay $0x3  }
0xeb: {  	s19 =	simm.s32 $0x0;
	[tilespmem:v11+s14+$0x0] =	vst.idx.msk $0xffff, v10  }
0xec: {  	[hbm4b:s6+s19] =	stream.linear.scatter [tilespmem:s14], [sflag:$0x2], $0x2800, $0x38;
	[tilespmem:$0x1EAA0] =	vst v63  }
0xed: {  	_ =	swait.ge [sflag:s15], $0x2800  }
0xee: {  	[sflag:s15] =	ssyncset.done $0x0  }
0xef: {  	s18 =	simm.s32 $0x800;
	[sflag:s15] =	ssyncadd.s32 $0xFFFFD800  }
0xf0: {  	v10 =	vld [tilespmem:s18+$0x0];
	_ =	sdelay $0x4  }
0xf1: {  	vm0 =	vlt.s32 v10, $0x270F  }
0xf2: {  	v10 =	vnsel vm0, $0x270F, v10  }
0xf3: {  	v11 =	vand.u32 $0x7, v10  }
0xf4: {  	v10 =	vshrl.u32 v10, $0x3;
	v11 =	vmul.u32 $0xA, v11  }
0xf5: {  	v10 =	vmul.u32 $0x50, v10  }
0xf6: {  	v12 =	vand.u32 $0x78, v11  }
0xf7: {  	v13 =	vand.u32 $0x6, v11;
	v12 =	vadd.s32 v10, v12  }
0xf8: {  	v14 =	vmov s19;
	v12 =	vor.u32 v13, v12  }
0xf9: {  	v14 =	vmul.u32 $0xA0, v14;
	_ =	sdelay $0x1  }
0xfa: {  	v14 =	vbroadcast v14, $0x0;
	_ =	sdelay $0x1  }
0xfb: {  	v16 =	vadd.s32 v0, v14;
	v15 =	vld.idx.msk [tilespmem:v12+s12+$0x0], $0xffff  }
0xfc: {  	v12 =	vor.u32 $0x1, v12;
	_ =	sdelay $0x2  }
0xfd: {  	v17 =	vadd.s32 $0x2, v11  }
0xfe: {  	v18 =	vand.u32 $0xF8, v17;
	[tilespmem:v16+s13+$0x0] =	vst.idx.msk $0xffff, v15  }
0xff: {  	v38 =	vadd.s32 v1, v14;
	v17 =	vand.u32 $0x6, v17;
	v37 =	vadd.s32 v10, v18;
	v12 =	vld.idx.msk [tilespmem:v12+s12+$0x0], $0xffff  }
0x100: {  	v15 =	vor.u32 v17, v37;
	_ =	sdelay $0x2  }
0x101: {  	v39 =	vadd.s32 $0x3, v11  }
0x102: {  	v40 =	vand.u32 $0xF8, v39;
	[tilespmem:v38+s13+$0x0] =	vst.idx.msk $0xffff, v12  }
0x103: {  	v42 =	vadd.s32 v2, v14;
	v41 =	vadd.s32 v10, v40;
	v17 =	vand.u32 $0x7, v39;
	v15 =	vld.idx.msk [tilespmem:v15+s12+$0x0], $0xffff  }
0x104: {  	v12 =	vor.u32 v17, v41;
	_ =	sdelay $0x2  }
0x105: {  	v43 =	vadd.s32 $0x4, v11  }
0x106: {  	v44 =	vand.u32 $0xF8, v43;
	[tilespmem:v42+s13+$0x0] =	vst.idx.msk $0xffff, v15  }
0x107: {  	v46 =	vadd.s32 v3, v14;
	v45 =	vadd.s32 v10, v44;
	v17 =	vand.u32 $0x6, v43;
	v12 =	vld.idx.msk [tilespmem:v12+s12+$0x0], $0xffff  }
0x108: {  	v15 =	vor.u32 v17, v45;
	_ =	sdelay $0x2  }
0x109: {  	v47 =	vadd.s32 $0x5, v11  }
0x10a: {  	v48 =	vand.u32 $0xF8, v47;
	[tilespmem:v46+s13+$0x0] =	vst.idx.msk $0xffff, v12  }
0x10b: {  	v50 =	vadd.s32 v4, v14;
	v49 =	vadd.s32 v10, v48;
	v17 =	vand.u32 $0x7, v47;
	v15 =	vld.idx.msk [tilespmem:v15+s12+$0x0], $0xffff  }
0x10c: {  	v12 =	vor.u32 v17, v49;
	_ =	sdelay $0x2  }
0x10d: {  	v51 =	vadd.s32 $0x6, v11  }
0x10e: {  	v52 =	vand.u32 $0xF8, v51;
	[tilespmem:v50+s13+$0x0] =	vst.idx.msk $0xffff, v15  }
0x10f: {  	v54 =	vadd.s32 v5, v14;
	v53 =	vadd.s32 v10, v52;
	v17 =	vand.u32 $0x6, v51;
	v12 =	vld.idx.msk [tilespmem:v12+s12+$0x0], $0xffff  }
0x110: {  	v15 =	vor.u32 v17, v53;
	_ =	sdelay $0x2  }
0x111: {  	v55 =	vadd.s32 $0x7, v11  }
0x112: {  	v56 =	vand.u32 $0xF8, v55;
	[tilespmem:v54+s13+$0x0] =	vst.idx.msk $0xffff, v12  }
0x113: {  	v58 =	vadd.s32 v6, v14;
	v57 =	vadd.s32 v10, v56;
	v17 =	vand.u32 $0x7, v55;
	v15 =	vld.idx.msk [tilespmem:v15+s12+$0x0], $0xffff  }
0x114: {  	v12 =	vor.u32 v17, v57;
	_ =	sdelay $0x2  }
0x115: {  	v59 =	vadd.s32 $0x8, v11  }
0x116: {  	v17 =	vand.u32 $0xF8, v59;
	[tilespmem:v58+s13+$0x0] =	vst.idx.msk $0xffff, v15  }
0x117: {  	v61 =	vadd.s32 v7, v14;
	v60 =	vadd.s32 v10, v17;
	v12 =	vld.idx.msk [tilespmem:v12+s12+$0x0], $0xffff  }
0x118: {  	v13 =	vor.u32 v13, v60;
	_ =	sdelay $0x2  }
0x119: {  	v11 =	vadd.s32 $0x9, v11  }
0x11a: {  	v62 =	vand.u32 $0xF8, v11;
	[tilespmem:v61+s13+$0x0] =	vst.idx.msk $0xffff, v12  }
0x11b: {  	v63 =	vadd.s32 v8, v14;
	v11 =	vand.u32 $0x7, v11;
	v10 =	vadd.s32 v10, v62;
	v12 =	vld.idx.msk [tilespmem:v13+s12+$0x0], $0xffff  }
0x11c: {  	v10 =	vor.u32 v11, v10;
	_ =	sdelay $0x3  }
0x11d: {  	[tilespmem:v63+s13+$0x0] =	vst.idx.msk $0xffff, v12  }
0x11e: {  	s19 =	simm.s32 $0x1;
	v11 =	vadd.s32 v9, v14;
	v10 =	vld.idx.msk [tilespmem:v10+s12+$0x0], $0xffff  }
.LBB2_6:
0x11f: {  	_ =	sdelay $0x2  }
0x120: {  	p0 =	sne.s32 s19, $0x3F  }
0x121: {  	s18 =	sadd.s32 $0x10, s18;
	s20 =	smov.u32 s19;
	s19 =	sadd.s32 $0x1, s19;
	[tilespmem:v11+s13+$0x0] =	vst.idx.msk $0xffff, v10  }
0x122: {  	v10 =	vld [tilespmem:s18+$0x0];
	_ =	sdelay $0x4  }
0x123: {  	vm0 =	vlt.s32 v10, $0x270F  }
0x124: {  	v10 =	vnsel vm0, $0x270F, v10  }
0x125: {  	v11 =	vshrl.u32 v10, $0x3;
	v10 =	vand.u32 $0x7, v10  }
0x126: {  	v10 =	vmul.u32 $0xA, v10  }
0x127: {  	v11 =	vmul.u32 $0x50, v11  }
0x128: {  	v12 =	vand.u32 $0x78, v10;
	v13 =	vadd.s32 $0x2, v10;
	v14 =	vadd.s32 $0x3, v10  }
0x129: {  	v15 =	vand.u32 $0x6, v10;
	v12 =	vadd.s32 v11, v12;
	v16 =	vand.u32 $0xF8, v13  }
0x12a: {  	v17 =	vand.u32 $0xF8, v14;
	v12 =	vor.u32 v15, v12;
	v16 =	vadd.s32 v11, v16  }
0x12b: {  	v18 =	vmov s20;
	v19 =	vadd.s32 $0x4, v10;
	v17 =	vadd.s32 v11, v17  }
0x12c: {  	v18 =	vmul.u32 $0xA0, v18;
	v21 =	vadd.s32 $0x5, v10;
	v20 =	vand.u32 $0xF8, v19  }
0x12d: {  	v23 =	vadd.s32 $0x6, v10;
	v22 =	vand.u32 $0xF8, v21;
	v20 =	vadd.s32 v11, v20  }
0x12e: {  	v18 =	vbroadcast v18, $0x0;
	v24 =	vand.u32 $0xF8, v23;
	v22 =	vadd.s32 v11, v22  }
0x12f: {  	v26 =	vadd.s32 $0x7, v10;
	v27 =	vadd.s32 $0x8, v10;
	v24 =	vadd.s32 v11, v24;
	v25 =	vld.idx.msk [tilespmem:v12+s12+$0x0], $0xffff  }
0x130: {  	v28 =	vadd.s32 v0, v18;
	v29 =	vand.u32 $0xF8, v26;
	v27 =	vand.u32 $0xF8, v27  }
0x131: {  	v29 =	vadd.s32 v11, v29;
	v27 =	vadd.s32 v11, v27;
	v12 =	vor.u32 $0x1, v12  }
0x132: {  	v10 =	vadd.s32 $0x9, v10;
	v15 =	vor.u32 v15, v27  }
0x133: {  	v27 =	vand.u32 $0xF8, v10  }
0x134: {  	v11 =	vadd.s32 v11, v27  }
0x135: {  	[tilespmem:v28+s13+$0x0] =	vst.idx.msk $0xffff, v25  }
0x136: {  	v12 =	vld.idx.msk [tilespmem:v12+s12+$0x0], $0xffff  }
0x137: {  	v13 =	vand.u32 $0x6, v13;
	v25 =	vadd.s32 v1, v18  }
0x138: {  	v13 =	vor.u32 v13, v16;
	_ =	sdelay $0x3  }
0x139: {  	[tilespmem:v25+s13+$0x0] =	vst.idx.msk $0xffff, v12  }
0x13a: {  	v12 =	vld.idx.msk [tilespmem:v13+s12+$0x0], $0xffff  }
0x13b: {  	v14 =	vand.u32 $0x7, v14;
	v13 =	vadd.s32 v2, v18  }
0x13c: {  	v14 =	vor.u32 v14, v17;
	_ =	sdelay $0x3  }
0x13d: {  	[tilespmem:v13+s13+$0x0] =	vst.idx.msk $0xffff, v12  }
0x13e: {  	v12 =	vld.idx.msk [tilespmem:v14+s12+$0x0], $0xffff  }
0x13f: {  	v13 =	vadd.s32 v3, v18;
	v14 =	vand.u32 $0x6, v19  }
0x140: {  	v14 =	vor.u32 v14, v20;
	_ =	sdelay $0x3  }
0x141: {  	[tilespmem:v13+s13+$0x0] =	vst.idx.msk $0xffff, v12  }
0x142: {  	v12 =	vld.idx.msk [tilespmem:v14+s12+$0x0], $0xffff  }
0x143: {  	v13 =	vadd.s32 v4, v18;
	v14 =	vand.u32 $0x7, v21  }
0x144: {  	v14 =	vor.u32 v14, v22;
	_ =	sdelay $0x3  }
0x145: {  	[tilespmem:v13+s13+$0x0] =	vst.idx.msk $0xffff, v12  }
0x146: {  	v12 =	vld.idx.msk [tilespmem:v14+s12+$0x0], $0xffff  }
0x147: {  	v13 =	vadd.s32 v5, v18;
	v14 =	vand.u32 $0x6, v23  }
0x148: {  	v14 =	vor.u32 v14, v24;
	_ =	sdelay $0x3  }
0x149: {  	[tilespmem:v13+s13+$0x0] =	vst.idx.msk $0xffff, v12  }
0x14a: {  	v12 =	vld.idx.msk [tilespmem:v14+s12+$0x0], $0xffff  }
0x14b: {  	v13 =	vadd.s32 v6, v18;
	v14 =	vand.u32 $0x7, v26  }
0x14c: {  	v14 =	vor.u32 v14, v29;
	_ =	sdelay $0x3  }
0x14d: {  	[tilespmem:v13+s13+$0x0] =	vst.idx.msk $0xffff, v12  }
0x14e: {  	v12 =	vld.idx.msk [tilespmem:v14+s12+$0x0], $0xffff  }
0x14f: {  	v13 =	vadd.s32 v7, v18;
	_ =	sdelay $0x4  }
0x150: {  	[tilespmem:v13+s13+$0x0] =	vst.idx.msk $0xffff, v12  }
0x151: {  	v12 =	vld.idx.msk [tilespmem:v15+s12+$0x0], $0xffff  }
0x152: {  	v10 =	vand.u32 $0x7, v10;
	v13 =	vadd.s32 v8, v18  }
0x153: {  	v10 =	vor.u32 v10, v11;
	_ =	sdelay $0x1  }
.Ltmp2:
0x154: {  	(pc) =	sbr.rel @p0 .LBB2_6-.Ltmp2, $4  }
0x155: {  	_ = 	snop  }
0x156: {  	[tilespmem:v13+s13+$0x0] =	vst.idx.msk $0xffff, v12  }
0x157: {  	v10 =	vld.idx.msk [tilespmem:v10+s12+$0x0], $0xffff  }
0x158: {  	v11 =	vadd.s32 v9, v18  }
0x159: {  	_ =	sdelay $0x3  }
0x15a: {  	s19 =	simm.s32 $0x0;
	[tilespmem:v11+s13+$0x0] =	vst.idx.msk $0xffff, v10  }
0x15b: {  	[hbm4b:s7+s19] =	stream.linear.scatter [tilespmem:s13], [sflag:$0x1], $0x2800, $0x38;
	[tilespmem:$0x1EAA0] =	vst v63  }
0x15c: {  	_ =	swait.ge [sflag:s16], $0x2800  }
0x15d: {  	[sflag:s16] =	ssyncset.done $0x0  }
0x15e: {  	s18 =	simm.s32 $0xC00;
	[sflag:s16] =	ssyncadd.s32 $0xFFFFD800  }
0x15f: {  	v10 =	vld [tilespmem:s18+$0x0];
	_ =	sdelay $0x4  }
0x160: {  	vm0 =	vlt.s32 v10, $0x270F  }
0x161: {  	v10 =	vnsel vm0, $0x270F, v10  }
0x162: {  	v11 =	vand.u32 $0x7, v10  }
0x163: {  	v10 =	vshrl.u32 v10, $0x3;
	v11 =	vmul.u32 $0xA, v11  }
0x164: {  	v10 =	vmul.u32 $0x50, v10  }
0x165: {  	v12 =	vand.u32 $0x78, v11  }
0x166: {  	v13 =	vand.u32 $0x6, v11;
	v12 =	vadd.s32 v10, v12  }
0x167: {  	v14 =	vmov s19;
	v12 =	vor.u32 v13, v12  }
0x168: {  	v14 =	vmul.u32 $0xA0, v14;
	_ =	sdelay $0x1  }
0x169: {  	v14 =	vbroadcast v14, $0x0;
	_ =	sdelay $0x1  }
0x16a: {  	v16 =	vadd.s32 v0, v14;
	v15 =	vld.idx.msk [tilespmem:v12+s12+$0x0], $0xffff  }
0x16b: {  	v12 =	vor.u32 $0x1, v12;
	_ =	sdelay $0x2  }
0x16c: {  	v17 =	vadd.s32 $0x2, v11  }
0x16d: {  	v18 =	vand.u32 $0xF8, v17;
	[tilespmem:v16+s14+$0x0] =	vst.idx.msk $0xffff, v15  }
0x16e: {  	v38 =	vadd.s32 v1, v14;
	v17 =	vand.u32 $0x6, v17;
	v37 =	vadd.s32 v10, v18;
	v12 =	vld.idx.msk [tilespmem:v12+s12+$0x0], $0xffff  }
0x16f: {  	v15 =	vor.u32 v17, v37;
	_ =	sdelay $0x2  }
0x170: {  	v39 =	vadd.s32 $0x3, v11  }
0x171: {  	v40 =	vand.u32 $0xF8, v39;
	[tilespmem:v38+s14+$0x0] =	vst.idx.msk $0xffff, v12  }
0x172: {  	v42 =	vadd.s32 v2, v14;
	v41 =	vadd.s32 v10, v40;
	v17 =	vand.u32 $0x7, v39;
	v15 =	vld.idx.msk [tilespmem:v15+s12+$0x0], $0xffff  }
0x173: {  	v12 =	vor.u32 v17, v41;
	_ =	sdelay $0x2  }
0x174: {  	v43 =	vadd.s32 $0x4, v11  }
0x175: {  	v44 =	vand.u32 $0xF8, v43;
	[tilespmem:v42+s14+$0x0] =	vst.idx.msk $0xffff, v15  }
0x176: {  	v46 =	vadd.s32 v3, v14;
	v45 =	vadd.s32 v10, v44;
	v17 =	vand.u32 $0x6, v43;
	v12 =	vld.idx.msk [tilespmem:v12+s12+$0x0], $0xffff  }
0x177: {  	v15 =	vor.u32 v17, v45;
	_ =	sdelay $0x2  }
0x178: {  	v47 =	vadd.s32 $0x5, v11  }
0x179: {  	v48 =	vand.u32 $0xF8, v47;
	[tilespmem:v46+s14+$0x0] =	vst.idx.msk $0xffff, v12  }
0x17a: {  	v50 =	vadd.s32 v4, v14;
	v49 =	vadd.s32 v10, v48;
	v17 =	vand.u32 $0x7, v47;
	v15 =	vld.idx.msk [tilespmem:v15+s12+$0x0], $0xffff  }
0x17b: {  	v12 =	vor.u32 v17, v49;
	_ =	sdelay $0x2  }
0x17c: {  	v51 =	vadd.s32 $0x6, v11  }
0x17d: {  	v52 =	vand.u32 $0xF8, v51;
	[tilespmem:v50+s14+$0x0] =	vst.idx.msk $0xffff, v15  }
0x17e: {  	v54 =	vadd.s32 v5, v14;
	v53 =	vadd.s32 v10, v52;
	v17 =	vand.u32 $0x6, v51;
	v12 =	vld.idx.msk [tilespmem:v12+s12+$0x0], $0xffff  }
0x17f: {  	v15 =	vor.u32 v17, v53;
	_ =	sdelay $0x2  }
0x180: {  	v55 =	vadd.s32 $0x7, v11  }
0x181: {  	v56 =	vand.u32 $0xF8, v55;
	[tilespmem:v54+s14+$0x0] =	vst.idx.msk $0xffff, v12  }
0x182: {  	v58 =	vadd.s32 v6, v14;
	v57 =	vadd.s32 v10, v56;
	v17 =	vand.u32 $0x7, v55;
	v15 =	vld.idx.msk [tilespmem:v15+s12+$0x0], $0xffff  }
0x183: {  	v12 =	vor.u32 v17, v57;
	_ =	sdelay $0x2  }
0x184: {  	v59 =	vadd.s32 $0x8, v11  }
0x185: {  	v17 =	vand.u32 $0xF8, v59;
	[tilespmem:v58+s14+$0x0] =	vst.idx.msk $0xffff, v15  }
0x186: {  	v61 =	vadd.s32 v7, v14;
	v60 =	vadd.s32 v10, v17;
	v12 =	vld.idx.msk [tilespmem:v12+s12+$0x0], $0xffff  }
0x187: {  	v13 =	vor.u32 v13, v60;
	_ =	sdelay $0x2  }
0x188: {  	v11 =	vadd.s32 $0x9, v11  }
0x189: {  	v62 =	vand.u32 $0xF8, v11;
	[tilespmem:v61+s14+$0x0] =	vst.idx.msk $0xffff, v12  }
0x18a: {  	v63 =	vadd.s32 v8, v14;
	v11 =	vand.u32 $0x7, v11;
	v10 =	vadd.s32 v10, v62;
	v12 =	vld.idx.msk [tilespmem:v13+s12+$0x0], $0xffff  }
0x18b: {  	v10 =	vor.u32 v11, v10;
	_ =	sdelay $0x3  }
0x18c: {  	[tilespmem:v63+s14+$0x0] =	vst.idx.msk $0xffff, v12  }
0x18d: {  	s19 =	simm.s32 $0x1;
	v11 =	vadd.s32 v9, v14;
	v10 =	vld.idx.msk [tilespmem:v10+s12+$0x0], $0xffff  }
.LBB2_8:
0x18e: {  	_ =	sdelay $0x2  }
0x18f: {  	p0 =	sne.s32 s19, $0x3F  }
0x190: {  	s18 =	sadd.s32 $0x10, s18;
	s20 =	smov.u32 s19;
	s19 =	sadd.s32 $0x1, s19;
	[tilespmem:v11+s14+$0x0] =	vst.idx.msk $0xffff, v10  }
0x191: {  	v10 =	vld [tilespmem:s18+$0x0];
	_ =	sdelay $0x4  }
0x192: {  	vm0 =	vlt.s32 v10, $0x270F  }
0x193: {  	v10 =	vnsel vm0, $0x270F, v10  }
0x194: {  	v11 =	vshrl.u32 v10, $0x3;
	v10 =	vand.u32 $0x7, v10  }
0x195: {  	v10 =	vmul.u32 $0xA, v10  }
0x196: {  	v11 =	vmul.u32 $0x50, v11  }
0x197: {  	v12 =	vand.u32 $0x78, v10;
	v13 =	vadd.s32 $0x2, v10;
	v14 =	vadd.s32 $0x3, v10  }
0x198: {  	v15 =	vand.u32 $0x6, v10;
	v12 =	vadd.s32 v11, v12;
	v16 =	vand.u32 $0xF8, v13  }
0x199: {  	v17 =	vand.u32 $0xF8, v14;
	v12 =	vor.u32 v15, v12;
	v16 =	vadd.s32 v11, v16  }
0x19a: {  	v18 =	vmov s20;
	v19 =	vadd.s32 $0x4, v10;
	v17 =	vadd.s32 v11, v17  }
0x19b: {  	v18 =	vmul.u32 $0xA0, v18;
	v21 =	vadd.s32 $0x5, v10;
	v20 =	vand.u32 $0xF8, v19  }
0x19c: {  	v23 =	vadd.s32 $0x6, v10;
	v22 =	vand.u32 $0xF8, v21;
	v20 =	vadd.s32 v11, v20  }
0x19d: {  	v18 =	vbroadcast v18, $0x0;
	v24 =	vand.u32 $0xF8, v23;
	v22 =	vadd.s32 v11, v22  }
0x19e: {  	v26 =	vadd.s32 $0x7, v10;
	v27 =	vadd.s32 $0x8, v10;
	v24 =	vadd.s32 v11, v24;
	v25 =	vld.idx.msk [tilespmem:v12+s12+$0x0], $0xffff  }
0x19f: {  	v28 =	vadd.s32 v0, v18;
	v29 =	vand.u32 $0xF8, v26;
	v27 =	vand.u32 $0xF8, v27  }
0x1a0: {  	v29 =	vadd.s32 v11, v29;
	v27 =	vadd.s32 v11, v27;
	v12 =	vor.u32 $0x1, v12  }
0x1a1: {  	v10 =	vadd.s32 $0x9, v10;
	v15 =	vor.u32 v15, v27  }
0x1a2: {  	v27 =	vand.u32 $0xF8, v10  }
0x1a3: {  	v11 =	vadd.s32 v11, v27  }
0x1a4: {  	[tilespmem:v28+s14+$0x0] =	vst.idx.msk $0xffff, v25  }
0x1a5: {  	v12 =	vld.idx.msk [tilespmem:v12+s12+$0x0], $0xffff  }
0x1a6: {  	v13 =	vand.u32 $0x6, v13;
	v25 =	vadd.s32 v1, v18  }
0x1a7: {  	v13 =	vor.u32 v13, v16;
	_ =	sdelay $0x3  }
0x1a8: {  	[tilespmem:v25+s14+$0x0] =	vst.idx.msk $0xffff, v12  }
0x1a9: {  	v12 =	vld.idx.msk [tilespmem:v13+s12+$0x0], $0xffff  }
0x1aa: {  	v14 =	vand.u32 $0x7, v14;
	v13 =	vadd.s32 v2, v18  }
0x1ab: {  	v14 =	vor.u32 v14, v17;
	_ =	sdelay $0x3  }
0x1ac: {  	[tilespmem:v13+s14+$0x0] =	vst.idx.msk $0xffff, v12  }
0x1ad: {  	v12 =	vld.idx.msk [tilespmem:v14+s12+$0x0], $0xffff  }
0x1ae: {  	v13 =	vadd.s32 v3, v18;
	v14 =	vand.u32 $0x6, v19  }
0x1af: {  	v14 =	vor.u32 v14, v20;
	_ =	sdelay $0x3  }
0x1b0: {  	[tilespmem:v13+s14+$0x0] =	vst.idx.msk $0xffff, v12  }
0x1b1: {  	v12 =	vld.idx.msk [tilespmem:v14+s12+$0x0], $0xffff  }
0x1b2: {  	v13 =	vadd.s32 v4, v18;
	v14 =	vand.u32 $0x7, v21  }
0x1b3: {  	v14 =	vor.u32 v14, v22;
	_ =	sdelay $0x3  }
0x1b4: {  	[tilespmem:v13+s14+$0x0] =	vst.idx.msk $0xffff, v12  }
0x1b5: {  	v12 =	vld.idx.msk [tilespmem:v14+s12+$0x0], $0xffff  }
0x1b6: {  	v13 =	vadd.s32 v5, v18;
	v14 =	vand.u32 $0x6, v23  }
0x1b7: {  	v14 =	vor.u32 v14, v24;
	_ =	sdelay $0x3  }
0x1b8: {  	[tilespmem:v13+s14+$0x0] =	vst.idx.msk $0xffff, v12  }
0x1b9: {  	v12 =	vld.idx.msk [tilespmem:v14+s12+$0x0], $0xffff  }
0x1ba: {  	v13 =	vadd.s32 v6, v18;
	v14 =	vand.u32 $0x7, v26  }
0x1bb: {  	v14 =	vor.u32 v14, v29;
	_ =	sdelay $0x3  }
0x1bc: {  	[tilespmem:v13+s14+$0x0] =	vst.idx.msk $0xffff, v12  }
0x1bd: {  	v12 =	vld.idx.msk [tilespmem:v14+s12+$0x0], $0xffff  }
0x1be: {  	v13 =	vadd.s32 v7, v18;
	_ =	sdelay $0x4  }
0x1bf: {  	[tilespmem:v13+s14+$0x0] =	vst.idx.msk $0xffff, v12  }
0x1c0: {  	v12 =	vld.idx.msk [tilespmem:v15+s12+$0x0], $0xffff  }
0x1c1: {  	v10 =	vand.u32 $0x7, v10;
	v13 =	vadd.s32 v8, v18  }
0x1c2: {  	v10 =	vor.u32 v10, v11;
	_ =	sdelay $0x1  }
.Ltmp3:
0x1c3: {  	(pc) =	sbr.rel @p0 .LBB2_8-.Ltmp3, $4  }
0x1c4: {  	_ = 	snop  }
0x1c5: {  	[tilespmem:v13+s14+$0x0] =	vst.idx.msk $0xffff, v12  }
0x1c6: {  	v10 =	vld.idx.msk [tilespmem:v10+s12+$0x0], $0xffff  }
0x1c7: {  	v11 =	vadd.s32 v9, v18  }
0x1c8: {  	_ =	sdelay $0x3  }
0x1c9: {  	s19 =	simm.s32 $0x0;
	[tilespmem:v11+s14+$0x0] =	vst.idx.msk $0xffff, v10  }
0x1ca: {  	[hbm4b:s8+s19] =	stream.linear.scatter [tilespmem:s14], [sflag:$0x2], $0x2800, $0x38;
	[tilespmem:$0x1EAA0] =	vst v63  }
0x1cb: {  	_ =	swait.ge [sflag:s15], $0x2800  }
0x1cc: {  	[sflag:s15] =	ssyncset.done $0x0  }
0x1cd: {  	s18 =	simm.s32 $0x1000;
	[sflag:s15] =	ssyncadd.s32 $0xFFFFD800  }
0x1ce: {  	v10 =	vld [tilespmem:s18+$0x0];
	_ =	sdelay $0x4  }
0x1cf: {  	vm0 =	vlt.s32 v10, $0x270F  }
0x1d0: {  	v10 =	vnsel vm0, $0x270F, v10  }
0x1d1: {  	v11 =	vand.u32 $0x7, v10  }
0x1d2: {  	v10 =	vshrl.u32 v10, $0x3;
	v11 =	vmul.u32 $0xA, v11  }
0x1d3: {  	v10 =	vmul.u32 $0x50, v10  }
0x1d4: {  	v12 =	vand.u32 $0x78, v11  }
0x1d5: {  	v13 =	vand.u32 $0x6, v11;
	v12 =	vadd.s32 v10, v12  }
0x1d6: {  	v14 =	vmov s19;
	v12 =	vor.u32 v13, v12  }
0x1d7: {  	v14 =	vmul.u32 $0xA0, v14;
	_ =	sdelay $0x1  }
0x1d8: {  	v14 =	vbroadcast v14, $0x0;
	_ =	sdelay $0x1  }
0x1d9: {  	v16 =	vadd.s32 v0, v14;
	v15 =	vld.idx.msk [tilespmem:v12+s12+$0x0], $0xffff  }
0x1da: {  	v12 =	vor.u32 $0x1, v12;
	_ =	sdelay $0x2  }
0x1db: {  	v17 =	vadd.s32 $0x2, v11  }
0x1dc: {  	v18 =	vand.u32 $0xF8, v17;
	[tilespmem:v16+s13+$0x0] =	vst.idx.msk $0xffff, v15  }
0x1dd: {  	v38 =	vadd.s32 v1, v14;
	v17 =	vand.u32 $0x6, v17;
	v37 =	vadd.s32 v10, v18;
	v12 =	vld.idx.msk [tilespmem:v12+s12+$0x0], $0xffff  }
0x1de: {  	v15 =	vor.u32 v17, v37;
	_ =	sdelay $0x2  }
0x1df: {  	v39 =	vadd.s32 $0x3, v11  }
0x1e0: {  	v40 =	vand.u32 $0xF8, v39;
	[tilespmem:v38+s13+$0x0] =	vst.idx.msk $0xffff, v12  }
0x1e1: {  	v42 =	vadd.s32 v2, v14;
	v41 =	vadd.s32 v10, v40;
	v17 =	vand.u32 $0x7, v39;
	v15 =	vld.idx.msk [tilespmem:v15+s12+$0x0], $0xffff  }
0x1e2: {  	v12 =	vor.u32 v17, v41;
	_ =	sdelay $0x2  }
0x1e3: {  	v43 =	vadd.s32 $0x4, v11  }
0x1e4: {  	v44 =	vand.u32 $0xF8, v43;
	[tilespmem:v42+s13+$0x0] =	vst.idx.msk $0xffff, v15  }
0x1e5: {  	v46 =	vadd.s32 v3, v14;
	v45 =	vadd.s32 v10, v44;
	v17 =	vand.u32 $0x6, v43;
	v12 =	vld.idx.msk [tilespmem:v12+s12+$0x0], $0xffff  }
0x1e6: {  	v15 =	vor.u32 v17, v45;
	_ =	sdelay $0x2  }
0x1e7: {  	v47 =	vadd.s32 $0x5, v11  }
0x1e8: {  	v48 =	vand.u32 $0xF8, v47;
	[tilespmem:v46+s13+$0x0] =	vst.idx.msk $0xffff, v12  }
0x1e9: {  	v50 =	vadd.s32 v4, v14;
	v49 =	vadd.s32 v10, v48;
	v17 =	vand.u32 $0x7, v47;
	v15 =	vld.idx.msk [tilespmem:v15+s12+$0x0], $0xffff  }
0x1ea: {  	v12 =	vor.u32 v17, v49;
	_ =	sdelay $0x2  }
0x1eb: {  	v51 =	vadd.s32 $0x6, v11  }
0x1ec: {  	v52 =	vand.u32 $0xF8, v51;
	[tilespmem:v50+s13+$0x0] =	vst.idx.msk $0xffff, v15  }
0x1ed: {  	v54 =	vadd.s32 v5, v14;
	v53 =	vadd.s32 v10, v52;
	v17 =	vand.u32 $0x6, v51;
	v12 =	vld.idx.msk [tilespmem:v12+s12+$0x0], $0xffff  }
0x1ee: {  	v15 =	vor.u32 v17, v53;
	_ =	sdelay $0x2  }
0x1ef: {  	v55 =	vadd.s32 $0x7, v11  }
0x1f0: {  	v56 =	vand.u32 $0xF8, v55;
	[tilespmem:v54+s13+$0x0] =	vst.idx.msk $0xffff, v12  }
0x1f1: {  	v58 =	vadd.s32 v6, v14;
	v57 =	vadd.s32 v10, v56;
	v17 =	vand.u32 $0x7, v55;
	v15 =	vld.idx.msk [tilespmem:v15+s12+$0x0], $0xffff  }
0x1f2: {  	v12 =	vor.u32 v17, v57;
	_ =	sdelay $0x2  }
0x1f3: {  	v59 =	vadd.s32 $0x8, v11  }
0x1f4: {  	v17 =	vand.u32 $0xF8, v59;
	[tilespmem:v58+s13+$0x0] =	vst.idx.msk $0xffff, v15  }
0x1f5: {  	v61 =	vadd.s32 v7, v14;
	v60 =	vadd.s32 v10, v17;
	v12 =	vld.idx.msk [tilespmem:v12+s12+$0x0], $0xffff  }
0x1f6: {  	v13 =	vor.u32 v13, v60;
	_ =	sdelay $0x2  }
0x1f7: {  	v11 =	vadd.s32 $0x9, v11  }
0x1f8: {  	v62 =	vand.u32 $0xF8, v11;
	[tilespmem:v61+s13+$0x0] =	vst.idx.msk $0xffff, v12  }
0x1f9: {  	v63 =	vadd.s32 v8, v14;
	v11 =	vand.u32 $0x7, v11;
	v10 =	vadd.s32 v10, v62;
	v12 =	vld.idx.msk [tilespmem:v13+s12+$0x0], $0xffff  }
0x1fa: {  	v10 =	vor.u32 v11, v10;
	_ =	sdelay $0x3  }
0x1fb: {  	[tilespmem:v63+s13+$0x0] =	vst.idx.msk $0xffff, v12  }
0x1fc: {  	s19 =	simm.s32 $0x1;
	v11 =	vadd.s32 v9, v14;
	v10 =	vld.idx.msk [tilespmem:v10+s12+$0x0], $0xffff  }
.LBB2_10:
0x1fd: {  	_ =	sdelay $0x2  }
0x1fe: {  	p0 =	sne.s32 s19, $0x3F  }
0x1ff: {  	s18 =	sadd.s32 $0x10, s18;
	s20 =	smov.u32 s19;
	s19 =	sadd.s32 $0x1, s19;
	[tilespmem:v11+s13+$0x0] =	vst.idx.msk $0xffff, v10  }
0x200: {  	v10 =	vld [tilespmem:s18+$0x0];
	_ =	sdelay $0x4  }
0x201: {  	vm0 =	vlt.s32 v10, $0x270F  }
0x202: {  	v10 =	vnsel vm0, $0x270F, v10  }
0x203: {  	v11 =	vshrl.u32 v10, $0x3;
	v10 =	vand.u32 $0x7, v10  }
0x204: {  	v10 =	vmul.u32 $0xA, v10  }
0x205: {  	v11 =	vmul.u32 $0x50, v11  }
0x206: {  	v12 =	vand.u32 $0x78, v10;
	v13 =	vadd.s32 $0x2, v10;
	v14 =	vadd.s32 $0x3, v10  }
0x207: {  	v15 =	vand.u32 $0x6, v10;
	v12 =	vadd.s32 v11, v12;
	v16 =	vand.u32 $0xF8, v13  }
0x208: {  	v17 =	vand.u32 $0xF8, v14;
	v12 =	vor.u32 v15, v12;
	v16 =	vadd.s32 v11, v16  }
0x209: {  	v18 =	vmov s20;
	v19 =	vadd.s32 $0x4, v10;
	v17 =	vadd.s32 v11, v17  }
0x20a: {  	v18 =	vmul.u32 $0xA0, v18;
	v21 =	vadd.s32 $0x5, v10;
	v20 =	vand.u32 $0xF8, v19  }
0x20b: {  	v23 =	vadd.s32 $0x6, v10;
	v22 =	vand.u32 $0xF8, v21;
	v20 =	vadd.s32 v11, v20  }
0x20c: {  	v18 =	vbroadcast v18, $0x0;
	v24 =	vand.u32 $0xF8, v23;
	v22 =	vadd.s32 v11, v22  }
0x20d: {  	v26 =	vadd.s32 $0x7, v10;
	v27 =	vadd.s32 $0x8, v10;
	v24 =	vadd.s32 v11, v24;
	v25 =	vld.idx.msk [tilespmem:v12+s12+$0x0], $0xffff  }
0x20e: {  	v28 =	vadd.s32 v0, v18;
	v29 =	vand.u32 $0xF8, v26;
	v27 =	vand.u32 $0xF8, v27  }
0x20f: {  	v29 =	vadd.s32 v11, v29;
	v27 =	vadd.s32 v11, v27;
	v12 =	vor.u32 $0x1, v12  }
0x210: {  	v10 =	vadd.s32 $0x9, v10;
	v15 =	vor.u32 v15, v27  }
0x211: {  	v27 =	vand.u32 $0xF8, v10  }
0x212: {  	v11 =	vadd.s32 v11, v27  }
0x213: {  	[tilespmem:v28+s13+$0x0] =	vst.idx.msk $0xffff, v25  }
0x214: {  	v12 =	vld.idx.msk [tilespmem:v12+s12+$0x0], $0xffff  }
0x215: {  	v13 =	vand.u32 $0x6, v13;
	v25 =	vadd.s32 v1, v18  }
0x216: {  	v13 =	vor.u32 v13, v16;
	_ =	sdelay $0x3  }
0x217: {  	[tilespmem:v25+s13+$0x0] =	vst.idx.msk $0xffff, v12  }
0x218: {  	v12 =	vld.idx.msk [tilespmem:v13+s12+$0x0], $0xffff  }
0x219: {  	v14 =	vand.u32 $0x7, v14;
	v13 =	vadd.s32 v2, v18  }
0x21a: {  	v14 =	vor.u32 v14, v17;
	_ =	sdelay $0x3  }
0x21b: {  	[tilespmem:v13+s13+$0x0] =	vst.idx.msk $0xffff, v12  }
0x21c: {  	v12 =	vld.idx.msk [tilespmem:v14+s12+$0x0], $0xffff  }
0x21d: {  	v13 =	vadd.s32 v3, v18;
	v14 =	vand.u32 $0x6, v19  }
0x21e: {  	v14 =	vor.u32 v14, v20;
	_ =	sdelay $0x3  }
0x21f: {  	[tilespmem:v13+s13+$0x0] =	vst.idx.msk $0xffff, v12  }
0x220: {  	v12 =	vld.idx.msk [tilespmem:v14+s12+$0x0], $0xffff  }
0x221: {  	v13 =	vadd.s32 v4, v18;
	v14 =	vand.u32 $0x7, v21  }
0x222: {  	v14 =	vor.u32 v14, v22;
	_ =	sdelay $0x3  }
0x223: {  	[tilespmem:v13+s13+$0x0] =	vst.idx.msk $0xffff, v12  }
0x224: {  	v12 =	vld.idx.msk [tilespmem:v14+s12+$0x0], $0xffff  }
0x225: {  	v13 =	vadd.s32 v5, v18;
	v14 =	vand.u32 $0x6, v23  }
0x226: {  	v14 =	vor.u32 v14, v24;
	_ =	sdelay $0x3  }
0x227: {  	[tilespmem:v13+s13+$0x0] =	vst.idx.msk $0xffff, v12  }
0x228: {  	v12 =	vld.idx.msk [tilespmem:v14+s12+$0x0], $0xffff  }
0x229: {  	v13 =	vadd.s32 v6, v18;
	v14 =	vand.u32 $0x7, v26  }
0x22a: {  	v14 =	vor.u32 v14, v29;
	_ =	sdelay $0x3  }
0x22b: {  	[tilespmem:v13+s13+$0x0] =	vst.idx.msk $0xffff, v12  }
0x22c: {  	v12 =	vld.idx.msk [tilespmem:v14+s12+$0x0], $0xffff  }
0x22d: {  	v13 =	vadd.s32 v7, v18;
	_ =	sdelay $0x4  }
0x22e: {  	[tilespmem:v13+s13+$0x0] =	vst.idx.msk $0xffff, v12  }
0x22f: {  	v12 =	vld.idx.msk [tilespmem:v15+s12+$0x0], $0xffff  }
0x230: {  	v10 =	vand.u32 $0x7, v10;
	v13 =	vadd.s32 v8, v18  }
0x231: {  	v10 =	vor.u32 v10, v11;
	_ =	sdelay $0x1  }
.Ltmp4:
0x232: {  	(pc) =	sbr.rel @p0 .LBB2_10-.Ltmp4, $4  }
0x233: {  	_ = 	snop  }
0x234: {  	[tilespmem:v13+s13+$0x0] =	vst.idx.msk $0xffff, v12  }
0x235: {  	v10 =	vld.idx.msk [tilespmem:v10+s12+$0x0], $0xffff  }
0x236: {  	v11 =	vadd.s32 v9, v18  }
0x237: {  	_ =	sdelay $0x3  }
0x238: {  	s17 =	sadd.s32 $0x1, s17;
	[tilespmem:v11+s13+$0x0] =	vst.idx.msk $0xffff, v10  }
0x239: {  	[hbm4b:s9+s2] =	stream.linear.scatter [tilespmem:s13], [sflag:$0x1], $0x2800, $0x38;
	[tilespmem:$0x1EAA0] =	vst v63  }
0x23a: {  	p0 =	sne.s32 s17, s10;
	_ =	swait.ge [sflag:s16], $0x2800  }
.Ltmp5:
0x23b: {  	[sflag:s16] =	ssyncset.done $0x0;
	(pc) =	sbr.rel @p0 .LBB2_1-.Ltmp5, $4  }
0x23c: {  	[sflag:s16] =	ssyncadd.s32 $0xFFFFD800  }
0x23d: {  	_ =	swait.ge [sflag:s15], $0x2800  }
0x23e: {  	[sflag:s15] =	ssyncset.done $0x0  }
0x23f: {  	[sflag:s15] =	ssyncadd.s32 $0xFFFFD800  }
0x240: {  	_ =	sfence.sel $0x180000  }
0x241: {  	[bflag:$0x0] =	sbarrier.arrive $0xFFFF  }
0x242: {  	p0 =	sne.s32 s0, $0x0;
	_ =	strace $0x9000004A  }
0x243: {  	s0 =	sadd.s32 @!p0 $0x100000, s1;
	[bflag:$0x2] =	sbarrier.arrive $0xFFFF  }
0x244: {  	[sflag:s0] =	ssyncadd.tile.s32 @!p0 $0x1;
	_ =	shalt  }
.Lfunc_end2:
_tile_overlayer_lowered:
.L_overlay_start_2:
0x245: {  	(tag) =	ssettag $0x2  }
0x246: {  	s0 =	rddreg [dreg:$0x0];
	s2 =	stileid.u32  }
0x247: {  	s1 =	rddreg [dreg:$0x1];
	p0 =	sne.s32 s2, $0x0  }
0x248: {  	s3 =	rddreg [dreg:$0x2];
	[bflag:$0x3] =	sbarrier.arrive $0xFFFF;
	s2 =	simm.s32 @!p0 $0x1C03  }
0x249: {  	[timem:s3], [sflag:s2] =	dma.local @!p0 [hbm:s0], s1  }
0x24a: {  	s0 =	simm.s32 @!p0 $0x3  }
0x24b: {  	_ =	swait.ge @!p0 [sflag:s0], s1  }
0x24c: {  	s1 =	ssub.s32 @!p0 $0x0, s1;
	[sflag:s0] =	ssyncset.done @!p0 $0x0  }
0x24d: {  	[sflag:s0] =	ssyncadd.s32 @!p0 s1  }
0x24e: {  	[bflag:$0x3] =	sbarrier.arrive $0xFFFF  }
0x24f: {  	_ =	shalt  }

// kernel: kernel.7.cloned.1.call-start
scs
__scs_entry_jumppad:
0x0: {  	(pc) =	sbr.rel $0x88, $3  }
0x1: {  	(tag) =	ssettag $0x0;
	lr =	simm.s32 $0x1  }
0x2: {  	[smem:$0x3F94] =	sst lr;
	_ =	strace $0xD0000000  }
0x3: {  	_ = 	snop  }
0x4: {  	_ = 	snop  }
0x5: {  	_ = 	snop  }
0x6: {  	_ = 	snop  }
0x7: {  	_ = 	snop  }
__scs_overlays_trampoline_lowered:
0x8: {  	[smem:$0x3FA3] =	sst s0  }
0x9: {  	[smem:$0x3FA4] =	sst s1  }
0xa: {  	[smem:$0x3FA5] =	sst s2  }
0xb: {  	[smem:$0x3FA6] =	sst s3  }
0xc: {  	[smem:$0x3FA7] =	sst s4  }
0xd: {  	[smem:$0x3FA8] =	sst s5  }
0xe: {  	[smem:$0x3FA9] =	sst s6  }
0xf: {  	[smem:$0x3FAA] =	sst s7  }
0x10: {  	[smem:$0x3FAB] =	sst s8  }
0x11: {  	[smem:$0x3FAC] =	sst s9;
	s0 =	simm.s32 @!p0 $0x0  }
0x12: {  	s1 =	sld [smem:$0x3F92];
	s0 =	simm.s32 @p0 $0x1  }
0x13: {  	[smem:$0x3FAD] =	sst s0;
	s0 =	simm.s32 @!p1 $0x0  }
0x14: {  	s2 =	sld [smem:$0x3F91];
	s0 =	simm.s32 @p1 $0x1  }
0x15: {  	[smem:$0x3FAE] =	sst s0;
	s0 =	simm.s32 @!p2 $0x0  }
0x16: {  	s3 =	sld [smem:$0x3FDB];
	s0 =	simm.s32 @p2 $0x1  }
0x17: {  	s4 =	simm.s32 $0x1BF5;
	[smem:$0x3FB0] =	sst s0  }
0x18: {  	s0 =	sld [smem:$0x3F93];
	_ =	swait.ge [sflag:s4], $0x0  }
0x19: {  	s7 =	sld [smem:$0x3F94]  }
0x1a: {  	s8 =	sadd.s32 $0xFFFFE003, lr  }
0x1b: {  	s9 =	sadd.s32 $0xFFFFFEF7, lr;
	s5 =	simm.s32 $0xFFFFFFFF;
	p2 =	slt.u32 s8, $0xFFFFF086  }
0x1c: {  	p1 =	slt.u32 s9, $0xF7A;
	s5 =	simm.s32 @!p2 $0x0  }
0x1d: {  	s5 =	simm.s32 @p1 $0x1;
	p0 =	seq.s32 s7, s2  }
0x1e: {  	s7 =	smul.u32 @!p0 $0xF7A, s2;
	p2 =	seq.s32 @!p0 s5, $0x0  }
0x1f: {  	s9 =	smul.u32 $0xF7A, s1;
	s8 =	simm.s32 @!p0 $0x1BF5;
	p2 =	por !p2, p0  }
0x20: {  	[sflag:s8] =	ssyncset.s32 @!p0 $0xFFFFF086;
	s6 =	sadd.s32 @!p0 s3, s7;
	s7 =	simm.s32 @!p0 $0x108  }
0x21: {  	s3 =	sadd.s32 s3, s9;
	s6 =	sadd.s32 @!p0 $0x88, s6;
	s7 =	simm.s32 @p2 $0x1082  }
0x22: {  	[simem:s7], [sflag:s8] =	dma.local @!p0 [hbm:s6], $0xF7A  }
0x23: {  	s9 =	sor.u32 $0xD0000000, s2;
	s6 =	simm.s32 $0x108;
	_ =	swait.ge @!p0 [sflag:s8], $0x0  }
0x24: {  	s3 =	sadd.s32 $0x88, s3;
	s6 =	simm.s32 @!p1 $0x1082;
	[sflag:s4] =	ssyncset.s32 $0xFFFFF086  }
0x25: {  	[simem:s6], [sflag:s4] =	dma.local [hbm:s3], $0xF7A  }
0x26: {  	[smem:$0x3F94] =	sst s1;
	(tag) =	ssettag s2;
	_ =	strace s9  }
0x27: {  	s1 =	sld [smem:$0x3FA4]  }
0x28: {  	s2 =	sld [smem:$0x3FA5]  }
0x29: {  	s4 =	sld [smem:$0x3FA7]  }
0x2a: {  	p0 =	seq.s32 s5, $0x0;
	s5 =	sld [smem:$0x3FA8]  }
0x2b: {  	s6 =	sld [smem:$0x3FA9]  }
0x2c: {  	s7 =	sld [smem:$0x3FAA]  }
0x2d: {  	s3 =	simm.s32 $0x108;
	s8 =	sld [smem:$0x3FAB]  }
0x2e: {  	s3 =	simm.s32 @!p0 $0x1082;
	s9 =	sld [smem:$0x3FAC]  }
0x2f: {  	lr =	sadd.s32 s0, s3;
	s0 =	sld [smem:$0x3FA3]  }
0x30: {  	s3 =	sld [smem:$0x3FA6]  }
0x31: {  	[smem:$0x3FAF] =	sst s10  }
0x32: {  	s10 =	sld [smem:$0x3FAD];
	_ =	sdelay $0x3  }
0x33: {  	p0 =	seq.s32 s10, $0x1;
	s10 =	sld [smem:$0x3FAF];
	_ =	sdelay $0x3  }
0x34: {  	[smem:$0x3FAF] =	sst s10  }
0x35: {  	s10 =	sld [smem:$0x3FAE];
	_ =	sdelay $0x3  }
0x36: {  	p1 =	seq.s32 s10, $0x1;
	s10 =	sld [smem:$0x3FAF];
	_ =	sdelay $0x3  }
0x37: {  	[smem:$0x3FAF] =	sst s10  }
0x38: {  	s10 =	sld [smem:$0x3FB0]  }
0x39: {  	_ = 	snop;
	(pc) =	sbr.ind lr, $3  }
0x3a: {  	_ = 	snop  }
0x3b: {  	_ = 	snop  }
0x3c: {  	p2 =	seq.s32 s10, $0x1;
	s10 =	sld [smem:$0x3FAF]  }
0x3d: {  	_ =	shalt  }
0x3e: {  	_ =	shalt  }
0x3f: {  	_ =	shalt  }
0x40: {  	_ =	shalt  }
0x41: {  	_ =	shalt  }
0x42: {  	_ =	shalt  }
0x43: {  	_ =	shalt  }
0x44: {  	_ =	shalt  }
0x45: {  	_ =	shalt  }
0x46: {  	_ =	shalt  }
0x47: {  	_ =	shalt  }
0x48: {  	_ =	shalt  }
0x49: {  	_ =	shalt  }
0x4a: {  	_ =	shalt  }
0x4b: {  	_ =	shalt  }
0x4c: {  	_ =	shalt  }
0x4d: {  	_ =	shalt  }
0x4e: {  	_ =	shalt  }
0x4f: {  	_ =	shalt  }
0x50: {  	_ =	shalt  }
0x51: {  	_ =	shalt  }
0x52: {  	_ =	shalt  }
0x53: {  	_ =	shalt  }
0x54: {  	_ =	shalt  }
0x55: {  	_ =	shalt  }
0x56: {  	_ =	shalt  }
0x57: {  	_ =	shalt  }
0x58: {  	_ =	shalt  }
0x59: {  	_ =	shalt  }
0x5a: {  	_ =	shalt  }
0x5b: {  	_ =	shalt  }
0x5c: {  	_ =	shalt  }
0x5d: {  	_ =	shalt  }
0x5e: {  	_ =	shalt  }
0x5f: {  	_ =	shalt  }
0x60: {  	_ =	shalt  }
0x61: {  	_ =	shalt  }
0x62: {  	_ =	shalt  }
0x63: {  	_ =	shalt  }
0x64: {  	_ =	shalt  }
0x65: {  	_ =	shalt  }
0x66: {  	_ =	shalt  }
0x67: {  	_ =	shalt  }
0x68: {  	_ =	shalt  }
0x69: {  	_ =	shalt  }
0x6a: {  	_ =	shalt  }
0x6b: {  	_ =	shalt  }
0x6c: {  	_ =	shalt  }
0x6d: {  	_ =	shalt  }
0x6e: {  	_ =	shalt  }
0x6f: {  	_ =	shalt  }
0x70: {  	_ =	shalt  }
0x71: {  	_ =	shalt  }
0x72: {  	_ =	shalt  }
0x73: {  	_ =	shalt  }
0x74: {  	_ =	shalt  }
0x75: {  	_ =	shalt  }
0x76: {  	_ =	shalt  }
0x77: {  	_ =	shalt  }
0x78: {  	_ =	shalt  }
0x79: {  	_ =	shalt  }
0x7a: {  	_ =	shalt  }
0x7b: {  	_ =	shalt  }
0x7c: {  	_ =	shalt  }
0x7d: {  	_ =	shalt  }
0x7e: {  	_ =	shalt  }
0x7f: {  	_ =	shalt  }
0x80: {  	_ =	shalt  }
0x81: {  	_ =	shalt  }
0x82: {  	_ =	shalt  }
0x83: {  	_ =	shalt  }
0x84: {  	_ =	shalt  }
0x85: {  	_ =	shalt  }
0x86: {  	_ =	shalt  }
0x87: {  	_ =	shalt  }
.Lfunc_end0:
.L_simem_size_0:
called_computation_lowered:
.L_overlay_start_0:
0x88: {  	s2 =	sld [smem:$0x3FD9]  }
0x89: {  	s3 =	sld [smem:$0x3FFE];
	_ =	sdelay $0x1  }
0x8a: {  	s1 =	srdreg.scid  }
0x8b: {  	s0 =	sand.u32 $0x1, s1  }
0x8c: {  	s16 =	sshll.u32 s0, $0xA;
	s2 =	sadd.s32 s3, s2  }
0x8d: {  	s2 =	sadd.s32 s2, s16  }
0x8e: {  	[smem:$0x3FBB] =	sst s2  }
0x8f: {  	_ = 	snop  }
0x90: {  	(tm) =	ssettm $0x1  }
0x91: {  	s17 =	sld [smem:$0x3FFB];
	_ =	sdelay $0x3  }
0x92: {  	_ =	strace s17  }
0x93: {  	s2 =	sld [smem:$0x3FFC];
	_ =	sdelay $0x3  }
0x94: {  	_ =	strace s2  }
0x95: {  	s2 =	sld [smem:$0x3FFD];
	_ =	sdelay $0x3  }
0x96: {  	_ =	strace s2  }
0x97: {  	_ =	strace $0x8FFFFFFF  }
0x98: {  	s18 =	sld [smem:$0x3FDB];
	_ =	sdelay $0x1  }
0x99: {  	s19 =	simm.s32 $_scs_section_size  }
0x9a: {  	s4 =	simm.s32 $_size__tile_overlayer_lowered;
	s5 =	simm.s32 $_tile_overlayer_lowered  }
0x9b: {  	s22 =	simm.s32 $0x1BFF;
	s21 =	sshll.u32 s5, $0x1;
	s2 =	sadd.s32 s19, s18  }
0x9c: {  	s6 =	simm.s32 $0x0;
	s20 =	sshll.u32 s4, $0x1;
	s4 =	sadd.s32 s21, s2  }
0x9d: {  	[timem:s6], [sflag:s22] =	dma.local [hbm:s4], s20  }
0x9e: {  	_ =	swait.ge [sflag:s22], s20  }
0x9f: {  	s3 =	ssub.s32 $0x0, s20;
	[sflag:s22] =	ssyncset.done $0x0  }
0xa0: {  	[sflag:s22] =	ssyncadd.s32 s3;
	_ =	sdelay $0x1  }
0xa1: {  	s23 =	simm.s32 $0x1B8B  }
0xa2: {  	_ =	swait.ge [sflag:s23], $0x1  }
0xa3: {  	[sflag:s23] =	ssyncset.done $0x0  }
0xa4: {  	s25 =	simm.s32 $0x1B8E;
	s24 =	sld [smem:$0x3FFE];
	[sflag:s23] =	ssyncadd.s32 $0xFFFFFFFF  }
0xa5: {  	s26 =	simm.s32 $execute0_lowered;
	[smem:$0x3FD2] =	sst s25  }
0xa6: {  	s4 =	sshll.u32 s26, $0x1;
	_ =	strace $0x80000046;
	[dreg:$0x1] =	wrdreg $0xFFFFFFFF  }
0xa7: {  	s28 =	simm.s32 $_size_execute0_lowered;
	s2 =	sadd.s32 s2, s4;
	[dreg:$0x0] =	wrdreg $0x0  }
0xa8: {  	s4 =	sshll.u32 s28, $0x1;
	[dreg:$0x2] =	wrdreg s2  }
0xa9: {  	[dreg:$0x3] =	wrdreg s4  }
0xaa: {  	[dreg:$0x4] =	wrdreg $0xC0  }
0xab: {  	_ =	task [dreg:s6], $0x5FFFF  }
0xac: {  	[dreg:$0x1] =	wrdreg $0xFFFFFFFF  }
0xad: {  	[dreg:$0x0] =	wrdreg $0x60  }
0xae: {  	[dreg:$0x2] =	wrdreg s24  }
0xaf: {  	[dreg:$0x3] =	wrdreg $0x9  }
0xb0: {  	_ =	task.clear_ibuf [dreg:s6], $0x4FFFF;
	_ =	strace $0x90000046  }
0xb1: {  	s29 =	simm.s32 $0x9;
	_ =	strace $0x80000048  }
0xb2: {  	_ =	swait.ge [sflag:s29], $0x1  }
0xb3: {  	[sflag:s29] =	ssyncadd.s32 $0xFFFFFFFF  }
0xb4: {  	_ =	strace $0x90000048  }
0xb5: {  	_ =	sfence  }
0xb6: {  	s30 =	sld [smem:$0x0];
	_ =	sdelay $0x2  }
0xb7: {  	s31 =	sshll.u32 s1, $0xD;
	s1 =	sshrl.u32 s1, $0x2  }
0xb8: {  	s3 =	sand.u32 $0x4000, s31;
	s1 =	sadd.s32 s1, s30  }
0xb9: {  	s0 =	sor.u32 s3, s0;
	s1 =	sshll.u32 s1, $0x11  }
0xba: {  	s0 =	sor.u32 s1, s0  }
0xbb: {  	s0 =	sadd.s32 $0x8F2B, s0  }
0xbc: {  	[sflag:s0] =	ssyncadd.remote.s32 $0x1  }
0xbd: {  	_ =	sfence.sel $0xFFFF  }
0xbe: {  	[dreg:$0x0] =	wrdreg $0xFFFFFFFF;
	(pc) =	sbr.abs _section_cstart, $3  }
0xbf: {  	[dreg:$0x1] =	wrdreg $0xFFFFFFFF  }
0xc0: {  	_ =	task.clear_ibuf [dreg:s6], $0x2FFFF;
	_ =	strace $0x9FFFFFFF  }
0xc1: {  	(tm) =	ssettm $0x7FFFFFFF  }
tec
execute0_lowered:
.L_overlay_start_1:
0x0: {  	(tag) =	ssettag $0x1  }
0x1: {  	s1 =	srdreg.scid;
	s0 =	stileid.u32  }
0x2: {  	s4 =	rddreg [dreg:$0x0];
	s2 =	simm.s32 $0x0;
	s9 =	simm.s32 $0x3C00  }
0x3: {  	s3 =	sand.u32 $0x1, s1;
	s5 =	sshll.u32 s0, $0x1;
	s1 =	rddreg [dreg:$0x1]  }
0x4: {  	s10 =	simm.s32 $0x0;
	[smem:$0x7FF] =	sst s2;
	s5 =	sor.u32 s3, s5  }
0x5: {  	s7 =	ssub.s32 $0x2, s3;
	_ =	strace $0x80000047;
	s6 =	smul.u32 $0x280, s5  }
0x6: {  	s3 =	sadd.s32 $0x2800, s4;
	s8 =	sshrl.u32 s7, $0x1;
	s5 =	smul.u32 $0x140, s5  }
0x7: {  	s7 =	ssub.s32 s7, s8;
	s8 =	simm.s32 $0x1;
	s6 =	sadd.s32 s6, s4  }
0x8: {  	v0 =	vimm.f32 $0.0e+00;
	v1 =	vimm.f32 $1.000000000e+00;
	s4 =	sadd.s32 $0x7FE00, s4;
	s7 =	smax.u32 s7, $0x1;
	s6 =	sadd.s32 $0x7AE00, s6  }
.LBB2_1:
0x9: {  	[tilespmem:s2], [sflag:$0x1] =	stream.linear.gather [hbm4b:s3+s2], $0x2800, $0x38;
	[tilespmem:$0x4A00] =	vst v63  }
0xa: {  	_ =	swait.ge [sflag:s8], $0x2800  }
0xb: {  	[sflag:s8] =	ssyncset.done $0x0  }
0xc: {  	s11 =	simm.s32 $0x2800;
	[sflag:s8] =	ssyncadd.s32 $0xFFFFD800  }
0xd: {  	[tilespmem:s11], [sflag:$0x1] =	stream.linear.gather [hbm4b:s6+s2], $0x1400, $0x38;
	[tilespmem:$0x4A00] =	vst v63  }
0xe: {  	_ =	swait.ge [sflag:s8], $0x1400  }
0xf: {  	[sflag:s8] =	ssyncset.done $0x0  }
0x10: {  	s12 =	simm.s32 $0x0;
	[sflag:s8] =	ssyncadd.s32 $0xFFFFEC00  }
.LBB2_2:
0x11: {  	s13 =	simm.s32 $0x0;
	s14 =	simm.s32 $0x3C30;
	s15 =	smov.u32 s11  }
.LBB2_3:
0x12: {  	v2 =	vld [tilespmem:s15+$0x0];
	_ =	sdelay $0x7  }
0x13: {  	v2 =	vld.idx.msk [tilespmem:v2+s2+$0x0], $0xffff  }
0x14: {  	v3 =	vmov s13  }
0x15: {  	v3 =	vmul.u32 $0x70, v3;
	_ =	sdelay $0x1  }
0x16: {  	v3 =	vbroadcast v3, $0x0  }
0x17: {  	[tilespmem:s14+$0xFFFFFFD0] =	vst v0;
	v4 =	vand.u32 $0xFFFFFFF8, v2  }
0x18: {  	[tilespmem:s14+$0xFFFFFFE0] =	vst v0;
	v2 =	vand.u32 $0x7, v2;
	v3 =	vadd.s32 v3, v4  }
0x19: {  	p0 =	sne.s32 s13, $0x1F;
	[tilespmem:s14+$0xFFFFFFF0] =	vst v0;
	v2 =	vor.u32 v2, v3  }
.Ltmp0:
0x1a: {  	[tilespmem:s14+$0x0] =	vst v0;
	(pc) =	sbr.rel @p0 .LBB2_3-.Ltmp0, $4  }
0x1b: {  	[tilespmem:s14+$0x10] =	vst v0  }
0x1c: {  	[tilespmem:s14+$0x20] =	vst v0  }
0x1d: {  	[tilespmem:s14+$0x30] =	vst v0  }
0x1e: {  	s15 =	sadd.s32 $0x10, s15;
	s13 =	sadd.s32 $0x1, s13;
	s14 =	sadd.s32 $0x70, s14;
	[tilespmem:v2+s9+$0x0] =	vst.idx.add.f32.msk $0xffff, v1  }
0x1f: {  	s13 =	sshll.u32 s12, $0x5  }
0x20: {  	s13 =	sadd.s32 s5, s13  }
0x21: {  	s12 =	sadd.s32 $0x1, s12;
	s13 =	smul.u32 $0xE, s13  }
0x22: {  	p0 =	sne.s32 s12, $0xA  }
.Ltmp1:
0x23: {  	s13 =	sadd.s32 s4, s13;
	(pc) =	sbr.rel @p0 .LBB2_2-.Ltmp1, $4  }
0x24: {  	[hbm4b:s13+s2] =	stream.linear.scatter [tilespmem:s9], [sflag:$0x1], $0xE00, $0x38;
	[tilespmem:$0x4A00] =	vst v63  }
0x25: {  	_ =	swait.ge [sflag:s8], $0xE00  }
0x26: {  	[sflag:s8] =	ssyncset.done $0x0  }
0x27: {  	s11 =	sadd.s32 $0x200, s11;
	[sflag:s8] =	ssyncadd.s32 $0xFFFFF200  }
0x28: {  	s10 =	sadd.s32 $0x1, s10  }
0x29: {  	p0 =	sne.s32 s10, s7  }
.Ltmp2:
0x2a: {  	_ = 	snop;
	(pc) =	sbr.rel @p0 .LBB2_1-.Ltmp2, $1  }
0x2b: {  	_ =	sdelay $0x3  }
0x2c: {  	_ =	sfence.sel $0x180000  }
0x2d: {  	[bflag:$0x0] =	sbarrier.arrive $0xFFFF  }
0x2e: {  	p0 =	sne.s32 s0, $0x0;
	_ =	strace $0x90000047  }
0x2f: {  	s0 =	sadd.s32 @!p0 $0x100000, s1;
	[bflag:$0x2] =	sbarrier.arrive $0xFFFF  }
0x30: {  	[sflag:s0] =	ssyncadd.tile.s32 @!p0 $0x1;
	_ =	shalt  }
.Lfunc_end2:
_tile_overlayer_lowered:
.L_overlay_start_2:
0x31: {  	(tag) =	ssettag $0x2  }
0x32: {  	s0 =	rddreg [dreg:$0x0];
	s2 =	stileid.u32  }
0x33: {  	s1 =	rddreg [dreg:$0x1];
	p0 =	sne.s32 s2, $0x0  }
0x34: {  	s3 =	rddreg [dreg:$0x2];
	[bflag:$0x3] =	sbarrier.arrive $0xFFFF;
	s2 =	simm.s32 @!p0 $0x1C01  }
0x35: {  	[timem:s3], [sflag:s2] =	dma.local @!p0 [hbm:s0], s1  }
0x36: {  	s0 =	simm.s32 @!p0 $0x1  }
0x37: {  	_ =	swait.ge @!p0 [sflag:s0], s1  }
0x38: {  	s1 =	ssub.s32 @!p0 $0x0, s1;
	[sflag:s0] =	ssyncset.done @!p0 $0x0  }
0x39: {  	[sflag:s0] =	ssyncadd.s32 @!p0 s1  }
0x3a: {  	[bflag:$0x3] =	sbarrier.arrive $0xFFFF  }
0x3b: {  	_ =	shalt  }

</sc_bundles>
